<compile_context>
chip_gen: v7x
topology: tpu7x:2x2x1
jax: 0.10.2.dev20260603
libtpu: 0.0.44.dev20260713+nightly
codegen_flags: <defaults>
</compile_context>

<pallas_src>
import functools

import jax
import jax.numpy as jnp
from jax import lax
from jax.experimental import pallas as pl
from jax.experimental.pallas import tpu as pltpu
from jax.experimental.pallas import tpu_sc as plsc

N = 10000
E = 320000
D = 128
DO = 64

NC = 2
NS = 16
NW = NC * NS
EPT = E // NW
CH = 80
NCH = EPT // CH
NPAD = 10240
CHP = 128
EPTP = 10240
NCHP = EPTP // CHP
ZR = NPAD // NS
OR = N // NS

_mesh = plsc.VectorSubcoreMesh(core_axis_name="c", subcore_axis_name="s")

_f32 = jnp.float32
_i32 = jnp.int32


@functools.partial(
    pl.kernel,
    out_type=[jax.ShapeDtypeStruct((NC, NPAD), _f32),
              jax.ShapeDtypeStruct((NC, NPAD), _f32)],
    mesh=_mesh,
    compiler_params=pltpu.CompilerParams(needs_layout_passes=False),
    scratch_types=[
        pltpu.VMEM((NCH, CH), _i32),
        pltpu.VMEM((NCH, CH), _i32),
        pltpu.VMEM((NPAD,), _f32),
        pltpu.VMEM((NPAD,), _f32),
        pltpu.VMEM((ZR,), _f32),
        pltpu.VMEM((ZR,), _f32),
        pltpu.VMEM((ZR,), _f32),
        pltpu.VMEM((ZR,), _f32),
        pltpu.VMEM_SHARED((NS, 2, NPAD), _f32),
    ],
)
def _sc_degrees(src_hbm, dst_hbm, dego_out, degi_out,
                src_v, dst_v, dego_v, degi_v,
                acco_v, acci_v, tmpo_v, tmpi_v, slots):
    c = lax.axis_index("c")
    s = lax.axis_index("s")
    wid = s * NC + c
    pltpu.sync_copy(src_hbm.at[wid], src_v)
    pltpu.sync_copy(dst_hbm.at[wid], dst_v)
    z16 = jnp.zeros((16,), _f32)

    def zloop(i, _):
        dego_v[pl.ds(i * 16, 16)] = z16
        degi_v[pl.ds(i * 16, 16)] = z16
        return 0
    lax.fori_loop(0, NPAD // 16, zloop, 0)

    ones16 = jnp.ones((16,), _f32)

    def eloop(i, _):
        for j in range(CH // 16):
            sv = src_v[i, pl.ds(j * 16, 16)]
            dv = dst_v[i, pl.ds(j * 16, 16)]
            plsc.addupdate_scatter(dego_v, [sv], ones16)
            plsc.addupdate_scatter(degi_v, [dv], ones16)
        return 0
    lax.fori_loop(0, NCH, eloop, 0)

    pltpu.sync_copy(dego_v, slots.at[s, 0])
    pltpu.sync_copy(degi_v, slots.at[s, 1])
    plsc.subcore_barrier()

    pltpu.sync_copy(slots.at[0, 0, pl.ds(s * ZR, ZR)], acco_v)
    pltpu.sync_copy(slots.at[0, 1, pl.ds(s * ZR, ZR)], acci_v)

    def red(p, _):
        pltpu.sync_copy(slots.at[p, 0, pl.ds(s * ZR, ZR)], tmpo_v)
        pltpu.sync_copy(slots.at[p, 1, pl.ds(s * ZR, ZR)], tmpi_v)
        for k in range(ZR // 16):
            dk = pl.ds(k * 16, 16)
            acco_v[dk] = acco_v[dk] + tmpo_v[dk]
            acci_v[dk] = acci_v[dk] + tmpi_v[dk]
        return 0
    lax.fori_loop(1, NS, red, 0)

    pltpu.sync_copy(acco_v, dego_out.at[c, pl.ds(s * ZR, ZR)])
    pltpu.sync_copy(acci_v, degi_out.at[c, pl.ds(s * ZR, ZR)])


@functools.partial(
    pl.kernel,
    out_type=[jax.ShapeDtypeStruct((NC, NPAD, D), _f32),
              jax.ShapeDtypeStruct((NW, NPAD), _f32)],
    mesh=_mesh,
    compiler_params=pltpu.CompilerParams(needs_layout_passes=False),
    scratch_types=[
        pltpu.VMEM((CHP,), _i32),
        pltpu.VMEM((CHP,), _i32),
        pltpu.VMEM((CHP,), _i32),
        pltpu.VMEM((CHP,), _i32),
        pltpu.VMEM((CHP, D), _f32),
        pltpu.VMEM((CHP, D), _f32),
        pltpu.VMEM((CHP,), _f32),
        pltpu.VMEM((CHP,), _f32),
        pltpu.VMEM((NPAD,), _f32),
        pltpu.VMEM_SHARED((NPAD, D), _f32),
        pltpu.SemaphoreType.DMA,
        pltpu.SemaphoreType.DMA,
        pltpu.SemaphoreType.DMA,
        pltpu.SemaphoreType.DMA,
        pltpu.SemaphoreType.DMA,
    ],
)
def _sc_agg_c0(h_hbm, src_hbm, dst_hbm, nd_hbm, agg_out, c0_out,
               srcA, dstA, srcB, dstB, rowsA, rowsB, valsA, valsB, c_v,
               sh_acc, gsem, vsemA, vsemB, ssemA, ssemB):
    c = lax.axis_index("c")
    s = lax.axis_index("s")
    wid = s * NC + c

    z16 = jnp.zeros((16,), _f32)

    def zc(i, _):
        c_v[pl.ds(i * 16, 16)] = z16
        return 0
    lax.fori_loop(0, NPAD // 16, zc, 0)

    def zrow(i, _):
        for j in range(D // 16):
            rowsA[i, pl.ds(j * 16, 16)] = z16
        return 0
    lax.fori_loop(0, 16, zrow, 0)

    def zs(k, _):
        pltpu.sync_copy(rowsA.at[pl.ds(0, 16)],
                        sh_acc.at[pl.ds(s * ZR + k * 16, 16)])
        return 0
    lax.fori_loop(0, ZR // 16, zs, 0)
    plsc.subcore_barrier()

    def cpass(src_c, vals_v):
        for jj in range(CHP // 16):
            sv = src_c[pl.ds(jj * 16, 16)]
            vv = vals_v[pl.ds(jj * 16, 16)]
            plsc.addupdate_scatter(c_v, [sv], vv)

    pltpu.sync_copy(src_hbm.at[wid, 0], srcA)
    pltpu.sync_copy(dst_hbm.at[wid, 0], dstA)
    pltpu.async_copy(nd_hbm.at[dstA], valsA, vsemA)
    pltpu.async_copy(h_hbm.at[srcA], rowsA, gsem)

    def pair(i, _):
        @pl.when(i > 0)
        def _():
            pltpu.make_async_copy(rowsB, sh_acc.at[dstB], ssemB).wait()
        pltpu.sync_copy(src_hbm.at[wid, 2 * i + 1], srcB)
        pltpu.sync_copy(dst_hbm.at[wid, 2 * i + 1], dstB)
        pltpu.async_copy(nd_hbm.at[dstB], valsB, vsemB)
        pltpu.make_async_copy(h_hbm.at[srcA], rowsA, gsem).wait()
        pltpu.async_copy(h_hbm.at[srcB], rowsB, gsem)
        pltpu.async_copy(rowsA, sh_acc.at[dstA], ssemA, add=True)
        pltpu.make_async_copy(nd_hbm.at[dstA], valsA, vsemA).wait()
        cpass(srcA, valsA)

        pltpu.make_async_copy(rowsA, sh_acc.at[dstA], ssemA).wait()

        @pl.when(i < NCHP // 2 - 1)
        def _():
            pltpu.sync_copy(src_hbm.at[wid, 2 * i + 2], srcA)
            pltpu.sync_copy(dst_hbm.at[wid, 2 * i + 2], dstA)
            pltpu.async_copy(nd_hbm.at[dstA], valsA, vsemA)
        pltpu.make_async_copy(h_hbm.at[srcB], rowsB, gsem).wait()

        @pl.when(i < NCHP // 2 - 1)
        def _():
            pltpu.async_copy(h_hbm.at[srcA], rowsA, gsem)
        pltpu.async_copy(rowsB, sh_acc.at[dstB], ssemB, add=True)
        pltpu.make_async_copy(nd_hbm.at[dstB], valsB, vsemB).wait()
        cpass(srcB, valsB)
        return 0
    lax.fori_loop(0, NCHP // 2, pair, 0)

    pltpu.make_async_copy(rowsB, sh_acc.at[dstB], ssemB).wait()
    plsc.subcore_barrier()

    pltpu.sync_copy(sh_acc.at[pl.ds(s * ZR, ZR)],
                    agg_out.at[c, pl.ds(s * ZR, ZR)])
    pltpu.sync_copy(c_v, c0_out.at[wid])


@functools.partial(
    pl.kernel,
    out_type=jax.ShapeDtypeStruct((NC, NPAD, D), _f32),
    mesh=_mesh,
    compiler_params=pltpu.CompilerParams(needs_layout_passes=False),
    scratch_types=[
        pltpu.VMEM((EPTP,), _i32),
        pltpu.VMEM((CHP,), _i32),
        pltpu.VMEM((CHP,), _i32),
        pltpu.VMEM((2, CHP, D), _f32),
        pltpu.VMEM_SHARED((NPAD, D), _f32),
        pltpu.SemaphoreType.DMA,
        pltpu.SemaphoreType.DMA,
    ],
)
def _sc_agg(h_hbm, srcf_hbm, dst_hbm, agg_out,
            src_v, dstA, dstB, rows2, sh_acc, gsem, ssem):
    c = lax.axis_index("c")
    s = lax.axis_index("s")
    wid = s * NC + c
    pltpu.sync_copy(srcf_hbm.at[wid], src_v)

    z16 = jnp.zeros((16,), _f32)

    def zrow(i, _):
        for j in range(D // 16):
            rows2[0, i, pl.ds(j * 16, 16)] = z16
        return 0
    lax.fori_loop(0, 16, zrow, 0)

    def zs(k, _):
        pltpu.sync_copy(rows2.at[0, pl.ds(0, 16)],
                        sh_acc.at[pl.ds(s * ZR + k * 16, 16)])
        return 0
    lax.fori_loop(0, ZR // 16, zs, 0)
    plsc.subcore_barrier()

    pltpu.async_copy(h_hbm.at[src_v.at[pl.ds(0, CHP)]], rows2.at[0], gsem)

    def chunk(j, _):
        cur = lax.rem(j, 2)
        pltpu.make_async_copy(h_hbm.at[src_v.at[pl.ds(j * CHP, CHP)]],
                              rows2.at[cur], gsem).wait()

        @pl.when(j > 0)
        def _():
            prv = 1 - cur

            @pl.when(lax.rem(j, 2) == 0)
            def _():
                pltpu.make_async_copy(rows2.at[prv], sh_acc.at[dstB],
                                      ssem).wait()

            @pl.when(lax.rem(j, 2) == 1)
            def _():
                pltpu.make_async_copy(rows2.at[prv], sh_acc.at[dstA],
                                      ssem).wait()

        @pl.when(j < NCHP - 1)
        def _():
            pltpu.async_copy(
                h_hbm.at[src_v.at[pl.ds((j + 1) * CHP, CHP)]],
                rows2.at[1 - cur], gsem)

        @pl.when(lax.rem(j, 2) == 0)
        def _():
            pltpu.sync_copy(dst_hbm.at[wid, j], dstA)
            pltpu.async_copy(rows2.at[cur], sh_acc.at[dstA], ssem, add=True)

        @pl.when(lax.rem(j, 2) == 1)
        def _():
            pltpu.sync_copy(dst_hbm.at[wid, j], dstB)
            pltpu.async_copy(rows2.at[cur], sh_acc.at[dstB], ssem, add=True)
        return 0
    lax.fori_loop(0, NCHP, chunk, 0)
    pltpu.make_async_copy(rows2.at[(NCHP - 1) % 2],
                          sh_acc.at[dstB], ssem).wait()
    plsc.subcore_barrier()

    pltpu.sync_copy(sh_acc.at[pl.ds(s * ZR, ZR)],
                    agg_out.at[c, pl.ds(s * ZR, ZR)])


_BR = 400
_GRID = N // _BR


def _tc_norm_mm_body(dego_a, dego_b, degi_a, degi_b, x, w, ho, nso, ndo):
    ns = lax.rsqrt(jnp.maximum(dego_a[...] + dego_b[...], 1.0))
    nd = lax.rsqrt(jnp.maximum(degi_a[...] + degi_b[...], 1.0))
    ho[...] = jnp.dot(x[...] * ns, w[...],
                      preferred_element_type=_f32,
                      precision=lax.Precision.HIGHEST)
    nso[...] = ns
    ndo[...] = nd


_col1 = pl.BlockSpec((_BR, 1), lambda i: (i, 0))
_rowb = pl.BlockSpec((_BR, D), lambda i: (i, 0))
_wfull = pl.BlockSpec((D, D), lambda i: (0, 0))

_tc_norm_mm = pl.pallas_call(
    _tc_norm_mm_body,
    grid=(_GRID,),
    in_specs=[_col1, _col1, _col1, _col1, _rowb, _wfull],
    out_specs=[_rowb, _col1, _col1],
    out_shape=[jax.ShapeDtypeStruct((NPAD, D), _f32),
               jax.ShapeDtypeStruct((NPAD, 1), _f32),
               jax.ShapeDtypeStruct((NPAD, 1), _f32)],
)


def _tc_mid_body(agg_a, agg_b, nd, ns, b, w, c0p, ho, c0so):
    h = jnp.maximum((agg_a[...] + agg_b[...]) * nd[...] + b[...], 0.0)
    ho[...] = jnp.dot(h * ns[...], w[...],
                      preferred_element_type=_f32,
                      precision=lax.Precision.HIGHEST)
    c0so[...] = jnp.sum(c0p[...], axis=0, keepdims=True)


_bfull = pl.BlockSpec((1, D), lambda i: (0, 0))

_tc_mid = pl.pallas_call(
    _tc_mid_body,
    grid=(_GRID,),
    in_specs=[_rowb, _rowb, _col1, _col1, _bfull, _wfull,
              pl.BlockSpec((NW, NPAD // 8), lambda i: (0, i % 8))],
    out_specs=[_rowb, pl.BlockSpec((1, NPAD // 8), lambda i: (0, i % 8))],
    out_shape=[jax.ShapeDtypeStruct((NPAD, D), _f32),
               jax.ShapeDtypeStruct((1, NPAD), _f32)],
)


def _tc_final_body(agg_a, agg_b, nd, b2, c0s, ns, w3, b3, out, racc):
    i = pl.program_id(0)

    @pl.when(i == 0)
    def _():
        racc[...] = jnp.zeros_like(racc)

    h2 = jnp.maximum((agg_a[...] + agg_b[...]) * nd[...] + b2[...], 0.0)
    wvec = c0s[...] * ns[...]
    racc[...] += jnp.sum(h2 * wvec, axis=0, keepdims=True)

    @pl.when(i == pl.num_programs(0) - 1)
    def _():
        out[...] = jnp.dot(racc[...] * (1.0 / N), w3[...],
                           preferred_element_type=_f32,
                           precision=lax.Precision.HIGHEST) + b3[...]


_tc_final = pl.pallas_call(
    _tc_final_body,
    grid=(_GRID,),
    in_specs=[_rowb, _rowb, _col1, _bfull, _col1, _col1,
              pl.BlockSpec((D, DO), lambda i: (0, 0)),
              pl.BlockSpec((1, DO), lambda i: (0, 0))],
    out_specs=pl.BlockSpec((1, DO), lambda i: (0, 0)),
    out_shape=jax.ShapeDtypeStruct((1, DO), _f32),
    scratch_shapes=[pltpu.VMEM((1, D), _f32)],
)


def kernel(in_feat, edge_index, W1, b1, W2, b2, W3, b3):
    src_r = edge_index[0].reshape(NW, NCH, CH)
    dst_r = edge_index[1].reshape(NW, NCH, CH)

    dego_p, degi_p = _sc_degrees(src_r, dst_r)
    dego_a = dego_p[0].reshape(NPAD, 1)
    dego_b = dego_p[1].reshape(NPAD, 1)
    degi_a = degi_p[0].reshape(NPAD, 1)
    degi_b = degi_p[1].reshape(NPAD, 1)

    h1, ns, nd = _tc_norm_mm(dego_a, dego_b, degi_a, degi_b, in_feat, W1)

    pad_idx = jnp.broadcast_to(
        N + jnp.arange(EPTP - EPT, dtype=jnp.int32) % (NPAD - N),
        (NW, EPTP - EPT))
    srcp = jnp.concatenate(
        [edge_index[0].reshape(NW, EPT), pad_idx], axis=1
    ).reshape(NW, NCHP, CHP)
    dstp = jnp.concatenate(
        [edge_index[1].reshape(NW, EPT), pad_idx], axis=1
    ).reshape(NW, NCHP, CHP)

    agg1, c0p = _sc_agg_c0(h1, srcp, dstp, nd.reshape(NPAD))

    h2, c0s = _tc_mid(agg1[0], agg1[1], nd, ns, b1.reshape(1, D), W2, c0p)

    agg2 = _sc_agg(h2, srcp.reshape(NW, EPTP), dstp)

    out = _tc_final(agg2[0], agg2[1], nd, b2.reshape(1, D),
                    c0s.reshape(NPAD, 1), ns,
                    W3, b3.reshape(1, DO))
    return out

# --- scband reference (transcript-rebuilt; emitter-appended) ---
"""Pipeline reference for scband-gcn-66039417143825 (READ-ONLY COPY).

The authoritative reference and input builder live on the scoring server;
editing this copy changes nothing except your own understanding.
"""

import jax, jax.numpy as jnp
import numpy as np

N = 10000
E = 320000
D_IN = 128
D_H = 128
D_OUT = 64


def setup_inputs(seed: int = 0) -> dict:
    key = jax.random.key(seed)
    ks = jax.random.split(key, 9)
    in_feat = jax.random.normal(ks[0], (N, D_IN), dtype=jnp.float32)
    edge_index = jax.random.randint(ks[1], (2, E), 0, N, dtype=jnp.int32)
    W1 = jax.random.normal(ks[2], (D_IN, D_H), dtype=jnp.float32) / np.sqrt(D_IN)
    b1 = jnp.zeros((D_H,), dtype=jnp.float32)
    W2 = jax.random.normal(ks[3], (D_H, D_H), dtype=jnp.float32) / np.sqrt(D_H)
    b2 = jnp.zeros((D_H,), dtype=jnp.float32)
    W3 = jax.random.normal(ks[4], (D_H, D_OUT), dtype=jnp.float32) / np.sqrt(D_H)
    b3 = jnp.zeros((D_OUT,), dtype=jnp.float32)
    return {"in_feat": in_feat, "edge_index": edge_index,
            "W1": W1, "b1": b1, "W2": W2, "b2": b2, "W3": W3, "b3": b3}


def graph_conv(x, src, dst, W, b):
    # DGL GraphConv with norm='both': out = D_dst^{-1/2} A D_src^{-1/2} X W + b
    ones = jnp.ones((src.shape[0],), dtype=x.dtype)
    deg_out = jax.ops.segment_sum(ones, src, num_segments=N)
    deg_in = jax.ops.segment_sum(ones, dst, num_segments=N)
    norm_src = jax.lax.rsqrt(jnp.clip(deg_out, 1.0, None))
    norm_dst = jax.lax.rsqrt(jnp.clip(deg_in, 1.0, None))
    h = x * norm_src[:, None]
    h = h @ W
    msgs = jnp.take(h, src, axis=0)
    agg = jax.ops.segment_sum(msgs, dst, num_segments=N)
    return agg * norm_dst[:, None] + b


def reference(in_feat, edge_index, W1, b1, W2, b2, W3, b3):
    src = edge_index[0]
    dst = edge_index[1]
    h = jax.nn.relu(graph_conv(in_feat, src, dst, W1, b1))
    h = jax.nn.relu(graph_conv(h, src, dst, W2, b2))
    h = graph_conv(h, src, dst, W3, b3)
    # dgl.readout_nodes(op='mean') on a single graph -> [1, num_classes]
    return jnp.mean(h, axis=0, keepdims=True)

if __name__ == "__main__":
    import jax
    _d = setup_inputs()
    print(jax.jit(kernel)(*tuple(_d.values())))

</pallas_src>

<mosaic_0001>
#map = affine_map<(d0, d1) -> (0, 0, 0)>
#map1 = affine_map<(d0, d1) -> (0, 0)>
module attributes {stable_mosaic.version = 14 : i64} {
  func.func @_sc_degrees(%arg0: i32, %arg1: i32, %arg2: memref<32x125x80xi32, #tpu.memory_space<hbm>>, %arg3: memref<32x125x80xi32, #tpu.memory_space<hbm>>, %arg4: memref<2x10240xf32, #tpu.memory_space<hbm>>, %arg5: memref<2x10240xf32, #tpu.memory_space<hbm>>, %arg6: memref<125x80xi32, #tpu.memory_space<vmem>>, %arg7: memref<125x80xi32, #tpu.memory_space<vmem>>, %arg8: memref<10240xf32, #tpu.memory_space<vmem>>, %arg9: memref<10240xf32, #tpu.memory_space<vmem>>, %arg10: memref<640xf32, #tpu.memory_space<vmem>>, %arg11: memref<640xf32, #tpu.memory_space<vmem>>, %arg12: memref<640xf32, #tpu.memory_space<vmem>>, %arg13: memref<640xf32, #tpu.memory_space<vmem>>, %arg14: memref<16x2x10240xf32, #tpu.memory_space<vmem_shared>>) attributes {dimension_semantics = [#tpu.dimension_semantics<core_parallel>, #tpu.dimension_semantics<subcore_parallel>], iteration_bounds = array<i64: 2, 16>, scalar_prefetch = 0 : i64, scratch_operands = 9 : i64, tpu.core_type = #tpu.core_type<sc_vector_subcore>, window_params = [{transform_indices = #map}, {transform_indices = #map}, {transform_indices = #map1}, {transform_indices = #map1}]} {
    %mul3A = arith.constant 2 : i32
    %mul3A_0 = arith.muli %arg1, %mul3A : i32
    %add3A = arith.addi %mul3A_0, %arg0 : i32
    "tpu.region"() ({
      %run_scoped3A_37 = tpu.sem_alloc : memref<!tpu.dma_semaphore, #tpu.memory_space<semaphore_mem>>
      %dma_start3A = arith.constant 0 : i32
      %dma_start3A_38 = arith.constant 0 : i32
      %dma_start3A_39 = tpu.memref_slice %arg2[%add3A, %dma_start3A, %dma_start3A_38] : memref<32x125x80xi32, #tpu.memory_space<hbm>> -> memref<1x125x80xi32, #tpu.memory_space<hbm>>
      %dma_start3A_40 = tpu.memref_squeeze %dma_start3A_39 : memref<1x125x80xi32, #tpu.memory_space<hbm>> -> memref<125x80xi32, #tpu.memory_space<hbm>>
      %dma_start3A_41 = arith.constant 0 : i32
      %dma_start3A_42 = arith.constant 0 : i32
      %dma_start3A_43 = tpu.memref_slice %arg2[%add3A, %dma_start3A_41, %dma_start3A_42] : memref<32x125x80xi32, #tpu.memory_space<hbm>> -> memref<1x125x80xi32, #tpu.memory_space<hbm>>
      %dma_start3A_44 = tpu.memref_squeeze %dma_start3A_43 : memref<1x125x80xi32, #tpu.memory_space<hbm>> -> memref<125x80xi32, #tpu.memory_space<hbm>>
      tpu.enqueue_dma source(%dma_start3A_44 : memref<125x80xi32, #tpu.memory_space<hbm>>) target(%arg6 : memref<125x80xi32, #tpu.memory_space<vmem>>) target_semaphore(%run_scoped3A_37 : memref<!tpu.dma_semaphore, #tpu.memory_space<semaphore_mem>>)
      %dma_wait3A = arith.constant 0 : i32
      %dma_wait3A_45 = arith.constant 0 : i32
      %dma_wait3A_46 = tpu.memref_slice %arg2[%add3A, %dma_wait3A, %dma_wait3A_45] : memref<32x125x80xi32, #tpu.memory_space<hbm>> -> memref<1x125x80xi32, #tpu.memory_space<hbm>>
      %dma_wait3A_47 = tpu.memref_squeeze %dma_wait3A_46 : memref<1x125x80xi32, #tpu.memory_space<hbm>> -> memref<125x80xi32, #tpu.memory_space<hbm>>
      %dma_wait3A_48 = arith.constant 0 : i32
      %dma_wait3A_49 = arith.constant 0 : i32
      %dma_wait3A_50 = tpu.memref_slice %arg2[%add3A, %dma_wait3A_48, %dma_wait3A_49] : memref<32x125x80xi32, #tpu.memory_space<hbm>> -> memref<1x125x80xi32, #tpu.memory_space<hbm>>
      %dma_wait3A_51 = tpu.memref_squeeze %dma_wait3A_50 : memref<1x125x80xi32, #tpu.memory_space<hbm>> -> memref<125x80xi32, #tpu.memory_space<hbm>>
      tpu.wait_dma2 semaphore(%run_scoped3A_37 : memref<!tpu.dma_semaphore, #tpu.memory_space<semaphore_mem>>) src(%dma_wait3A_51 : memref<125x80xi32, #tpu.memory_space<hbm>>) dst(%arg6 : memref<125x80xi32, #tpu.memory_space<vmem>>)
      tpu.yield
    }) : () -> ()
    "tpu.region"() ({
      %run_scoped3A_37 = tpu.sem_alloc : memref<!tpu.dma_semaphore, #tpu.memory_space<semaphore_mem>>
      %dma_start3A = arith.constant 0 : i32
      %dma_start3A_38 = arith.constant 0 : i32
      %dma_start3A_39 = tpu.memref_slice %arg3[%add3A, %dma_start3A, %dma_start3A_38] : memref<32x125x80xi32, #tpu.memory_space<hbm>> -> memref<1x125x80xi32, #tpu.memory_space<hbm>>
      %dma_start3A_40 = tpu.memref_squeeze %dma_start3A_39 : memref<1x125x80xi32, #tpu.memory_space<hbm>> -> memref<125x80xi32, #tpu.memory_space<hbm>>
      %dma_start3A_41 = arith.constant 0 : i32
      %dma_start3A_42 = arith.constant 0 : i32
      %dma_start3A_43 = tpu.memref_slice %arg3[%add3A, %dma_start3A_41, %dma_start3A_42] : memref<32x125x80xi32, #tpu.memory_space<hbm>> -> memref<1x125x80xi32, #tpu.memory_space<hbm>>
      %dma_start3A_44 = tpu.memref_squeeze %dma_start3A_43 : memref<1x125x80xi32, #tpu.memory_space<hbm>> -> memref<125x80xi32, #tpu.memory_space<hbm>>
      tpu.enqueue_dma source(%dma_start3A_44 : memref<125x80xi32, #tpu.memory_space<hbm>>) target(%arg7 : memref<125x80xi32, #tpu.memory_space<vmem>>) target_semaphore(%run_scoped3A_37 : memref<!tpu.dma_semaphore, #tpu.memory_space<semaphore_mem>>)
      %dma_wait3A = arith.constant 0 : i32
      %dma_wait3A_45 = arith.constant 0 : i32
      %dma_wait3A_46 = tpu.memref_slice %arg3[%add3A, %dma_wait3A, %dma_wait3A_45] : memref<32x125x80xi32, #tpu.memory_space<hbm>> -> memref<1x125x80xi32, #tpu.memory_space<hbm>>
      %dma_wait3A_47 = tpu.memref_squeeze %dma_wait3A_46 : memref<1x125x80xi32, #tpu.memory_space<hbm>> -> memref<125x80xi32, #tpu.memory_space<hbm>>
      %dma_wait3A_48 = arith.constant 0 : i32
      %dma_wait3A_49 = arith.constant 0 : i32
      %dma_wait3A_50 = tpu.memref_slice %arg3[%add3A, %dma_wait3A_48, %dma_wait3A_49] : memref<32x125x80xi32, #tpu.memory_space<hbm>> -> memref<1x125x80xi32, #tpu.memory_space<hbm>>
      %dma_wait3A_51 = tpu.memref_squeeze %dma_wait3A_50 : memref<1x125x80xi32, #tpu.memory_space<hbm>> -> memref<125x80xi32, #tpu.memory_space<hbm>>
      tpu.wait_dma2 semaphore(%run_scoped3A_37 : memref<!tpu.dma_semaphore, #tpu.memory_space<semaphore_mem>>) src(%dma_wait3A_51 : memref<125x80xi32, #tpu.memory_space<hbm>>) dst(%arg7 : memref<125x80xi32, #tpu.memory_space<vmem>>)
      tpu.yield
    }) : () -> ()
    %broadcast_in_dim3A = arith.constant 0.000000e+00 : f32
    %broadcast_in_dim3A_1 = vector.broadcast %broadcast_in_dim3A : f32 to vector<16xf32>
    %scan3A = arith.constant 0 : i32
    %scan3A_2 = arith.constant 0 : i32
    %scan3A_3 = arith.constant 640 : i32
    %scan3A_4 = arith.addi %scan3A_2, %scan3A_3 : i32
    %scan3A_5 = arith.constant 1 : i32
    %scan3A_6 = scf.for %scan3A_37 = %scan3A_2 to %scan3A_4 step %scan3A_5 iter_args(%scan3A_38 = %scan3A) -> (i32)  : i32 {
      %mul3A_39 = arith.constant 16 : i32
      %mul3A_40 = arith.muli %scan3A_37, %mul3A_39 : i32
      %swap3A = arith.index_cast %mul3A_40 : i32 to index
      %swap3A_41 = tpu.vector_load %arg8[%swap3A] {strides = array<i32>} : memref<10240xf32, #tpu.memory_space<vmem>>, vector<16xf32>,
      tpu.vector_store %arg8[%swap3A], %broadcast_in_dim3A_1 {strides = array<i32>} : memref<10240xf32, #tpu.memory_space<vmem>>, vector<16xf32>,
      %mul3A_42 = arith.constant 16 : i32
      %mul3A_43 = arith.muli %scan3A_37, %mul3A_42 : i32
      %swap3A_44 = arith.index_cast %mul3A_43 : i32 to index
      %swap3A_45 = tpu.vector_load %arg9[%swap3A_44] {strides = array<i32>} : memref<10240xf32, #tpu.memory_space<vmem>>, vector<16xf32>,
      tpu.vector_store %arg9[%swap3A_44], %broadcast_in_dim3A_1 {strides = array<i32>} : memref<10240xf32, #tpu.memory_space<vmem>>, vector<16xf32>,
      %scan3A_46 = arith.constant 0 : i32
      scf.yield %scan3A_46 : i32
    }
    %scan3A_7 = arith.constant 640 : i32
    %broadcast_in_dim3A_8 = arith.constant 1.000000e+00 : f32
    %broadcast_in_dim3A_9 = vector.broadcast %broadcast_in_dim3A_8 : f32 to vector<16xf32>
    %scan3A_10 = arith.constant 0 : i32
    %scan3A_11 = arith.constant 0 : i32
    %scan3A_12 = arith.constant 125 : i32
    %scan3A_13 = arith.addi %scan3A_11, %scan3A_12 : i32
    %scan3A_14 = arith.constant 1 : i32
    %scan3A_15 = scf.for %scan3A_37 = %scan3A_11 to %scan3A_13 step %scan3A_14 iter_args(%scan3A_38 = %scan3A_10) -> (i32)  : i32 {
      %get3A = arith.index_cast %scan3A_37 : i32 to index
      %get3A_39 = arith.constant 0 : index
      %get3A_40 = tpu.vector_load %arg6[%get3A, %get3A_39] {strides = array<i32>} : memref<125x80xi32, #tpu.memory_space<vmem>>, vector<16xi32>,
      %get3A_41 = arith.index_cast %scan3A_37 : i32 to index
      %get3A_42 = arith.constant 0 : index
      %get3A_43 = tpu.vector_load %arg7[%get3A_41, %get3A_42] {strides = array<i32>} : memref<125x80xi32, #tpu.memory_space<vmem>>, vector<16xi32>,
      tpu.vector_store_idx %arg8[%get3A_40], %broadcast_in_dim3A_9 {add = true} : memref<10240xf32, #tpu.memory_space<vmem>>[vector<16xi32>], vector<16xf32>,
      tpu.vector_store_idx %arg9[%get3A_43], %broadcast_in_dim3A_9 {add = true} : memref<10240xf32, #tpu.memory_space<vmem>>[vector<16xi32>], vector<16xf32>,
      %get3A_44 = arith.index_cast %scan3A_37 : i32 to index
      %get3A_45 = arith.constant 16 : index
      %get3A_46 = tpu.vector_load %arg6[%get3A_44, %get3A_45] {strides = array<i32>} : memref<125x80xi32, #tpu.memory_space<vmem>>, vector<16xi32>,
      %get3A_47 = arith.index_cast %scan3A_37 : i32 to index
      %get3A_48 = arith.constant 16 : index
      %get3A_49 = tpu.vector_load %arg7[%get3A_47, %get3A_48] {strides = array<i32>} : memref<125x80xi32, #tpu.memory_space<vmem>>, vector<16xi32>,
      tpu.vector_store_idx %arg8[%get3A_46], %broadcast_in_dim3A_9 {add = true} : memref<10240xf32, #tpu.memory_space<vmem>>[vector<16xi32>], vector<16xf32>,
      tpu.vector_store_idx %arg9[%get3A_49], %broadcast_in_dim3A_9 {add = true} : memref<10240xf32, #tpu.memory_space<vmem>>[vector<16xi32>], vector<16xf32>,
      %get3A_50 = arith.index_cast %scan3A_37 : i32 to index
      %get3A_51 = arith.constant 32 : index
      %get3A_52 = tpu.vector_load %arg6[%get3A_50, %get3A_51] {strides = array<i32>} : memref<125x80xi32, #tpu.memory_space<vmem>>, vector<16xi32>,
      %get3A_53 = arith.index_cast %scan3A_37 : i32 to index
      %get3A_54 = arith.constant 32 : index
      %get3A_55 = tpu.vector_load %arg7[%get3A_53, %get3A_54] {strides = array<i32>} : memref<125x80xi32, #tpu.memory_space<vmem>>, vector<16xi32>,
      tpu.vector_store_idx %arg8[%get3A_52], %broadcast_in_dim3A_9 {add = true} : memref<10240xf32, #tpu.memory_space<vmem>>[vector<16xi32>], vector<16xf32>,
      tpu.vector_store_idx %arg9[%get3A_55], %broadcast_in_dim3A_9 {add = true} : memref<10240xf32, #tpu.memory_space<vmem>>[vector<16xi32>], vector<16xf32>,
      %get3A_56 = arith.index_cast %scan3A_37 : i32 to index
      %get3A_57 = arith.constant 48 : index
      %get3A_58 = tpu.vector_load %arg6[%get3A_56, %get3A_57] {strides = array<i32>} : memref<125x80xi32, #tpu.memory_space<vmem>>, vector<16xi32>,
      %get3A_59 = arith.index_cast %scan3A_37 : i32 to index
      %get3A_60 = arith.constant 48 : index
      %get3A_61 = tpu.vector_load %arg7[%get3A_59, %get3A_60] {strides = array<i32>} : memref<125x80xi32, #tpu.memory_space<vmem>>, vector<16xi32>,
      tpu.vector_store_idx %arg8[%get3A_58], %broadcast_in_dim3A_9 {add = true} : memref<10240xf32, #tpu.memory_space<vmem>>[vector<16xi32>], vector<16xf32>,
      tpu.vector_store_idx %arg9[%get3A_61], %broadcast_in_dim3A_9 {add = true} : memref<10240xf32, #tpu.memory_space<vmem>>[vector<16xi32>], vector<16xf32>,
      %get3A_62 = arith.index_cast %scan3A_37 : i32 to index
      %get3A_63 = arith.constant 64 : index
      %get3A_64 = tpu.vector_load %arg6[%get3A_62, %get3A_63] {strides = array<i32>} : memref<125x80xi32, #tpu.memory_space<vmem>>, vector<16xi32>,
      %get3A_65 = arith.index_cast %scan3A_37 : i32 to index
      %get3A_66 = arith.constant 64 : index
      %get3A_67 = tpu.vector_load %arg7[%get3A_65, %get3A_66] {strides = array<i32>} : memref<125x80xi32, #tpu.memory_space<vmem>>, vector<16xi32>,
      tpu.vector_store_idx %arg8[%get3A_64], %broadcast_in_dim3A_9 {add = true} : memref<10240xf32, #tpu.memory_space<vmem>>[vector<16xi32>], vector<16xf32>,
      tpu.vector_store_idx %arg9[%get3A_67], %broadcast_in_dim3A_9 {add = true} : memref<10240xf32, #tpu.memory_space<vmem>>[vector<16xi32>], vector<16xf32>,
      %scan3A_68 = arith.constant 0 : i32
      scf.yield %scan3A_68 : i32
    }
    %scan3A_16 = arith.constant 125 : i32
    %run_scoped3A = arith.constant 0 : i32
    "tpu.region"() ({
      %run_scoped3A_37 = tpu.sem_alloc : memref<!tpu.dma_semaphore, #tpu.memory_space<semaphore_mem>>
      %dma_start3A = arith.constant 0 : i32
      %dma_start3A_38 = tpu.memref_slice %arg14[%arg1, %run_scoped3A, %dma_start3A] : memref<16x2x10240xf32, #tpu.memory_space<vmem_shared>> -> memref<1x1x10240xf32, #tpu.memory_space<vmem_shared>>
      %dma_start3A_39 = tpu.memref_squeeze %dma_start3A_38 : memref<1x1x10240xf32, #tpu.memory_space<vmem_shared>> -> memref<10240xf32, #tpu.memory_space<vmem_shared>>
      %dma_start3A_40 = arith.constant 0 : i32
      %dma_start3A_41 = tpu.memref_slice %arg14[%arg1, %run_scoped3A, %dma_start3A_40] : memref<16x2x10240xf32, #tpu.memory_space<vmem_shared>> -> memref<1x1x10240xf32, #tpu.memory_space<vmem_shared>>
      %dma_start3A_42 = tpu.memref_squeeze %dma_start3A_41 : memref<1x1x10240xf32, #tpu.memory_space<vmem_shared>> -> memref<10240xf32, #tpu.memory_space<vmem_shared>>
      tpu.enqueue_dma source(%arg8 : memref<10240xf32, #tpu.memory_space<vmem>>) target(%dma_start3A_42 : memref<10240xf32, #tpu.memory_space<vmem_shared>>) target_semaphore(%run_scoped3A_37 : memref<!tpu.dma_semaphore, #tpu.memory_space<semaphore_mem>>)
      %dma_wait3A = arith.constant 0 : i32
      %dma_wait3A_43 = tpu.memref_slice %arg14[%arg1, %run_scoped3A, %dma_wait3A] : memref<16x2x10240xf32, #tpu.memory_space<vmem_shared>> -> memref<1x1x10240xf32, #tpu.memory_space<vmem_shared>>
      %dma_wait3A_44 = tpu.memref_squeeze %dma_wait3A_43 : memref<1x1x10240xf32, #tpu.memory_space<vmem_shared>> -> memref<10240xf32, #tpu.memory_space<vmem_shared>>
      %dma_wait3A_45 = arith.constant 0 : i32
      %dma_wait3A_46 = tpu.memref_slice %arg14[%arg1, %run_scoped3A, %dma_wait3A_45] : memref<16x2x10240xf32, #tpu.memory_space<vmem_shared>> -> memref<1x1x10240xf32, #tpu.memory_space<vmem_shared>>
      %dma_wait3A_47 = tpu.memref_squeeze %dma_wait3A_46 : memref<1x1x10240xf32, #tpu.memory_space<vmem_shared>> -> memref<10240xf32, #tpu.memory_space<vmem_shared>>
      tpu.wait_dma2 semaphore(%run_scoped3A_37 : memref<!tpu.dma_semaphore, #tpu.memory_space<semaphore_mem>>) src(%arg8 : memref<10240xf32, #tpu.memory_space<vmem>>) dst(%dma_wait3A_47 : memref<10240xf32, #tpu.memory_space<vmem_shared>>)
      tpu.yield
    }) : () -> ()
    %run_scoped3A_17 = arith.constant 1 : i32
    "tpu.region"() ({
      %run_scoped3A_37 = tpu.sem_alloc : memref<!tpu.dma_semaphore, #tpu.memory_space<semaphore_mem>>
      %dma_start3A = arith.constant 0 : i32
      %dma_start3A_38 = tpu.memref_slice %arg14[%arg1, %run_scoped3A_17, %dma_start3A] : memref<16x2x10240xf32, #tpu.memory_space<vmem_shared>> -> memref<1x1x10240xf32, #tpu.memory_space<vmem_shared>>
      %dma_start3A_39 = tpu.memref_squeeze %dma_start3A_38 : memref<1x1x10240xf32, #tpu.memory_space<vmem_shared>> -> memref<10240xf32, #tpu.memory_space<vmem_shared>>
      %dma_start3A_40 = arith.constant 0 : i32
      %dma_start3A_41 = tpu.memref_slice %arg14[%arg1, %run_scoped3A_17, %dma_start3A_40] : memref<16x2x10240xf32, #tpu.memory_space<vmem_shared>> -> memref<1x1x10240xf32, #tpu.memory_space<vmem_shared>>
      %dma_start3A_42 = tpu.memref_squeeze %dma_start3A_41 : memref<1x1x10240xf32, #tpu.memory_space<vmem_shared>> -> memref<10240xf32, #tpu.memory_space<vmem_shared>>
      tpu.enqueue_dma source(%arg9 : memref<10240xf32, #tpu.memory_space<vmem>>) target(%dma_start3A_42 : memref<10240xf32, #tpu.memory_space<vmem_shared>>) target_semaphore(%run_scoped3A_37 : memref<!tpu.dma_semaphore, #tpu.memory_space<semaphore_mem>>)
      %dma_wait3A = arith.constant 0 : i32
      %dma_wait3A_43 = tpu.memref_slice %arg14[%arg1, %run_scoped3A_17, %dma_wait3A] : memref<16x2x10240xf32, #tpu.memory_space<vmem_shared>> -> memref<1x1x10240xf32, #tpu.memory_space<vmem_shared>>
      %dma_wait3A_44 = tpu.memref_squeeze %dma_wait3A_43 : memref<1x1x10240xf32, #tpu.memory_space<vmem_shared>> -> memref<10240xf32, #tpu.memory_space<vmem_shared>>
      %dma_wait3A_45 = arith.constant 0 : i32
      %dma_wait3A_46 = tpu.memref_slice %arg14[%arg1, %run_scoped3A_17, %dma_wait3A_45] : memref<16x2x10240xf32, #tpu.memory_space<vmem_shared>> -> memref<1x1x10240xf32, #tpu.memory_space<vmem_shared>>
      %dma_wait3A_47 = tpu.memref_squeeze %dma_wait3A_46 : memref<1x1x10240xf32, #tpu.memory_space<vmem_shared>> -> memref<10240xf32, #tpu.memory_space<vmem_shared>>
      tpu.wait_dma2 semaphore(%run_scoped3A_37 : memref<!tpu.dma_semaphore, #tpu.memory_space<semaphore_mem>>) src(%arg9 : memref<10240xf32, #tpu.memory_space<vmem>>) dst(%dma_wait3A_47 : memref<10240xf32, #tpu.memory_space<vmem_shared>>)
      tpu.yield
    }) : () -> ()
    %barrier3A = arith.constant 0 : index
    tpu.barrier barrier_id(%barrier3A)
    %mul3A_18 = arith.constant 640 : i32
    %mul3A_19 = arith.muli %arg1, %mul3A_18 : i32
    %run_scoped3A_20 = arith.constant 0 : i32
    %run_scoped3A_21 = arith.constant 0 : i32
    "tpu.region"() ({
      %run_scoped3A_37 = tpu.sem_alloc : memref<!tpu.dma_semaphore, #tpu.memory_space<semaphore_mem>>
      %dma_start3A = tpu.memref_slice %arg14[%run_scoped3A_20, %run_scoped3A_21, %mul3A_19] : memref<16x2x10240xf32, #tpu.memory_space<vmem_shared>> -> memref<1x1x640xf32, #tpu.memory_space<vmem_shared>>
      %dma_start3A_38 = tpu.memref_squeeze %dma_start3A : memref<1x1x640xf32, #tpu.memory_space<vmem_shared>> -> memref<640xf32, #tpu.memory_space<vmem_shared>>
      %dma_start3A_39 = tpu.memref_slice %arg14[%run_scoped3A_20, %run_scoped3A_21, %mul3A_19] : memref<16x2x10240xf32, #tpu.memory_space<vmem_shared>> -> memref<1x1x640xf32, #tpu.memory_space<vmem_shared>>
      %dma_start3A_40 = tpu.memref_squeeze %dma_start3A_39 : memref<1x1x640xf32, #tpu.memory_space<vmem_shared>> -> memref<640xf32, #tpu.memory_space<vmem_shared>>
      tpu.enqueue_dma source(%dma_start3A_40 : memref<640xf32, #tpu.memory_space<vmem_shared>>) target(%arg10 : memref<640xf32, #tpu.memory_space<vmem>>) target_semaphore(%run_scoped3A_37 : memref<!tpu.dma_semaphore, #tpu.memory_space<semaphore_mem>>)
      %dma_wait3A = tpu.memref_slice %arg14[%run_scoped3A_20, %run_scoped3A_21, %mul3A_19] : memref<16x2x10240xf32, #tpu.memory_space<vmem_shared>> -> memref<1x1x640xf32, #tpu.memory_space<vmem_shared>>
      %dma_wait3A_41 = tpu.memref_squeeze %dma_wait3A : memref<1x1x640xf32, #tpu.memory_space<vmem_shared>> -> memref<640xf32, #tpu.memory_space<vmem_shared>>
      %dma_wait3A_42 = tpu.memref_slice %arg14[%run_scoped3A_20, %run_scoped3A_21, %mul3A_19] : memref<16x2x10240xf32, #tpu.memory_space<vmem_shared>> -> memref<1x1x640xf32, #tpu.memory_space<vmem_shared>>
      %dma_wait3A_43 = tpu.memref_squeeze %dma_wait3A_42 : memref<1x1x640xf32, #tpu.memory_space<vmem_shared>> -> memref<640xf32, #tpu.memory_space<vmem_shared>>
      tpu.wait_dma2 semaphore(%run_scoped3A_37 : memref<!tpu.dma_semaphore, #tpu.memory_space<semaphore_mem>>) src(%dma_wait3A_43 : memref<640xf32, #tpu.memory_space<vmem_shared>>) dst(%arg10 : memref<640xf32, #tpu.memory_space<vmem>>)
      tpu.yield
    }) : () -> ()
    %mul3A_22 = arith.constant 640 : i32
    %mul3A_23 = arith.muli %arg1, %mul3A_22 : i32
    %run_scoped3A_24 = arith.constant 0 : i32
    %run_scoped3A_25 = arith.constant 1 : i32
    "tpu.region"() ({
      %run_scoped3A_37 = tpu.sem_alloc : memref<!tpu.dma_semaphore, #tpu.memory_space<semaphore_mem>>
      %dma_start3A = tpu.memref_slice %arg14[%run_scoped3A_24, %run_scoped3A_25, %mul3A_23] : memref<16x2x10240xf32, #tpu.memory_space<vmem_shared>> -> memref<1x1x640xf32, #tpu.memory_space<vmem_shared>>
      %dma_start3A_38 = tpu.memref_squeeze %dma_start3A : memref<1x1x640xf32, #tpu.memory_space<vmem_shared>> -> memref<640xf32, #tpu.memory_space<vmem_shared>>
      %dma_start3A_39 = tpu.memref_slice %arg14[%run_scoped3A_24, %run_scoped3A_25, %mul3A_23] : memref<16x2x10240xf32, #tpu.memory_space<vmem_shared>> -> memref<1x1x640xf32, #tpu.memory_space<vmem_shared>>
      %dma_start3A_40 = tpu.memref_squeeze %dma_start3A_39 : memref<1x1x640xf32, #tpu.memory_space<vmem_shared>> -> memref<640xf32, #tpu.memory_space<vmem_shared>>
      tpu.enqueue_dma source(%dma_start3A_40 : memref<640xf32, #tpu.memory_space<vmem_shared>>) target(%arg11 : memref<640xf32, #tpu.memory_space<vmem>>) target_semaphore(%run_scoped3A_37 : memref<!tpu.dma_semaphore, #tpu.memory_space<semaphore_mem>>)
      %dma_wait3A = tpu.memref_slice %arg14[%run_scoped3A_24, %run_scoped3A_25, %mul3A_23] : memref<16x2x10240xf32, #tpu.memory_space<vmem_shared>> -> memref<1x1x640xf32, #tpu.memory_space<vmem_shared>>
      %dma_wait3A_41 = tpu.memref_squeeze %dma_wait3A : memref<1x1x640xf32, #tpu.memory_space<vmem_shared>> -> memref<640xf32, #tpu.memory_space<vmem_shared>>
      %dma_wait3A_42 = tpu.memref_slice %arg14[%run_scoped3A_24, %run_scoped3A_25, %mul3A_23] : memref<16x2x10240xf32, #tpu.memory_space<vmem_shared>> -> memref<1x1x640xf32, #tpu.memory_space<vmem_shared>>
      %dma_wait3A_43 = tpu.memref_squeeze %dma_wait3A_42 : memref<1x1x640xf32, #tpu.memory_space<vmem_shared>> -> memref<640xf32, #tpu.memory_space<vmem_shared>>
      tpu.wait_dma2 semaphore(%run_scoped3A_37 : memref<!tpu.dma_semaphore, #tpu.memory_space<semaphore_mem>>) src(%dma_wait3A_43 : memref<640xf32, #tpu.memory_space<vmem_shared>>) dst(%arg11 : memref<640xf32, #tpu.memory_space<vmem>>)
      tpu.yield
    }) : () -> ()
    %scan3A_26 = arith.constant 0 : i32
    %scan3A_27 = arith.constant 1 : i32
    %scan3A_28 = arith.constant 15 : i32
    %scan3A_29 = arith.addi %scan3A_27, %scan3A_28 : i32
    %scan3A_30 = arith.constant 1 : i32
    %scan3A_31 = scf.for %scan3A_37 = %scan3A_27 to %scan3A_29 step %scan3A_30 iter_args(%scan3A_38 = %scan3A_26) -> (i32)  : i32 {
      %mul3A_39 = arith.constant 640 : i32
      %mul3A_40 = arith.muli %arg1, %mul3A_39 : i32
      %run_scoped3A_41 = arith.constant 0 : i32
      "tpu.region"() ({
        %run_scoped3A_604 = tpu.sem_alloc : memref<!tpu.dma_semaphore, #tpu.memory_space<semaphore_mem>>
        %dma_start3A = tpu.memref_slice %arg14[%scan3A_37, %run_scoped3A_41, %mul3A_40] : memref<16x2x10240xf32, #tpu.memory_space<vmem_shared>> -> memref<1x1x640xf32, #tpu.memory_space<vmem_shared>>
        %dma_start3A_605 = tpu.memref_squeeze %dma_start3A : memref<1x1x640xf32, #tpu.memory_space<vmem_shared>> -> memref<640xf32, #tpu.memory_space<vmem_shared>>
        %dma_start3A_606 = tpu.memref_slice %arg14[%scan3A_37, %run_scoped3A_41, %mul3A_40] : memref<16x2x10240xf32, #tpu.memory_space<vmem_shared>> -> memref<1x1x640xf32, #tpu.memory_space<vmem_shared>>
        %dma_start3A_607 = tpu.memref_squeeze %dma_start3A_606 : memref<1x1x640xf32, #tpu.memory_space<vmem_shared>> -> memref<640xf32, #tpu.memory_space<vmem_shared>>
        tpu.enqueue_dma source(%dma_start3A_607 : memref<640xf32, #tpu.memory_space<vmem_shared>>) target(%arg12 : memref<640xf32, #tpu.memory_space<vmem>>) target_semaphore(%run_scoped3A_604 : memref<!tpu.dma_semaphore, #tpu.memory_space<semaphore_mem>>)
        %dma_wait3A = tpu.memref_slice %arg14[%scan3A_37, %run_scoped3A_41, %mul3A_40] : memref<16x2x10240xf32, #tpu.memory_space<vmem_shared>> -> memref<1x1x640xf32, #tpu.memory_space<vmem_shared>>
        %dma_wait3A_608 = tpu.memref_squeeze %dma_wait3A : memref<1x1x640xf32, #tpu.memory_space<vmem_shared>> -> memref<640xf32, #tpu.memory_space<vmem_shared>>
        %dma_wait3A_609 = tpu.memref_slice %arg14[%scan3A_37, %run_scoped3A_41, %mul3A_40] : memref<16x2x10240xf32, #tpu.memory_space<vmem_shared>> -> memref<1x1x640xf32, #tpu.memory_space<vmem_shared>>
        %dma_wait3A_610 = tpu.memref_squeeze %dma_wait3A_609 : memref<1x1x640xf32, #tpu.memory_space<vmem_shared>> -> memref<640xf32, #tpu.memory_space<vmem_shared>>
        tpu.wait_dma2 semaphore(%run_scoped3A_604 : memref<!tpu.dma_semaphore, #tpu.memory_space<semaphore_mem>>) src(%dma_wait3A_610 : memref<640xf32, #tpu.memory_space<vmem_shared>>) dst(%arg12 : memref<640xf32, #tpu.memory_space<vmem>>)
        tpu.yield
      }) : () -> ()
      %mul3A_42 = arith.constant 640 : i32
      %mul3A_43 = arith.muli %arg1, %mul3A_42 : i32
      %run_scoped3A_44 = arith.constant 1 : i32
      "tpu.region"() ({
        %run_scoped3A_604 = tpu.sem_alloc : memref<!tpu.dma_semaphore, #tpu.memory_space<semaphore_mem>>
        %dma_start3A = tpu.memref_slice %arg14[%scan3A_37, %run_scoped3A_44, %mul3A_43] : memref<16x2x10240xf32, #tpu.memory_space<vmem_shared>> -> memref<1x1x640xf32, #tpu.memory_space<vmem_shared>>
        %dma_start3A_605 = tpu.memref_squeeze %dma_start3A : memref<1x1x640xf32, #tpu.memory_space<vmem_shared>> -> memref<640xf32, #tpu.memory_space<vmem_shared>>
        %dma_start3A_606 = tpu.memref_slice %arg14[%scan3A_37, %run_scoped3A_44, %mul3A_43] : memref<16x2x10240xf32, #tpu.memory_space<vmem_shared>> -> memref<1x1x640xf32, #tpu.memory_space<vmem_shared>>
        %dma_start3A_607 = tpu.memref_squeeze %dma_start3A_606 : memref<1x1x640xf32, #tpu.memory_space<vmem_shared>> -> memref<640xf32, #tpu.memory_space<vmem_shared>>
        tpu.enqueue_dma source(%dma_start3A_607 : memref<640xf32, #tpu.memory_space<vmem_shared>>) target(%arg13 : memref<640xf32, #tpu.memory_space<vmem>>) target_semaphore(%run_scoped3A_604 : memref<!tpu.dma_semaphore, #tpu.memory_space<semaphore_mem>>)
        %dma_wait3A = tpu.memref_slice %arg14[%scan3A_37, %run_scoped3A_44, %mul3A_43] : memref<16x2x10240xf32, #tpu.memory_space<vmem_shared>> -> memref<1x1x640xf32, #tpu.memory_space<vmem_shared>>
        %dma_wait3A_608 = tpu.memref_squeeze %dma_wait3A : memref<1x1x640xf32, #tpu.memory_space<vmem_shared>> -> memref<640xf32, #tpu.memory_space<vmem_shared>>
        %dma_wait3A_609 = tpu.memref_slice %arg14[%scan3A_37, %run_scoped3A_44, %mul3A_43] : memref<16x2x10240xf32, #tpu.memory_space<vmem_shared>> -> memref<1x1x640xf32, #tpu.memory_space<vmem_shared>>
        %dma_wait3A_610 = tpu.memref_squeeze %dma_wait3A_609 : memref<1x1x640xf32, #tpu.memory_space<vmem_shared>> -> memref<640xf32, #tpu.memory_space<vmem_shared>>
        tpu.wait_dma2 semaphore(%run_scoped3A_604 : memref<!tpu.dma_semaphore, #tpu.memory_space<semaphore_mem>>) src(%dma_wait3A_610 : memref<640xf32, #tpu.memory_space<vmem_shared>>) dst(%arg13 : memref<640xf32, #tpu.memory_space<vmem>>)
        tpu.yield
      }) : () -> ()
      %get3A = arith.constant 0 : index
      %get3A_45 = tpu.vector_load %arg10[%get3A] {strides = array<i32>} : memref<640xf32, #tpu.memory_space<vmem>>, vector<16xf32>,
      %get3A_46 = arith.constant 0 : index
      %get3A_47 = tpu.vector_load %arg12[%get3A_46] {strides = array<i32>} : memref<640xf32, #tpu.memory_space<vmem>>, vector<16xf32>,
      %add3A_48 = arith.addf %get3A_45, %get3A_47 : vector<16xf32>
      %swap3A = arith.constant 0 : index
      %swap3A_49 = tpu.vector_load %arg10[%swap3A] {strides = array<i32>} : memref<640xf32, #tpu.memory_space<vmem>>, vector<16xf32>,
      tpu.vector_store %arg10[%swap3A], %add3A_48 {strides = array<i32>} : memref<640xf32, #tpu.memory_space<vmem>>, vector<16xf32>,
      %get3A_50 = arith.constant 0 : index
      %get3A_51 = tpu.vector_load %arg11[%get3A_50] {strides = array<i32>} : memref<640xf32, #tpu.memory_space<vmem>>, vector<16xf32>,
      %get3A_52 = arith.constant 0 : index
      %get3A_53 = tpu.vector_load %arg13[%get3A_52] {strides = array<i32>} : memref<640xf32, #tpu.memory_space<vmem>>, vector<16xf32>,
      %add3A_54 = arith.addf %get3A_51, %get3A_53 : vector<16xf32>
      %swap3A_55 = arith.constant 0 : index
      %swap3A_56 = tpu.vector_load %arg11[%swap3A_55] {strides = array<i32>} : memref<640xf32, #tpu.memory_space<vmem>>, vector<16xf32>,
      tpu.vector_store %arg11[%swap3A_55], %add3A_54 {strides = array<i32>} : memref<640xf32, #tpu.memory_space<vmem>>, vector<16xf32>,
      %get3A_57 = arith.constant 16 : index
      %get3A_58 = tpu.vector_load %arg10[%get3A_57] {strides = array<i32>} : memref<640xf32, #tpu.memory_space<vmem>>, vector<16xf32>,
      %get3A_59 = arith.constant 16 : index
      %get3A_60 = tpu.vector_load %arg12[%get3A_59] {strides = array<i32>} : memref<640xf32, #tpu.memory_space<vmem>>, vector<16xf32>,
      %add3A_61 = arith.addf %get3A_58, %get3A_60 : vector<16xf32>
      %swap3A_62 = arith.constant 16 : index
      %swap3A_63 = tpu.vector_load %arg10[%swap3A_62] {strides = array<i32>} : memref<640xf32, #tpu.memory_space<vmem>>, vector<16xf32>,
      tpu.vector_store %arg10[%swap3A_62], %add3A_61 {strides = array<i32>} : memref<640xf32, #tpu.memory_space<vmem>>, vector<16xf32>,
      %get3A_64 = arith.constant 16 : index
      %get3A_65 = tpu.vector_load %arg11[%get3A_64] {strides = array<i32>} : memref<640xf32, #tpu.memory_space<vmem>>, vector<16xf32>,
      %get3A_66 = arith.constant 16 : index
      %get3A_67 = tpu.vector_load %arg13[%get3A_66] {strides = array<i32>} : memref<640xf32, #tpu.memory_space<vmem>>, vector<16xf32>,
      %add3A_68 = arith.addf %get3A_65, %get3A_67 : vector<16xf32>
      %swap3A_69 = arith.constant 16 : index
      %swap3A_70 = tpu.vector_load %arg11[%swap3A_69] {strides = array<i32>} : memref<640xf32, #tpu.memory_space<vmem>>, vector<16xf32>,
      tpu.vector_store %arg11[%swap3A_69], %add3A_68 {strides = array<i32>} : memref<640xf32, #tpu.memory_space<vmem>>, vector<16xf32>,
      %get3A_71 = arith.constant 32 : index
      %get3A_72 = tpu.vector_load %arg10[%get3A_71] {strides = array<i32>} : memref<640xf32, #tpu.memory_space<vmem>>, vector<16xf32>,
      %get3A_73 = arith.constant 32 : index
      %get3A_74 = tpu.vector_load %arg12[%get3A_73] {strides = array<i32>} : memref<640xf32, #tpu.memory_space<vmem>>, vector<16xf32>,
      %add3A_75 = arith.addf %get3A_72, %get3A_74 : vector<16xf32>
      %swap3A_76 = arith.constant 32 : index
      %swap3A_77 = tpu.vector_load %arg10[%swap3A_76] {strides = array<i32>} : memref<640xf32, #tpu.memory_space<vmem>>, vector<16xf32>,
      tpu.vector_store %arg10[%swap3A_76], %add3A_75 {strides = array<i32>} : memref<640xf32, #tpu.memory_space<vmem>>, vector<16xf32>,
      %get3A_78 = arith.constant 32 : index
      %get3A_79 = tpu.vector_load %arg11[%get3A_78] {strides = array<i32>} : memref<640xf32, #tpu.memory_space<vmem>>, vector<16xf32>,
      %get3A_80 = arith.constant 32 : index
      %get3A_81 = tpu.vector_load %arg13[%get3A_80] {strides = array<i32>} : memref<640xf32, #tpu.memory_space<vmem>>, vector<16xf32>,
      %add3A_82 = arith.addf %get3A_79, %get3A_81 : vector<16xf32>
      %swap3A_83 = arith.constant 32 : index
      %swap3A_84 = tpu.vector_load %arg11[%swap3A_83] {strides = array<i32>} : memref<640xf32, #tpu.memory_space<vmem>>, vector<16xf32>,
      tpu.vector_store %arg11[%swap3A_83], %add3A_82 {strides = array<i32>} : memref<640xf32, #tpu.memory_space<vmem>>, vector<16xf32>,
      %get3A_85 = arith.constant 48 : index
      %get3A_86 = tpu.vector_load %arg10[%get3A_85] {strides = array<i32>} : memref<640xf32, #tpu.memory_space<vmem>>, vector<16xf32>,
      %get3A_87 = arith.constant 48 : index
      %get3A_88 = tpu.vector_load %arg12[%get3A_87] {strides = array<i32>} : memref<640xf32, #tpu.memory_space<vmem>>, vector<16xf32>,
      %add3A_89 = arith.addf %get3A_86, %get3A_88 : vector<16xf32>
      %swap3A_90 = arith.constant 48 : index
      %swap3A_91 = tpu.vector_load %arg10[%swap3A_90] {strides = array<i32>} : memref<640xf32, #tpu.memory_space<vmem>>, vector<16xf32>,
      tpu.vector_store %arg10[%swap3A_90], %add3A_89 {strides = array<i32>} : memref<640xf32, #tpu.memory_space<vmem>>, vector<16xf32>,
      %get3A_92 = arith.constant 48 : index
      %get3A_93 = tpu.vector_load %arg11[%get3A_92] {strides = array<i32>} : memref<640xf32, #tpu.memory_space<vmem>>, vector<16xf32>,
      %get3A_94 = arith.constant 48 : index
      %get3A_95 = tpu.vector_load %arg13[%get3A_94] {strides = array<i32>} : memref<640xf32, #tpu.memory_space<vmem>>, vector<16xf32>,
      %add3A_96 = arith.addf %get3A_93, %get3A_95 : vector<16xf32>
      %swap3A_97 = arith.constant 48 : index
      %swap3A_98 = tpu.vector_load %arg11[%swap3A_97] {strides = array<i32>} : memref<640xf32, #tpu.memory_space<vmem>>, vector<16xf32>,
      tpu.vector_store %arg11[%swap3A_97], %add3A_96 {strides = array<i32>} : memref<640xf32, #tpu.memory_space<vmem>>, vector<16xf32>,
      %get3A_99 = arith.constant 64 : index
      %get3A_100 = tpu.vector_load %arg10[%get3A_99] {strides = array<i32>} : memref<640xf32, #tpu.memory_space<vmem>>, vector<16xf32>,
      %get3A_101 = arith.constant 64 : index
      %get3A_102 = tpu.vector_load %arg12[%get3A_101] {strides = array<i32>} : memref<640xf32, #tpu.memory_space<vmem>>, vector<16xf32>,
      %add3A_103 = arith.addf %get3A_100, %get3A_102 : vector<16xf32>
      %swap3A_104 = arith.constant 64 : index
      %swap3A_105 = tpu.vector_load %arg10[%swap3A_104] {strides = array<i32>} : memref<640xf32, #tpu.memory_space<vmem>>, vector<16xf32>,
      tpu.vector_store %arg10[%swap3A_104], %add3A_103 {strides = array<i32>} : memref<640xf32, #tpu.memory_space<vmem>>, vector<16xf32>,
      %get3A_106 = arith.constant 64 : index
      %get3A_107 = tpu.vector_load %arg11[%get3A_106] {strides = array<i32>} : memref<640xf32, #tpu.memory_space<vmem>>, vector<16xf32>,
      %get3A_108 = arith.constant 64 : index
      %get3A_109 = tpu.vector_load %arg13[%get3A_108] {strides = array<i32>} : memref<640xf32, #tpu.memory_space<vmem>>, vector<16xf32>,
      %add3A_110 = arith.addf %get3A_107, %get3A_109 : vector<16xf32>
      %swap3A_111 = arith.constant 64 : index
      %swap3A_112 = tpu.vector_load %arg11[%swap3A_111] {strides = array<i32>} : memref<640xf32, #tpu.memory_space<vmem>>, vector<16xf32>,
      tpu.vector_store %arg11[%swap3A_111], %add3A_110 {strides = array<i32>} : memref<640xf32, #tpu.memory_space<vmem>>, vector<16xf32>,
      %get3A_113 = arith.constant 80 : index
      %get3A_114 = tpu.vector_load %arg10[%get3A_113] {strides = array<i32>} : memref<640xf32, #tpu.memory_space<vmem>>, vector<16xf32>,
      %get3A_115 = arith.constant 80 : index
      %get3A_116 = tpu.vector_load %arg12[%get3A_115] {strides = array<i32>} : memref<640xf32, #tpu.memory_space<vmem>>, vector<16xf32>,
      %add3A_117 = arith.addf %get3A_114, %get3A_116 : vector<16xf32>
      %swap3A_118 = arith.constant 80 : index
      %swap3A_119 = tpu.vector_load %arg10[%swap3A_118] {strides = array<i32>} : memref<640xf32, #tpu.memory_space<vmem>>, vector<16xf32>,
      tpu.vector_store %arg10[%swap3A_118], %add3A_117 {strides = array<i32>} : memref<640xf32, #tpu.memory_space<vmem>>, vector<16xf32>,
      %get3A_120 = arith.constant 80 : index
      %get3A_121 = tpu.vector_load %arg11[%get3A_120] {strides = array<i32>} : memref<640xf32, #tpu.memory_space<vmem>>, vector<16xf32>,
      %get3A_122 = arith.constant 80 : index
      %get3A_123 = tpu.vector_load %arg13[%get3A_122] {strides = array<i32>} : memref<640xf32, #tpu.memory_space<vmem>>, vector<16xf32>,
      %add3A_124 = arith.addf %get3A_121, %get3A_123 : vector<16xf32>
      %swap3A_125 = arith.constant 80 : index
      %swap3A_126 = tpu.vector_load %arg11[%swap3A_125] {strides = array<i32>} : memref<640xf32, #tpu.memory_space<vmem>>, vector<16xf32>,
      tpu.vector_store %arg11[%swap3A_125], %add3A_124 {strides = array<i32>} : memref<640xf32, #tpu.memory_space<vmem>>, vector<16xf32>,
      %get3A_127 = arith.constant 96 : index
      %get3A_128 = tpu.vector_load %arg10[%get3A_127] {strides = array<i32>} : memref<640xf32, #tpu.memory_space<vmem>>, vector<16xf32>,
      %get3A_129 = arith.constant 96 : index
      %get3A_130 = tpu.vector_load %arg12[%get3A_129] {strides = array<i32>} : memref<640xf32, #tpu.memory_space<vmem>>, vector<16xf32>,
      %add3A_131 = arith.addf %get3A_128, %get3A_130 : vector<16xf32>
      %swap3A_132 = arith.constant 96 : index
      %swap3A_133 = tpu.vector_load %arg10[%swap3A_132] {strides = array<i32>} : memref<640xf32, #tpu.memory_space<vmem>>, vector<16xf32>,
      tpu.vector_store %arg10[%swap3A_132], %add3A_131 {strides = array<i32>} : memref<640xf32, #tpu.memory_space<vmem>>, vector<16xf32>,
      %get3A_134 = arith.constant 96 : index
      %get3A_135 = tpu.vector_load %arg11[%get3A_134] {strides = array<i32>} : memref<640xf32, #tpu.memory_space<vmem>>, vector<16xf32>,
      %get3A_136 = arith.constant 96 : index
      %get3A_137 = tpu.vector_load %arg13[%get3A_136] {strides = array<i32>} : memref<640xf32, #tpu.memory_space<vmem>>, vector<16xf32>,
      %add3A_138 = arith.addf %get3A_135, %get3A_137 : vector<16xf32>
      %swap3A_139 = arith.constant 96 : index
      %swap3A_140 = tpu.vector_load %arg11[%swap3A_139] {strides = array<i32>} : memref<640xf32, #tpu.memory_space<vmem>>, vector<16xf32>,
      tpu.vector_store %arg11[%swap3A_139], %add3A_138 {strides = array<i32>} : memref<640xf32, #tpu.memory_space<vmem>>, vector<16xf32>,
      %get3A_141 = arith.constant 112 : index
      %get3A_142 = tpu.vector_load %arg10[%get3A_141] {strides = array<i32>} : memref<640xf32, #tpu.memory_space<vmem>>, vector<16xf32>,
      %get3A_143 = arith.constant 112 : index
      %get3A_144 = tpu.vector_load %arg12[%get3A_143] {strides = array<i32>} : memref<640xf32, #tpu.memory_space<vmem>>, vector<16xf32>,
      %add3A_145 = arith.addf %get3A_142, %get3A_144 : vector<16xf32>
      %swap3A_146 = arith.constant 112 : index
      %swap3A_147 = tpu.vector_load %arg10[%swap3A_146] {strides = array<i32>} : memref<640xf32, #tpu.memory_space<vmem>>, vector<16xf32>,
      tpu.vector_store %arg10[%swap3A_146], %add3A_145 {strides = array<i32>} : memref<640xf32, #tpu.memory_space<vmem>>, vector<16xf32>,
      %get3A_148 = arith.constant 112 : index
      %get3A_149 = tpu.vector_load %arg11[%get3A_148] {strides = array<i32>} : memref<640xf32, #tpu.memory_space<vmem>>, vector<16xf32>,
      %get3A_150 = arith.constant 112 : index
      %get3A_151 = tpu.vector_load %arg13[%get3A_150] {strides = array<i32>} : memref<640xf32, #tpu.memory_space<vmem>>, vector<16xf32>,
      %add3A_152 = arith.addf %get3A_149, %get3A_151 : vector<16xf32>
      %swap3A_153 = arith.constant 112 : index
      %swap3A_154 = tpu.vector_load %arg11[%swap3A_153] {strides = array<i32>} : memref<640xf32, #tpu.memory_space<vmem>>, vector<16xf32>,
      tpu.vector_store %arg11[%swap3A_153], %add3A_152 {strides = array<i32>} : memref<640xf32, #tpu.memory_space<vmem>>, vector<16xf32>,
      %get3A_155 = arith.constant 128 : index
      %get3A_156 = tpu.vector_load %arg10[%get3A_155] {strides = array<i32>} : memref<640xf32, #tpu.memory_space<vmem>>, vector<16xf32>,
      %get3A_157 = arith.constant 128 : index
      %get3A_158 = tpu.vector_load %arg12[%get3A_157] {strides = array<i32>} : memref<640xf32, #tpu.memory_space<vmem>>, vector<16xf32>,
      %add3A_159 = arith.addf %get3A_156, %get3A_158 : vector<16xf32>
      %swap3A_160 = arith.constant 128 : index
      %swap3A_161 = tpu.vector_load %arg10[%swap3A_160] {strides = array<i32>} : memref<640xf32, #tpu.memory_space<vmem>>, vector<16xf32>,
      tpu.vector_store %arg10[%swap3A_160], %add3A_159 {strides = array<i32>} : memref<640xf32, #tpu.memory_space<vmem>>, vector<16xf32>,
      %get3A_162 = arith.constant 128 : index
      %get3A_163 = tpu.vector_load %arg11[%get3A_162] {strides = array<i32>} : memref<640xf32, #tpu.memory_space<vmem>>, vector<16xf32>,
      %get3A_164 = arith.constant 128 : index
      %get3A_165 = tpu.vector_load %arg13[%get3A_164] {strides = array<i32>} : memref<640xf32, #tpu.memory_space<vmem>>, vector<16xf32>,
      %add3A_166 = arith.addf %get3A_163, %get3A_165 : vector<16xf32>
      %swap3A_167 = arith.constant 128 : index
      %swap3A_168 = tpu.vector_load %arg11[%swap3A_167] {strides = array<i32>} : memref<640xf32, #tpu.memory_space<vmem>>, vector<16xf32>,
      tpu.vector_store %arg11[%swap3A_167], %add3A_166 {strides = array<i32>} : memref<640xf32, #tpu.memory_space<vmem>>, vector<16xf32>,
      %get3A_169 = arith.constant 144 : index
      %get3A_170 = tpu.vector_load %arg10[%get3A_169] {strides = array<i32>} : memref<640xf32, #tpu.memory_space<vmem>>, vector<16xf32>,
      %get3A_171 = arith.constant 144 : index
      %get3A_172 = tpu.vector_load %arg12[%get3A_171] {strides = array<i32>} : memref<640xf32, #tpu.memory_space<vmem>>, vector<16xf32>,
      %add3A_173 = arith.addf %get3A_170, %get3A_172 : vector<16xf32>
      %swap3A_174 = arith.constant 144 : index
      %swap3A_175 = tpu.vector_load %arg10[%swap3A_174] {strides = array<i32>} : memref<640xf32, #tpu.memory_space<vmem>>, vector<16xf32>,
      tpu.vector_store %arg10[%swap3A_174], %add3A_173 {strides = array<i32>} : memref<640xf32, #tpu.memory_space<vmem>>, vector<16xf32>,
      %get3A_176 = arith.constant 144 : index
      %get3A_177 = tpu.vector_load %arg11[%get3A_176] {strides = array<i32>} : memref<640xf32, #tpu.memory_space<vmem>>, vector<16xf32>,
      %get3A_178 = arith.constant 144 : index
      %get3A_179 = tpu.vector_load %arg13[%get3A_178] {strides = array<i32>} : memref<640xf32, #tpu.memory_space<vmem>>, vector<16xf32>,
      %add3A_180 = arith.addf %get3A_177, %get3A_179 : vector<16xf32>
      %swap3A_181 = arith.constant 144 : index
      %swap3A_182 = tpu.vector_load %arg11[%swap3A_181] {strides = array<i32>} : memref<640xf32, #tpu.memory_space<vmem>>, vector<16xf32>,
      tpu.vector_store %arg11[%swap3A_181], %add3A_180 {strides = array<i32>} : memref<640xf32, #tpu.memory_space<vmem>>, vector<16xf32>,
      %get3A_183 = arith.constant 160 : index
      %get3A_184 = tpu.vector_load %arg10[%get3A_183] {strides = array<i32>} : memref<640xf32, #tpu.memory_space<vmem>>, vector<16xf32>,
      %get3A_185 = arith.constant 160 : index
      %get3A_186 = tpu.vector_load %arg12[%get3A_185] {strides = array<i32>} : memref<640xf32, #tpu.memory_space<vmem>>, vector<16xf32>,
      %add3A_187 = arith.addf %get3A_184, %get3A_186 : vector<16xf32>
      %swap3A_188 = arith.constant 160 : index
      %swap3A_189 = tpu.vector_load %arg10[%swap3A_188] {strides = array<i32>} : memref<640xf32, #tpu.memory_space<vmem>>, vector<16xf32>,
      tpu.vector_store %arg10[%swap3A_188], %add3A_187 {strides = array<i32>} : memref<640xf32, #tpu.memory_space<vmem>>, vector<16xf32>,
      %get3A_190 = arith.constant 160 : index
      %get3A_191 = tpu.vector_load %arg11[%get3A_190] {strides = array<i32>} : memref<640xf32, #tpu.memory_space<vmem>>, vector<16xf32>,
      %get3A_192 = arith.constant 160 : index
      %get3A_193 = tpu.vector_load %arg13[%get3A_192] {strides = array<i32>} : memref<640xf32, #tpu.memory_space<vmem>>, vector<16xf32>,
      %add3A_194 = arith.addf %get3A_191, %get3A_193 : vector<16xf32>
      %swap3A_195 = arith.constant 160 : index
      %swap3A_196 = tpu.vector_load %arg11[%swap3A_195] {strides = array<i32>} : memref<640xf32, #tpu.memory_space<vmem>>, vector<16xf32>,
      tpu.vector_store %arg11[%swap3A_195], %add3A_194 {strides = array<i32>} : memref<640xf32, #tpu.memory_space<vmem>>, vector<16xf32>,
      %get3A_197 = arith.constant 176 : index
      %get3A_198 = tpu.vector_load %arg10[%get3A_197] {strides = array<i32>} : memref<640xf32, #tpu.memory_space<vmem>>, vector<16xf32>,
      %get3A_199 = arith.constant 176 : index
      %get3A_200 = tpu.vector_load %arg12[%get3A_199] {strides = array<i32>} : memref<640xf32, #tpu.memory_space<vmem>>, vector<16xf32>,
      %add3A_201 = arith.addf %get3A_198, %get3A_200 : vector<16xf32>
      %swap3A_202 = arith.constant 176 : index
      %swap3A_203 = tpu.vector_load %arg10[%swap3A_202] {strides = array<i32>} : memref<640xf32, #tpu.memory_space<vmem>>, vector<16xf32>,
      tpu.vector_store %arg10[%swap3A_202], %add3A_201 {strides = array<i32>} : memref<640xf32, #tpu.memory_space<vmem>>, vector<16xf32>,
      %get3A_204 = arith.constant 176 : index
      %get3A_205 = tpu.vector_load %arg11[%get3A_204] {strides = array<i32>} : memref<640xf32, #tpu.memory_space<vmem>>, vector<16xf32>,
      %get3A_206 = arith.constant 176 : index
      %get3A_207 = tpu.vector_load %arg13[%get3A_206] {strides = array<i32>} : memref<640xf32, #tpu.memory_space<vmem>>, vector<16xf32>,
      %add3A_208 = arith.addf %get3A_205, %get3A_207 : vector<16xf32>
      %swap3A_209 = arith.constant 176 : index
      %swap3A_210 = tpu.vector_load %arg11[%swap3A_209] {strides = array<i32>} : memref<640xf32, #tpu.memory_space<vmem>>, vector<16xf32>,
      tpu.vector_store %arg11[%swap3A_209], %add3A_208 {strides = array<i32>} : memref<640xf32, #tpu.memory_space<vmem>>, vector<16xf32>,
      %get3A_211 = arith.constant 192 : index
      %get3A_212 = tpu.vector_load %arg10[%get3A_211] {strides = array<i32>} : memref<640xf32, #tpu.memory_space<vmem>>, vector<16xf32>,
      %get3A_213 = arith.constant 192 : index
      %get3A_214 = tpu.vector_load %arg12[%get3A_213] {strides = array<i32>} : memref<640xf32, #tpu.memory_space<vmem>>, vector<16xf32>,
      %add3A_215 = arith.addf %get3A_212, %get3A_214 : vector<16xf32>
      %swap3A_216 = arith.constant 192 : index
      %swap3A_217 = tpu.vector_load %arg10[%swap3A_216] {strides = array<i32>} : memref<640xf32, #tpu.memory_space<vmem>>, vector<16xf32>,
      tpu.vector_store %arg10[%swap3A_216], %add3A_215 {strides = array<i32>} : memref<640xf32, #tpu.memory_space<vmem>>, vector<16xf32>,
      %get3A_218 = arith.constant 192 : index
      %get3A_219 = tpu.vector_load %arg11[%get3A_218] {strides = array<i32>} : memref<640xf32, #tpu.memory_space<vmem>>, vector<16xf32>,
      %get3A_220 = arith.constant 192 : index
      %get3A_221 = tpu.vector_load %arg13[%get3A_220] {strides = array<i32>} : memref<640xf32, #tpu.memory_space<vmem>>, vector<16xf32>,
      %add3A_222 = arith.addf %get3A_219, %get3A_221 : vector<16xf32>
      %swap3A_223 = arith.constant 192 : index
      %swap3A_224 = tpu.vector_load %arg11[%swap3A_223] {strides = array<i32>} : memref<640xf32, #tpu.memory_space<vmem>>, vector<16xf32>,
      tpu.vector_store %arg11[%swap3A_223], %add3A_222 {strides = array<i32>} : memref<640xf32, #tpu.memory_space<vmem>>, vector<16xf32>,
      %get3A_225 = arith.constant 208 : index
      %get3A_226 = tpu.vector_load %arg10[%get3A_225] {strides = array<i32>} : memref<640xf32, #tpu.memory_space<vmem>>, vector<16xf32>,
      %get3A_227 = arith.constant 208 : index
      %get3A_228 = tpu.vector_load %arg12[%get3A_227] {strides = array<i32>} : memref<640xf32, #tpu.memory_space<vmem>>, vector<16xf32>,
      %add3A_229 = arith.addf %get3A_226, %get3A_228 : vector<16xf32>
      %swap3A_230 = arith.constant 208 : index
      %swap3A_231 = tpu.vector_load %arg10[%swap3A_230] {strides = array<i32>} : memref<640xf32, #tpu.memory_space<vmem>>, vector<16xf32>,
      tpu.vector_store %arg10[%swap3A_230], %add3A_229 {strides = array<i32>} : memref<640xf32, #tpu.memory_space<vmem>>, vector<16xf32>,
      %get3A_232 = arith.constant 208 : index
      %get3A_233 = tpu.vector_load %arg11[%get3A_232] {strides = array<i32>} : memref<640xf32, #tpu.memory_space<vmem>>, vector<16xf32>,
      %get3A_234 = arith.constant 208 : index
      %get3A_235 = tpu.vector_load %arg13[%get3A_234] {strides = array<i32>} : memref<640xf32, #tpu.memory_space<vmem>>, vector<16xf32>,
      %add3A_236 = arith.addf %get3A_233, %get3A_235 : vector<16xf32>
      %swap3A_237 = arith.constant 208 : index
      %swap3A_238 = tpu.vector_load %arg11[%swap3A_237] {strides = array<i32>} : memref<640xf32, #tpu.memory_space<vmem>>, vector<16xf32>,
      tpu.vector_store %arg11[%swap3A_237], %add3A_236 {strides = array<i32>} : memref<640xf32, #tpu.memory_space<vmem>>, vector<16xf32>,
      %get3A_239 = arith.constant 224 : index
      %get3A_240 = tpu.vector_load %arg10[%get3A_239] {strides = array<i32>} : memref<640xf32, #tpu.memory_space<vmem>>, vector<16xf32>,
      %get3A_241 = arith.constant 224 : index
      %get3A_242 = tpu.vector_load %arg12[%get3A_241] {strides = array<i32>} : memref<640xf32, #tpu.memory_space<vmem>>, vector<16xf32>,
      %add3A_243 = arith.addf %get3A_240, %get3A_242 : vector<16xf32>
      %swap3A_244 = arith.constant 224 : index
      %swap3A_245 = tpu.vector_load %arg10[%swap3A_244] {strides = array<i32>} : memref<640xf32, #tpu.memory_space<vmem>>, vector<16xf32>,
      tpu.vector_store %arg10[%swap3A_244], %add3A_243 {strides = array<i32>} : memref<640xf32, #tpu.memory_space<vmem>>, vector<16xf32>,
      %get3A_246 = arith.constant 224 : index
      %get3A_247 = tpu.vector_load %arg11[%get3A_246] {strides = array<i32>} : memref<640xf32, #tpu.memory_space<vmem>>, vector<16xf32>,
      %get3A_248 = arith.constant 224 : index
      %get3A_249 = tpu.vector_load %arg13[%get3A_248] {strides = array<i32>} : memref<640xf32, #tpu.memory_space<vmem>>, vector<16xf32>,
      %add3A_250 = arith.addf %get3A_247, %get3A_249 : vector<16xf32>
      %swap3A_251 = arith.constant 224 : index
      %swap3A_252 = tpu.vector_load %arg11[%swap3A_251] {strides = array<i32>} : memref<640xf32, #tpu.memory_space<vmem>>, vector<16xf32>,
      tpu.vector_store %arg11[%swap3A_251], %add3A_250 {strides = array<i32>} : memref<640xf32, #tpu.memory_space<vmem>>, vector<16xf32>,
      %get3A_253 = arith.constant 240 : index
      %get3A_254 = tpu.vector_load %arg10[%get3A_253] {strides = array<i32>} : memref<640xf32, #tpu.memory_space<vmem>>, vector<16xf32>,
      %get3A_255 = arith.constant 240 : index
      %get3A_256 = tpu.vector_load %arg12[%get3A_255] {strides = array<i32>} : memref<640xf32, #tpu.memory_space<vmem>>, vector<16xf32>,
      %add3A_257 = arith.addf %get3A_254, %get3A_256 : vector<16xf32>
      %swap3A_258 = arith.constant 240 : index
      %swap3A_259 = tpu.vector_load %arg10[%swap3A_258] {strides = array<i32>} : memref<640xf32, #tpu.memory_space<vmem>>, vector<16xf32>,
      tpu.vector_store %arg10[%swap3A_258], %add3A_257 {strides = array<i32>} : memref<640xf32, #tpu.memory_space<vmem>>, vector<16xf32>,
      %get3A_260 = arith.constant 240 : index
      %get3A_261 = tpu.vector_load %arg11[%get3A_260] {strides = array<i32>} : memref<640xf32, #tpu.memory_space<vmem>>, vector<16xf32>,
      %get3A_262 = arith.constant 240 : index
      %get3A_263 = tpu.vector_load %arg13[%get3A_262] {strides = array<i32>} : memref<640xf32, #tpu.memory_space<vmem>>, vector<16xf32>,
      %add3A_264 = arith.addf %get3A_261, %get3A_263 : vector<16xf32>
      %swap3A_265 = arith.constant 240 : index
      %swap3A_266 = tpu.vector_load %arg11[%swap3A_265] {strides = array<i32>} : memref<640xf32, #tpu.memory_space<vmem>>, vector<16xf32>,
      tpu.vector_store %arg11[%swap3A_265], %add3A_264 {strides = array<i32>} : memref<640xf32, #tpu.memory_space<vmem>>, vector<16xf32>,
      %get3A_267 = arith.constant 256 : index
      %get3A_268 = tpu.vector_load %arg10[%get3A_267] {strides = array<i32>} : memref<640xf32, #tpu.memory_space<vmem>>, vector<16xf32>,
      %get3A_269 = arith.constant 256 : index
      %get3A_270 = tpu.vector_load %arg12[%get3A_269] {strides = array<i32>} : memref<640xf32, #tpu.memory_space<vmem>>, vector<16xf32>,
      %add3A_271 = arith.addf %get3A_268, %get3A_270 : vector<16xf32>
      %swap3A_272 = arith.constant 256 : index
      %swap3A_273 = tpu.vector_load %arg10[%swap3A_272] {strides = array<i32>} : memref<640xf32, #tpu.memory_space<vmem>>, vector<16xf32>,
      tpu.vector_store %arg10[%swap3A_272], %add3A_271 {strides = array<i32>} : memref<640xf32, #tpu.memory_space<vmem>>, vector<16xf32>,
      %get3A_274 = arith.constant 256 : index
      %get3A_275 = tpu.vector_load %arg11[%get3A_274] {strides = array<i32>} : memref<640xf32, #tpu.memory_space<vmem>>, vector<16xf32>,
      %get3A_276 = arith.constant 256 : index
      %get3A_277 = tpu.vector_load %arg13[%get3A_276] {strides = array<i32>} : memref<640xf32, #tpu.memory_space<vmem>>, vector<16xf32>,
      %add3A_278 = arith.addf %get3A_275, %get3A_277 : vector<16xf32>
      %swap3A_279 = arith.constant 256 : index
      %swap3A_280 = tpu.vector_load %arg11[%swap3A_279] {strides = array<i32>} : memref<640xf32, #tpu.memory_space<vmem>>, vector<16xf32>,
      tpu.vector_store %arg11[%swap3A_279], %add3A_278 {strides = array<i32>} : memref<640xf32, #tpu.memory_space<vmem>>, vector<16xf32>,
      %get3A_281 = arith.constant 272 : index
      %get3A_282 = tpu.vector_load %arg10[%get3A_281] {strides = array<i32>} : memref<640xf32, #tpu.memory_space<vmem>>, vector<16xf32>,
      %get3A_283 = arith.constant 272 : index
      %get3A_284 = tpu.vector_load %arg12[%get3A_283] {strides = array<i32>} : memref<640xf32, #tpu.memory_space<vmem>>, vector<16xf32>,
      %add3A_285 = arith.addf %get3A_282, %get3A_284 : vector<16xf32>
      %swap3A_286 = arith.constant 272 : index
      %swap3A_287 = tpu.vector_load %arg10[%swap3A_286] {strides = array<i32>} : memref<640xf32, #tpu.memory_space<vmem>>, vector<16xf32>,
      tpu.vector_store %arg10[%swap3A_286], %add3A_285 {strides = array<i32>} : memref<640xf32, #tpu.memory_space<vmem>>, vector<16xf32>,
      %get3A_288 = arith.constant 272 : index
      %get3A_289 = tpu.vector_load %arg11[%get3A_288] {strides = array<i32>} : memref<640xf32, #tpu.memory_space<vmem>>, vector<16xf32>,
      %get3A_290 = arith.constant 272 : index
      %get3A_291 = tpu.vector_load %arg13[%get3A_290] {strides = array<i32>} : memref<640xf32, #tpu.memory_space<vmem>>, vector<16xf32>,
      %add3A_292 = arith.addf %get3A_289, %get3A_291 : vector<16xf32>
      %swap3A_293 = arith.constant 272 : index
      %swap3A_294 = tpu.vector_load %arg11[%swap3A_293] {strides = array<i32>} : memref<640xf32, #tpu.memory_space<vmem>>, vector<16xf32>,
      tpu.vector_store %arg11[%swap3A_293], %add3A_292 {strides = array<i32>} : memref<640xf32, #tpu.memory_space<vmem>>, vector<16xf32>,
      %get3A_295 = arith.constant 288 : index
      %get3A_296 = tpu.vector_load %arg10[%get3A_295] {strides = array<i32>} : memref<640xf32, #tpu.memory_space<vmem>>, vector<16xf32>,
      %get3A_297 = arith.constant 288 : index
      %get3A_298 = tpu.vector_load %arg12[%get3A_297] {strides = array<i32>} : memref<640xf32, #tpu.memory_space<vmem>>, vector<16xf32>,
      %add3A_299 = arith.addf %get3A_296, %get3A_298 : vector<16xf32>
      %swap3A_300 = arith.constant 288 : index
      %swap3A_301 = tpu.vector_load %arg10[%swap3A_300] {strides = array<i32>} : memref<640xf32, #tpu.memory_space<vmem>>, vector<16xf32>,
      tpu.vector_store %arg10[%swap3A_300], %add3A_299 {strides = array<i32>} : memref<640xf32, #tpu.memory_space<vmem>>, vector<16xf32>,
      %get3A_302 = arith.constant 288 : index
      %get3A_303 = tpu.vector_load %arg11[%get3A_302] {strides = array<i32>} : memref<640xf32, #tpu.memory_space<vmem>>, vector<16xf32>,
      %get3A_304 = arith.constant 288 : index
      %get3A_305 = tpu.vector_load %arg13[%get3A_304] {strides = array<i32>} : memref<640xf32, #tpu.memory_space<vmem>>, vector<16xf32>,
      %add3A_306 = arith.addf %get3A_303, %get3A_305 : vector<16xf32>
      %swap3A_307 = arith.constant 288 : index
      %swap3A_308 = tpu.vector_load %arg11[%swap3A_307] {strides = array<i32>} : memref<640xf32, #tpu.memory_space<vmem>>, vector<16xf32>,
      tpu.vector_store %arg11[%swap3A_307], %add3A_306 {strides = array<i32>} : memref<640xf32, #tpu.memory_space<vmem>>, vector<16xf32>,
      %get3A_309 = arith.constant 304 : index
      %get3A_310 = tpu.vector_load %arg10[%get3A_309] {strides = array<i32>} : memref<640xf32, #tpu.memory_space<vmem>>, vector<16xf32>,
      %get3A_311 = arith.constant 304 : index
      %get3A_312 = tpu.vector_load %arg12[%get3A_311] {strides = array<i32>} : memref<640xf32, #tpu.memory_space<vmem>>, vector<16xf32>,
      %add3A_313 = arith.addf %get3A_310, %get3A_312 : vector<16xf32>
      %swap3A_314 = arith.constant 304 : index
      %swap3A_315 = tpu.vector_load %arg10[%swap3A_314] {strides = array<i32>} : memref<640xf32, #tpu.memory_space<vmem>>, vector<16xf32>,
      tpu.vector_store %arg10[%swap3A_314], %add3A_313 {strides = array<i32>} : memref<640xf32, #tpu.memory_space<vmem>>, vector<16xf32>,
      %get3A_316 = arith.constant 304 : index
      %get3A_317 = tpu.vector_load %arg11[%get3A_316] {strides = array<i32>} : memref<640xf32, #tpu.memory_space<vmem>>, vector<16xf32>,
      %get3A_318 = arith.constant 304 : index
      %get3A_319 = tpu.vector_load %arg13[%get3A_318] {strides = array<i32>} : memref<640xf32, #tpu.memory_space<vmem>>, vector<16xf32>,
      %add3A_320 = arith.addf %get3A_317, %get3A_319 : vector<16xf32>
      %swap3A_321 = arith.constant 304 : index
      %swap3A_322 = tpu.vector_load %arg11[%swap3A_321] {strides = array<i32>} : memref<640xf32, #tpu.memory_space<vmem>>, vector<16xf32>,
      tpu.vector_store %arg11[%swap3A_321], %add3A_320 {strides = array<i32>} : memref<640xf32, #tpu.memory_space<vmem>>, vector<16xf32>,
      %get3A_323 = arith.constant 320 : index
      %get3A_324 = tpu.vector_load %arg10[%get3A_323] {strides = array<i32>} : memref<640xf32, #tpu.memory_space<vmem>>, vector<16xf32>,
      %get3A_325 = arith.constant 320 : index
      %get3A_326 = tpu.vector_load %arg12[%get3A_325] {strides = array<i32>} : memref<640xf32, #tpu.memory_space<vmem>>, vector<16xf32>,
      %add3A_327 = arith.addf %get3A_324, %get3A_326 : vector<16xf32>
      %swap3A_328 = arith.constant 320 : index
      %swap3A_329 = tpu.vector_load %arg10[%swap3A_328] {strides = array<i32>} : memref<640xf32, #tpu.memory_space<vmem>>, vector<16xf32>,
      tpu.vector_store %arg10[%swap3A_328], %add3A_327 {strides = array<i32>} : memref<640xf32, #tpu.memory_space<vmem>>, vector<16xf32>,
      %get3A_330 = arith.constant 320 : index
      %get3A_331 = tpu.vector_load %arg11[%get3A_330] {strides = array<i32>} : memref<640xf32, #tpu.memory_space<vmem>>, vector<16xf32>,
      %get3A_332 = arith.constant 320 : index
      %get3A_333 = tpu.vector_load %arg13[%get3A_332] {strides = array<i32>} : memref<640xf32, #tpu.memory_space<vmem>>, vector<16xf32>,
      %add3A_334 = arith.addf %get3A_331, %get3A_333 : vector<16xf32>
      %swap3A_335 = arith.constant 320 : index
      %swap3A_336 = tpu.vector_load %arg11[%swap3A_335] {strides = array<i32>} : memref<640xf32, #tpu.memory_space<vmem>>, vector<16xf32>,
      tpu.vector_store %arg11[%swap3A_335], %add3A_334 {strides = array<i32>} : memref<640xf32, #tpu.memory_space<vmem>>, vector<16xf32>,
      %get3A_337 = arith.constant 336 : index
      %get3A_338 = tpu.vector_load %arg10[%get3A_337] {strides = array<i32>} : memref<640xf32, #tpu.memory_space<vmem>>, vector<16xf32>,
      %get3A_339 = arith.constant 336 : index
      %get3A_340 = tpu.vector_load %arg12[%get3A_339] {strides = array<i32>} : memref<640xf32, #tpu.memory_space<vmem>>, vector<16xf32>,
      %add3A_341 = arith.addf %get3A_338, %get3A_340 : vector<16xf32>
      %swap3A_342 = arith.constant 336 : index
      %swap3A_343 = tpu.vector_load %arg10[%swap3A_342] {strides = array<i32>} : memref<640xf32, #tpu.memory_space<vmem>>, vector<16xf32>,
      tpu.vector_store %arg10[%swap3A_342], %add3A_341 {strides = array<i32>} : memref<640xf32, #tpu.memory_space<vmem>>, vector<16xf32>,
      %get3A_344 = arith.constant 336 : index
      %get3A_345 = tpu.vector_load %arg11[%get3A_344] {strides = array<i32>} : memref<640xf32, #tpu.memory_space<vmem>>, vector<16xf32>,
      %get3A_346 = arith.constant 336 : index
      %get3A_347 = tpu.vector_load %arg13[%get3A_346] {strides = array<i32>} : memref<640xf32, #tpu.memory_space<vmem>>, vector<16xf32>,
      %add3A_348 = arith.addf %get3A_345, %get3A_347 : vector<16xf32>
      %swap3A_349 = arith.constant 336 : index
      %swap3A_350 = tpu.vector_load %arg11[%swap3A_349] {strides = array<i32>} : memref<640xf32, #tpu.memory_space<vmem>>, vector<16xf32>,
      tpu.vector_store %arg11[%swap3A_349], %add3A_348 {strides = array<i32>} : memref<640xf32, #tpu.memory_space<vmem>>, vector<16xf32>,
      %get3A_351 = arith.constant 352 : index
      %get3A_352 = tpu.vector_load %arg10[%get3A_351] {strides = array<i32>} : memref<640xf32, #tpu.memory_space<vmem>>, vector<16xf32>,
      %get3A_353 = arith.constant 352 : index
      %get3A_354 = tpu.vector_load %arg12[%get3A_353] {strides = array<i32>} : memref<640xf32, #tpu.memory_space<vmem>>, vector<16xf32>,
      %add3A_355 = arith.addf %get3A_352, %get3A_354 : vector<16xf32>
      %swap3A_356 = arith.constant 352 : index
      %swap3A_357 = tpu.vector_load %arg10[%swap3A_356] {strides = array<i32>} : memref<640xf32, #tpu.memory_space<vmem>>, vector<16xf32>,
      tpu.vector_store %arg10[%swap3A_356], %add3A_355 {strides = array<i32>} : memref<640xf32, #tpu.memory_space<vmem>>, vector<16xf32>,
      %get3A_358 = arith.constant 352 : index
      %get3A_359 = tpu.vector_load %arg11[%get3A_358] {strides = array<i32>} : memref<640xf32, #tpu.memory_space<vmem>>, vector<16xf32>,
      %get3A_360 = arith.constant 352 : index
      %get3A_361 = tpu.vector_load %arg13[%get3A_360] {strides = array<i32>} : memref<640xf32, #tpu.memory_space<vmem>>, vector<16xf32>,
      %add3A_362 = arith.addf %get3A_359, %get3A_361 : vector<16xf32>
      %swap3A_363 = arith.constant 352 : index
      %swap3A_364 = tpu.vector_load %arg11[%swap3A_363] {strides = array<i32>} : memref<640xf32, #tpu.memory_space<vmem>>, vector<16xf32>,
      tpu.vector_store %arg11[%swap3A_363], %add3A_362 {strides = array<i32>} : memref<640xf32, #tpu.memory_space<vmem>>, vector<16xf32>,
      %get3A_365 = arith.constant 368 : index
      %get3A_366 = tpu.vector_load %arg10[%get3A_365] {strides = array<i32>} : memref<640xf32, #tpu.memory_space<vmem>>, vector<16xf32>,
      %get3A_367 = arith.constant 368 : index
      %get3A_368 = tpu.vector_load %arg12[%get3A_367] {strides = array<i32>} : memref<640xf32, #tpu.memory_space<vmem>>, vector<16xf32>,
      %add3A_369 = arith.addf %get3A_366, %get3A_368 : vector<16xf32>
      %swap3A_370 = arith.constant 368 : index
      %swap3A_371 = tpu.vector_load %arg10[%swap3A_370] {strides = array<i32>} : memref<640xf32, #tpu.memory_space<vmem>>, vector<16xf32>,
      tpu.vector_store %arg10[%swap3A_370], %add3A_369 {strides = array<i32>} : memref<640xf32, #tpu.memory_space<vmem>>, vector<16xf32>,
      %get3A_372 = arith.constant 368 : index
      %get3A_373 = tpu.vector_load %arg11[%get3A_372] {strides = array<i32>} : memref<640xf32, #tpu.memory_space<vmem>>, vector<16xf32>,
      %get3A_374 = arith.constant 368 : index
      %get3A_375 = tpu.vector_load %arg13[%get3A_374] {strides = array<i32>} : memref<640xf32, #tpu.memory_space<vmem>>, vector<16xf32>,
      %add3A_376 = arith.addf %get3A_373, %get3A_375 : vector<16xf32>
      %swap3A_377 = arith.constant 368 : index
      %swap3A_378 = tpu.vector_load %arg11[%swap3A_377] {strides = array<i32>} : memref<640xf32, #tpu.memory_space<vmem>>, vector<16xf32>,
      tpu.vector_store %arg11[%swap3A_377], %add3A_376 {strides = array<i32>} : memref<640xf32, #tpu.memory_space<vmem>>, vector<16xf32>,
      %get3A_379 = arith.constant 384 : index
      %get3A_380 = tpu.vector_load %arg10[%get3A_379] {strides = array<i32>} : memref<640xf32, #tpu.memory_space<vmem>>, vector<16xf32>,
      %get3A_381 = arith.constant 384 : index
      %get3A_382 = tpu.vector_load %arg12[%get3A_381] {strides = array<i32>} : memref<640xf32, #tpu.memory_space<vmem>>, vector<16xf32>,
      %add3A_383 = arith.addf %get3A_380, %get3A_382 : vector<16xf32>
      %swap3A_384 = arith.constant 384 : index
      %swap3A_385 = tpu.vector_load %arg10[%swap3A_384] {strides = array<i32>} : memref<640xf32, #tpu.memory_space<vmem>>, vector<16xf32>,
      tpu.vector_store %arg10[%swap3A_384], %add3A_383 {strides = array<i32>} : memref<640xf32, #tpu.memory_space<vmem>>, vector<16xf32>,
      %get3A_386 = arith.constant 384 : index
      %get3A_387 = tpu.vector_load %arg11[%get3A_386] {strides = array<i32>} : memref<640xf32, #tpu.memory_space<vmem>>, vector<16xf32>,
      %get3A_388 = arith.constant 384 : index
      %get3A_389 = tpu.vector_load %arg13[%get3A_388] {strides = array<i32>} : memref<640xf32, #tpu.memory_space<vmem>>, vector<16xf32>,
      %add3A_390 = arith.addf %get3A_387, %get3A_389 : vector<16xf32>
      %swap3A_391 = arith.constant 384 : index
      %swap3A_392 = tpu.vector_load %arg11[%swap3A_391] {strides = array<i32>} : memref<640xf32, #tpu.memory_space<vmem>>, vector<16xf32>,
      tpu.vector_store %arg11[%swap3A_391], %add3A_390 {strides = array<i32>} : memref<640xf32, #tpu.memory_space<vmem>>, vector<16xf32>,
      %get3A_393 = arith.constant 400 : index
      %get3A_394 = tpu.vector_load %arg10[%get3A_393] {strides = array<i32>} : memref<640xf32, #tpu.memory_space<vmem>>, vector<16xf32>,
      %get3A_395 = arith.constant 400 : index
      %get3A_396 = tpu.vector_load %arg12[%get3A_395] {strides = array<i32>} : memref<640xf32, #tpu.memory_space<vmem>>, vector<16xf32>,
      %add3A_397 = arith.addf %get3A_394, %get3A_396 : vector<16xf32>
      %swap3A_398 = arith.constant 400 : index
      %swap3A_399 = tpu.vector_load %arg10[%swap3A_398] {strides = array<i32>} : memref<640xf32, #tpu.memory_space<vmem>>, vector<16xf32>,
      tpu.vector_store %arg10[%swap3A_398], %add3A_397 {strides = array<i32>} : memref<640xf32, #tpu.memory_space<vmem>>, vector<16xf32>,
      %get3A_400 = arith.constant 400 : index
      %get3A_401 = tpu.vector_load %arg11[%get3A_400] {strides = array<i32>} : memref<640xf32, #tpu.memory_space<vmem>>, vector<16xf32>,
      %get3A_402 = arith.constant 400 : index
      %get3A_403 = tpu.vector_load %arg13[%get3A_402] {strides = array<i32>} : memref<640xf32, #tpu.memory_space<vmem>>, vector<16xf32>,
      %add3A_404 = arith.addf %get3A_401, %get3A_403 : vector<16xf32>
      %swap3A_405 = arith.constant 400 : index
      %swap3A_406 = tpu.vector_load %arg11[%swap3A_405] {strides = array<i32>} : memref<640xf32, #tpu.memory_space<vmem>>, vector<16xf32>,
      tpu.vector_store %arg11[%swap3A_405], %add3A_404 {strides = array<i32>} : memref<640xf32, #tpu.memory_space<vmem>>, vector<16xf32>,
      %get3A_407 = arith.constant 416 : index
      %get3A_408 = tpu.vector_load %arg10[%get3A_407] {strides = array<i32>} : memref<640xf32, #tpu.memory_space<vmem>>, vector<16xf32>,
      %get3A_409 = arith.constant 416 : index
      %get3A_410 = tpu.vector_load %arg12[%get3A_409] {strides = array<i32>} : memref<640xf32, #tpu.memory_space<vmem>>, vector<16xf32>,
      %add3A_411 = arith.addf %get3A_408, %get3A_410 : vector<16xf32>
      %swap3A_412 = arith.constant 416 : index
      %swap3A_413 = tpu.vector_load %arg10[%swap3A_412] {strides = array<i32>} : memref<640xf32, #tpu.memory_space<vmem>>, vector<16xf32>,
      tpu.vector_store %arg10[%swap3A_412], %add3A_411 {strides = array<i32>} : memref<640xf32, #tpu.memory_space<vmem>>, vector<16xf32>,
      %get3A_414 = arith.constant 416 : index
      %get3A_415 = tpu.vector_load %arg11[%get3A_414] {strides = array<i32>} : memref<640xf32, #tpu.memory_space<vmem>>, vector<16xf32>,
      %get3A_416 = arith.constant 416 : index
      %get3A_417 = tpu.vector_load %arg13[%get3A_416] {strides = array<i32>} : memref<640xf32, #tpu.memory_space<vmem>>, vector<16xf32>,
      %add3A_418 = arith.addf %get3A_415, %get3A_417 : vector<16xf32>
      %swap3A_419 = arith.constant 416 : index
      %swap3A_420 = tpu.vector_load %arg11[%swap3A_419] {strides = array<i32>} : memref<640xf32, #tpu.memory_space<vmem>>, vector<16xf32>,
      tpu.vector_store %arg11[%swap3A_419], %add3A_418 {strides = array<i32>} : memref<640xf32, #tpu.memory_space<vmem>>, vector<16xf32>,
      %get3A_421 = arith.constant 432 : index
      %get3A_422 = tpu.vector_load %arg10[%get3A_421] {strides = array<i32>} : memref<640xf32, #tpu.memory_space<vmem>>, vector<16xf32>,
      %get3A_423 = arith.constant 432 : index
      %get3A_424 = tpu.vector_load %arg12[%get3A_423] {strides = array<i32>} : memref<640xf32, #tpu.memory_space<vmem>>, vector<16xf32>,
      %add3A_425 = arith.addf %get3A_422, %get3A_424 : vector<16xf32>
      %swap3A_426 = arith.constant 432 : index
      %swap3A_427 = tpu.vector_load %arg10[%swap3A_426] {strides = array<i32>} : memref<640xf32, #tpu.memory_space<vmem>>, vector<16xf32>,
      tpu.vector_store %arg10[%swap3A_426], %add3A_425 {strides = array<i32>} : memref<640xf32, #tpu.memory_space<vmem>>, vector<16xf32>,
      %get3A_428 = arith.constant 432 : index
      %get3A_429 = tpu.vector_load %arg11[%get3A_428] {strides = array<i32>} : memref<640xf32, #tpu.memory_space<vmem>>, vector<16xf32>,
      %get3A_430 = arith.constant 432 : index
      %get3A_431 = tpu.vector_load %arg13[%get3A_430] {strides = array<i32>} : memref<640xf32, #tpu.memory_space<vmem>>, vector<16xf32>,
      %add3A_432 = arith.addf %get3A_429, %get3A_431 : vector<16xf32>
      %swap3A_433 = arith.constant 432 : index
      %swap3A_434 = tpu.vector_load %arg11[%swap3A_433] {strides = array<i32>} : memref<640xf32, #tpu.memory_space<vmem>>, vector<16xf32>,
      tpu.vector_store %arg11[%swap3A_433], %add3A_432 {strides = array<i32>} : memref<640xf32, #tpu.memory_space<vmem>>, vector<16xf32>,
      %get3A_435 = arith.constant 448 : index
      %get3A_436 = tpu.vector_load %arg10[%get3A_435] {strides = array<i32>} : memref<640xf32, #tpu.memory_space<vmem>>, vector<16xf32>,
      %get3A_437 = arith.constant 448 : index
      %get3A_438 = tpu.vector_load %arg12[%get3A_437] {strides = array<i32>} : memref<640xf32, #tpu.memory_space<vmem>>, vector<16xf32>,
      %add3A_439 = arith.addf %get3A_436, %get3A_438 : vector<16xf32>
      %swap3A_440 = arith.constant 448 : index
      %swap3A_441 = tpu.vector_load %arg10[%swap3A_440] {strides = array<i32>} : memref<640xf32, #tpu.memory_space<vmem>>, vector<16xf32>,
      tpu.vector_store %arg10[%swap3A_440], %add3A_439 {strides = array<i32>} : memref<640xf32, #tpu.memory_space<vmem>>, vector<16xf32>,
      %get3A_442 = arith.constant 448 : index
      %get3A_443 = tpu.vector_load %arg11[%get3A_442] {strides = array<i32>} : memref<640xf32, #tpu.memory_space<vmem>>, vector<16xf32>,
      %get3A_444 = arith.constant 448 : index
      %get3A_445 = tpu.vector_load %arg13[%get3A_444] {strides = array<i32>} : memref<640xf32, #tpu.memory_space<vmem>>, vector<16xf32>,
      %add3A_446 = arith.addf %get3A_443, %get3A_445 : vector<16xf32>
      %swap3A_447 = arith.constant 448 : index
      %swap3A_448 = tpu.vector_load %arg11[%swap3A_447] {strides = array<i32>} : memref<640xf32, #tpu.memory_space<vmem>>, vector<16xf32>,
      tpu.vector_store %arg11[%swap3A_447], %add3A_446 {strides = array<i32>} : memref<640xf32, #tpu.memory_space<vmem>>, vector<16xf32>,
      %get3A_449 = arith.constant 464 : index
      %get3A_450 = tpu.vector_load %arg10[%get3A_449] {strides = array<i32>} : memref<640xf32, #tpu.memory_space<vmem>>, vector<16xf32>,
      %get3A_451 = arith.constant 464 : index
      %get3A_452 = tpu.vector_load %arg12[%get3A_451] {strides = array<i32>} : memref<640xf32, #tpu.memory_space<vmem>>, vector<16xf32>,
      %add3A_453 = arith.addf %get3A_450, %get3A_452 : vector<16xf32>
      %swap3A_454 = arith.constant 464 : index
      %swap3A_455 = tpu.vector_load %arg10[%swap3A_454] {strides = array<i32>} : memref<640xf32, #tpu.memory_space<vmem>>, vector<16xf32>,
      tpu.vector_store %arg10[%swap3A_454], %add3A_453 {strides = array<i32>} : memref<640xf32, #tpu.memory_space<vmem>>, vector<16xf32>,
      %get3A_456 = arith.constant 464 : index
      %get3A_457 = tpu.vector_load %arg11[%get3A_456] {strides = array<i32>} : memref<640xf32, #tpu.memory_space<vmem>>, vector<16xf32>,
      %get3A_458 = arith.constant 464 : index
      %get3A_459 = tpu.vector_load %arg13[%get3A_458] {strides = array<i32>} : memref<640xf32, #tpu.memory_space<vmem>>, vector<16xf32>,
      %add3A_460 = arith.addf %get3A_457, %get3A_459 : vector<16xf32>
      %swap3A_461 = arith.constant 464 : index
      %swap3A_462 = tpu.vector_load %arg11[%swap3A_461] {strides = array<i32>} : memref<640xf32, #tpu.memory_space<vmem>>, vector<16xf32>,
      tpu.vector_store %arg11[%swap3A_461], %add3A_460 {strides = array<i32>} : memref<640xf32, #tpu.memory_space<vmem>>, vector<16xf32>,
      %get3A_463 = arith.constant 480 : index
      %get3A_464 = tpu.vector_load %arg10[%get3A_463] {strides = array<i32>} : memref<640xf32, #tpu.memory_space<vmem>>, vector<16xf32>,
      %get3A_465 = arith.constant 480 : index
      %get3A_466 = tpu.vector_load %arg12[%get3A_465] {strides = array<i32>} : memref<640xf32, #tpu.memory_space<vmem>>, vector<16xf32>,
      %add3A_467 = arith.addf %get3A_464, %get3A_466 : vector<16xf32>
      %swap3A_468 = arith.constant 480 : index
      %swap3A_469 = tpu.vector_load %arg10[%swap3A_468] {strides = array<i32>} : memref<640xf32, #tpu.memory_space<vmem>>, vector<16xf32>,
      tpu.vector_store %arg10[%swap3A_468], %add3A_467 {strides = array<i32>} : memref<640xf32, #tpu.memory_space<vmem>>, vector<16xf32>,
      %get3A_470 = arith.constant 480 : index
      %get3A_471 = tpu.vector_load %arg11[%get3A_470] {strides = array<i32>} : memref<640xf32, #tpu.memory_space<vmem>>, vector<16xf32>,
      %get3A_472 = arith.constant 480 : index
      %get3A_473 = tpu.vector_load %arg13[%get3A_472] {strides = array<i32>} : memref<640xf32, #tpu.memory_space<vmem>>, vector<16xf32>,
      %add3A_474 = arith.addf %get3A_471, %get3A_473 : vector<16xf32>
      %swap3A_475 = arith.constant 480 : index
      %swap3A_476 = tpu.vector_load %arg11[%swap3A_475] {strides = array<i32>} : memref<640xf32, #tpu.memory_space<vmem>>, vector<16xf32>,
      tpu.vector_store %arg11[%swap3A_475], %add3A_474 {strides = array<i32>} : memref<640xf32, #tpu.memory_space<vmem>>, vector<16xf32>,
      %get3A_477 = arith.constant 496 : index
      %get3A_478 = tpu.vector_load %arg10[%get3A_477] {strides = array<i32>} : memref<640xf32, #tpu.memory_space<vmem>>, vector<16xf32>,
      %get3A_479 = arith.constant 496 : index
      %get3A_480 = tpu.vector_load %arg12[%get3A_479] {strides = array<i32>} : memref<640xf32, #tpu.memory_space<vmem>>, vector<16xf32>,
      %add3A_481 = arith.addf %get3A_478, %get3A_480 : vector<16xf32>
      %swap3A_482 = arith.constant 496 : index
      %swap3A_483 = tpu.vector_load %arg10[%swap3A_482] {strides = array<i32>} : memref<640xf32, #tpu.memory_space<vmem>>, vector<16xf32>,
      tpu.vector_store %arg10[%swap3A_482], %add3A_481 {strides = array<i32>} : memref<640xf32, #tpu.memory_space<vmem>>, vector<16xf32>,
      %get3A_484 = arith.constant 496 : index
      %get3A_485 = tpu.vector_load %arg11[%get3A_484] {strides = array<i32>} : memref<640xf32, #tpu.memory_space<vmem>>, vector<16xf32>,
      %get3A_486 = arith.constant 496 : index
      %get3A_487 = tpu.vector_load %arg13[%get3A_486] {strides = array<i32>} : memref<640xf32, #tpu.memory_space<vmem>>, vector<16xf32>,
      %add3A_488 = arith.addf %get3A_485, %get3A_487 : vector<16xf32>
      %swap3A_489 = arith.constant 496 : index
      %swap3A_490 = tpu.vector_load %arg11[%swap3A_489] {strides = array<i32>} : memref<640xf32, #tpu.memory_space<vmem>>, vector<16xf32>,
      tpu.vector_store %arg11[%swap3A_489], %add3A_488 {strides = array<i32>} : memref<640xf32, #tpu.memory_space<vmem>>, vector<16xf32>,
      %get3A_491 = arith.constant 512 : index
      %get3A_492 = tpu.vector_load %arg10[%get3A_491] {strides = array<i32>} : memref<640xf32, #tpu.memory_space<vmem>>, vector<16xf32>,
      %get3A_493 = arith.constant 512 : index
      %get3A_494 = tpu.vector_load %arg12[%get3A_493] {strides = array<i32>} : memref<640xf32, #tpu.memory_space<vmem>>, vector<16xf32>,
      %add3A_495 = arith.addf %get3A_492, %get3A_494 : vector<16xf32>
      %swap3A_496 = arith.constant 512 : index
      %swap3A_497 = tpu.vector_load %arg10[%swap3A_496] {strides = array<i32>} : memref<640xf32, #tpu.memory_space<vmem>>, vector<16xf32>,
      tpu.vector_store %arg10[%swap3A_496], %add3A_495 {strides = array<i32>} : memref<640xf32, #tpu.memory_space<vmem>>, vector<16xf32>,
      %get3A_498 = arith.constant 512 : index
      %get3A_499 = tpu.vector_load %arg11[%get3A_498] {strides = array<i32>} : memref<640xf32, #tpu.memory_space<vmem>>, vector<16xf32>,
      %get3A_500 = arith.constant 512 : index
      %get3A_501 = tpu.vector_load %arg13[%get3A_500] {strides = array<i32>} : memref<640xf32, #tpu.memory_space<vmem>>, vector<16xf32>,
      %add3A_502 = arith.addf %get3A_499, %get3A_501 : vector<16xf32>
      %swap3A_503 = arith.constant 512 : index
      %swap3A_504 = tpu.vector_load %arg11[%swap3A_503] {strides = array<i32>} : memref<640xf32, #tpu.memory_space<vmem>>, vector<16xf32>,
      tpu.vector_store %arg11[%swap3A_503], %add3A_502 {strides = array<i32>} : memref<640xf32, #tpu.memory_space<vmem>>, vector<16xf32>,
      %get3A_505 = arith.constant 528 : index
      %get3A_506 = tpu.vector_load %arg10[%get3A_505] {strides = array<i32>} : memref<640xf32, #tpu.memory_space<vmem>>, vector<16xf32>,
      %get3A_507 = arith.constant 528 : index
      %get3A_508 = tpu.vector_load %arg12[%get3A_507] {strides = array<i32>} : memref<640xf32, #tpu.memory_space<vmem>>, vector<16xf32>,
      %add3A_509 = arith.addf %get3A_506, %get3A_508 : vector<16xf32>
      %swap3A_510 = arith.constant 528 : index
      %swap3A_511 = tpu.vector_load %arg10[%swap3A_510] {strides = array<i32>} : memref<640xf32, #tpu.memory_space<vmem>>, vector<16xf32>,
      tpu.vector_store %arg10[%swap3A_510], %add3A_509 {strides = array<i32>} : memref<640xf32, #tpu.memory_space<vmem>>, vector<16xf32>,
      %get3A_512 = arith.constant 528 : index
      %get3A_513 = tpu.vector_load %arg11[%get3A_512] {strides = array<i32>} : memref<640xf32, #tpu.memory_space<vmem>>, vector<16xf32>,
      %get3A_514 = arith.constant 528 : index
      %get3A_515 = tpu.vector_load %arg13[%get3A_514] {strides = array<i32>} : memref<640xf32, #tpu.memory_space<vmem>>, vector<16xf32>,
      %add3A_516 = arith.addf %get3A_513, %get3A_515 : vector<16xf32>
      %swap3A_517 = arith.constant 528 : index
      %swap3A_518 = tpu.vector_load %arg11[%swap3A_517] {strides = array<i32>} : memref<640xf32, #tpu.memory_space<vmem>>, vector<16xf32>,
      tpu.vector_store %arg11[%swap3A_517], %add3A_516 {strides = array<i32>} : memref<640xf32, #tpu.memory_space<vmem>>, vector<16xf32>,
      %get3A_519 = arith.constant 544 : index
      %get3A_520 = tpu.vector_load %arg10[%get3A_519] {strides = array<i32>} : memref<640xf32, #tpu.memory_space<vmem>>, vector<16xf32>,
      %get3A_521 = arith.constant 544 : index
      %get3A_522 = tpu.vector_load %arg12[%get3A_521] {strides = array<i32>} : memref<640xf32, #tpu.memory_space<vmem>>, vector<16xf32>,
      %add3A_523 = arith.addf %get3A_520, %get3A_522 : vector<16xf32>
      %swap3A_524 = arith.constant 544 : index
      %swap3A_525 = tpu.vector_load %arg10[%swap3A_524] {strides = array<i32>} : memref<640xf32, #tpu.memory_space<vmem>>, vector<16xf32>,
      tpu.vector_store %arg10[%swap3A_524], %add3A_523 {strides = array<i32>} : memref<640xf32, #tpu.memory_space<vmem>>, vector<16xf32>,
      %get3A_526 = arith.constant 544 : index
      %get3A_527 = tpu.vector_load %arg11[%get3A_526] {strides = array<i32>} : memref<640xf32, #tpu.memory_space<vmem>>, vector<16xf32>,
      %get3A_528 = arith.constant 544 : index
      %get3A_529 = tpu.vector_load %arg13[%get3A_528] {strides = array<i32>} : memref<640xf32, #tpu.memory_space<vmem>>, vector<16xf32>,
      %add3A_530 = arith.addf %get3A_527, %get3A_529 : vector<16xf32>
      %swap3A_531 = arith.constant 544 : index
      %swap3A_532 = tpu.vector_load %arg11[%swap3A_531] {strides = array<i32>} : memref<640xf32, #tpu.memory_space<vmem>>, vector<16xf32>,
      tpu.vector_store %arg11[%swap3A_531], %add3A_530 {strides = array<i32>} : memref<640xf32, #tpu.memory_space<vmem>>, vector<16xf32>,
      %get3A_533 = arith.constant 560 : index
      %get3A_534 = tpu.vector_load %arg10[%get3A_533] {strides = array<i32>} : memref<640xf32, #tpu.memory_space<vmem>>, vector<16xf32>,
      %get3A_535 = arith.constant 560 : index
      %get3A_536 = tpu.vector_load %arg12[%get3A_535] {strides = array<i32>} : memref<640xf32, #tpu.memory_space<vmem>>, vector<16xf32>,
      %add3A_537 = arith.addf %get3A_534, %get3A_536 : vector<16xf32>
      %swap3A_538 = arith.constant 560 : index
      %swap3A_539 = tpu.vector_load %arg10[%swap3A_538] {strides = array<i32>} : memref<640xf32, #tpu.memory_space<vmem>>, vector<16xf32>,
      tpu.vector_store %arg10[%swap3A_538], %add3A_537 {strides = array<i32>} : memref<640xf32, #tpu.memory_space<vmem>>, vector<16xf32>,
      %get3A_540 = arith.constant 560 : index
      %get3A_541 = tpu.vector_load %arg11[%get3A_540] {strides = array<i32>} : memref<640xf32, #tpu.memory_space<vmem>>, vector<16xf32>,
      %get3A_542 = arith.constant 560 : index
      %get3A_543 = tpu.vector_load %arg13[%get3A_542] {strides = array<i32>} : memref<640xf32, #tpu.memory_space<vmem>>, vector<16xf32>,
      %add3A_544 = arith.addf %get3A_541, %get3A_543 : vector<16xf32>
      %swap3A_545 = arith.constant 560 : index
      %swap3A_546 = tpu.vector_load %arg11[%swap3A_545] {strides = array<i32>} : memref<640xf32, #tpu.memory_space<vmem>>, vector<16xf32>,
      tpu.vector_store %arg11[%swap3A_545], %add3A_544 {strides = array<i32>} : memref<640xf32, #tpu.memory_space<vmem>>, vector<16xf32>,
      %get3A_547 = arith.constant 576 : index
      %get3A_548 = tpu.vector_load %arg10[%get3A_547] {strides = array<i32>} : memref<640xf32, #tpu.memory_space<vmem>>, vector<16xf32>,
      %get3A_549 = arith.constant 576 : index
      %get3A_550 = tpu.vector_load %arg12[%get3A_549] {strides = array<i32>} : memref<640xf32, #tpu.memory_space<vmem>>, vector<16xf32>,
      %add3A_551 = arith.addf %get3A_548, %get3A_550 : vector<16xf32>
      %swap3A_552 = arith.constant 576 : index
      %swap3A_553 = tpu.vector_load %arg10[%swap3A_552] {strides = array<i32>} : memref<640xf32, #tpu.memory_space<vmem>>, vector<16xf32>,
      tpu.vector_store %arg10[%swap3A_552], %add3A_551 {strides = array<i32>} : memref<640xf32, #tpu.memory_space<vmem>>, vector<16xf32>,
      %get3A_554 = arith.constant 576 : index
      %get3A_555 = tpu.vector_load %arg11[%get3A_554] {strides = array<i32>} : memref<640xf32, #tpu.memory_space<vmem>>, vector<16xf32>,
      %get3A_556 = arith.constant 576 : index
      %get3A_557 = tpu.vector_load %arg13[%get3A_556] {strides = array<i32>} : memref<640xf32, #tpu.memory_space<vmem>>, vector<16xf32>,
      %add3A_558 = arith.addf %get3A_555, %get3A_557 : vector<16xf32>
      %swap3A_559 = arith.constant 576 : index
      %swap3A_560 = tpu.vector_load %arg11[%swap3A_559] {strides = array<i32>} : memref<640xf32, #tpu.memory_space<vmem>>, vector<16xf32>,
      tpu.vector_store %arg11[%swap3A_559], %add3A_558 {strides = array<i32>} : memref<640xf32, #tpu.memory_space<vmem>>, vector<16xf32>,
      %get3A_561 = arith.constant 592 : index
      %get3A_562 = tpu.vector_load %arg10[%get3A_561] {strides = array<i32>} : memref<640xf32, #tpu.memory_space<vmem>>, vector<16xf32>,
      %get3A_563 = arith.constant 592 : index
      %get3A_564 = tpu.vector_load %arg12[%get3A_563] {strides = array<i32>} : memref<640xf32, #tpu.memory_space<vmem>>, vector<16xf32>,
      %add3A_565 = arith.addf %get3A_562, %get3A_564 : vector<16xf32>
      %swap3A_566 = arith.constant 592 : index
      %swap3A_567 = tpu.vector_load %arg10[%swap3A_566] {strides = array<i32>} : memref<640xf32, #tpu.memory_space<vmem>>, vector<16xf32>,
      tpu.vector_store %arg10[%swap3A_566], %add3A_565 {strides = array<i32>} : memref<640xf32, #tpu.memory_space<vmem>>, vector<16xf32>,
      %get3A_568 = arith.constant 592 : index
      %get3A_569 = tpu.vector_load %arg11[%get3A_568] {strides = array<i32>} : memref<640xf32, #tpu.memory_space<vmem>>, vector<16xf32>,
      %get3A_570 = arith.constant 592 : index
      %get3A_571 = tpu.vector_load %arg13[%get3A_570] {strides = array<i32>} : memref<640xf32, #tpu.memory_space<vmem>>, vector<16xf32>,
      %add3A_572 = arith.addf %get3A_569, %get3A_571 : vector<16xf32>
      %swap3A_573 = arith.constant 592 : index
      %swap3A_574 = tpu.vector_load %arg11[%swap3A_573] {strides = array<i32>} : memref<640xf32, #tpu.memory_space<vmem>>, vector<16xf32>,
      tpu.vector_store %arg11[%swap3A_573], %add3A_572 {strides = array<i32>} : memref<640xf32, #tpu.memory_space<vmem>>, vector<16xf32>,
      %get3A_575 = arith.constant 608 : index
      %get3A_576 = tpu.vector_load %arg10[%get3A_575] {strides = array<i32>} : memref<640xf32, #tpu.memory_space<vmem>>, vector<16xf32>,
      %get3A_577 = arith.constant 608 : index
      %get3A_578 = tpu.vector_load %arg12[%get3A_577] {strides = array<i32>} : memref<640xf32, #tpu.memory_space<vmem>>, vector<16xf32>,
      %add3A_579 = arith.addf %get3A_576, %get3A_578 : vector<16xf32>
      %swap3A_580 = arith.constant 608 : index
      %swap3A_581 = tpu.vector_load %arg10[%swap3A_580] {strides = array<i32>} : memref<640xf32, #tpu.memory_space<vmem>>, vector<16xf32>,
      tpu.vector_store %arg10[%swap3A_580], %add3A_579 {strides = array<i32>} : memref<640xf32, #tpu.memory_space<vmem>>, vector<16xf32>,
      %get3A_582 = arith.constant 608 : index
      %get3A_583 = tpu.vector_load %arg11[%get3A_582] {strides = array<i32>} : memref<640xf32, #tpu.memory_space<vmem>>, vector<16xf32>,
      %get3A_584 = arith.constant 608 : index
      %get3A_585 = tpu.vector_load %arg13[%get3A_584] {strides = array<i32>} : memref<640xf32, #tpu.memory_space<vmem>>, vector<16xf32>,
      %add3A_586 = arith.addf %get3A_583, %get3A_585 : vector<16xf32>
      %swap3A_587 = arith.constant 608 : index
      %swap3A_588 = tpu.vector_load %arg11[%swap3A_587] {strides = array<i32>} : memref<640xf32, #tpu.memory_space<vmem>>, vector<16xf32>,
      tpu.vector_store %arg11[%swap3A_587], %add3A_586 {strides = array<i32>} : memref<640xf32, #tpu.memory_space<vmem>>, vector<16xf32>,
      %get3A_589 = arith.constant 624 : index
      %get3A_590 = tpu.vector_load %arg10[%get3A_589] {strides = array<i32>} : memref<640xf32, #tpu.memory_space<vmem>>, vector<16xf32>,
      %get3A_591 = arith.constant 624 : index
      %get3A_592 = tpu.vector_load %arg12[%get3A_591] {strides = array<i32>} : memref<640xf32, #tpu.memory_space<vmem>>, vector<16xf32>,
      %add3A_593 = arith.addf %get3A_590, %get3A_592 : vector<16xf32>
      %swap3A_594 = arith.constant 624 : index
      %swap3A_595 = tpu.vector_load %arg10[%swap3A_594] {strides = array<i32>} : memref<640xf32, #tpu.memory_space<vmem>>, vector<16xf32>,
      tpu.vector_store %arg10[%swap3A_594], %add3A_593 {strides = array<i32>} : memref<640xf32, #tpu.memory_space<vmem>>, vector<16xf32>,
      %get3A_596 = arith.constant 624 : index
      %get3A_597 = tpu.vector_load %arg11[%get3A_596] {strides = array<i32>} : memref<640xf32, #tpu.memory_space<vmem>>, vector<16xf32>,
      %get3A_598 = arith.constant 624 : index
      %get3A_599 = tpu.vector_load %arg13[%get3A_598] {strides = array<i32>} : memref<640xf32, #tpu.memory_space<vmem>>, vector<16xf32>,
      %add3A_600 = arith.addf %get3A_597, %get3A_599 : vector<16xf32>
      %swap3A_601 = arith.constant 624 : index
      %swap3A_602 = tpu.vector_load %arg11[%swap3A_601] {strides = array<i32>} : memref<640xf32, #tpu.memory_space<vmem>>, vector<16xf32>,
      tpu.vector_store %arg11[%swap3A_601], %add3A_600 {strides = array<i32>} : memref<640xf32, #tpu.memory_space<vmem>>, vector<16xf32>,
      %scan3A_603 = arith.constant 0 : i32
      scf.yield %scan3A_603 : i32
    }
    %scan3A_32 = arith.constant 15 : i32
    %mul3A_33 = arith.constant 640 : i32
    %mul3A_34 = arith.muli %arg1, %mul3A_33 : i32
    "tpu.region"() ({
      %run_scoped3A_37 = tpu.sem_alloc : memref<!tpu.dma_semaphore, #tpu.memory_space<semaphore_mem>>
      %dma_start3A = tpu.memref_slice %arg4[%arg0, %mul3A_34] : memref<2x10240xf32, #tpu.memory_space<hbm>> -> memref<1x640xf32, #tpu.memory_space<hbm>>
      %dma_start3A_38 = tpu.memref_squeeze %dma_start3A : memref<1x640xf32, #tpu.memory_space<hbm>> -> memref<640xf32, #tpu.memory_space<hbm>>
      %dma_start3A_39 = tpu.memref_slice %arg4[%arg0, %mul3A_34] : memref<2x10240xf32, #tpu.memory_space<hbm>> -> memref<1x640xf32, #tpu.memory_space<hbm>>
      %dma_start3A_40 = tpu.memref_squeeze %dma_start3A_39 : memref<1x640xf32, #tpu.memory_space<hbm>> -> memref<640xf32, #tpu.memory_space<hbm>>
      tpu.enqueue_dma source(%arg10 : memref<640xf32, #tpu.memory_space<vmem>>) target(%dma_start3A_40 : memref<640xf32, #tpu.memory_space<hbm>>) target_semaphore(%run_scoped3A_37 : memref<!tpu.dma_semaphore, #tpu.memory_space<semaphore_mem>>)
      %dma_wait3A = tpu.memref_slice %arg4[%arg0, %mul3A_34] : memref<2x10240xf32, #tpu.memory_space<hbm>> -> memref<1x640xf32, #tpu.memory_space<hbm>>
      %dma_wait3A_41 = tpu.memref_squeeze %dma_wait3A : memref<1x640xf32, #tpu.memory_space<hbm>> -> memref<640xf32, #tpu.memory_space<hbm>>
      %dma_wait3A_42 = tpu.memref_slice %arg4[%arg0, %mul3A_34] : memref<2x10240xf32, #tpu.memory_space<hbm>> -> memref<1x640xf32, #tpu.memory_space<hbm>>
      %dma_wait3A_43 = tpu.memref_squeeze %dma_wait3A_42 : memref<1x640xf32, #tpu.memory_space<hbm>> -> memref<640xf32, #tpu.memory_space<hbm>>
      tpu.wait_dma2 semaphore(%run_scoped3A_37 : memref<!tpu.dma_semaphore, #tpu.memory_space<semaphore_mem>>) src(%arg10 : memref<640xf32, #tpu.memory_space<vmem>>) dst(%dma_wait3A_43 : memref<640xf32, #tpu.memory_space<hbm>>)
      tpu.yield
    }) : () -> ()
    %mul3A_35 = arith.constant 640 : i32
    %mul3A_36 = arith.muli %arg1, %mul3A_35 : i32
    "tpu.region"() ({
      %run_scoped3A_37 = tpu.sem_alloc : memref<!tpu.dma_semaphore, #tpu.memory_space<semaphore_mem>>
      %dma_start3A = tpu.memref_slice %arg5[%arg0, %mul3A_36] : memref<2x10240xf32, #tpu.memory_space<hbm>> -> memref<1x640xf32, #tpu.memory_space<hbm>>
      %dma_start3A_38 = tpu.memref_squeeze %dma_start3A : memref<1x640xf32, #tpu.memory_space<hbm>> -> memref<640xf32, #tpu.memory_space<hbm>>
      %dma_start3A_39 = tpu.memref_slice %arg5[%arg0, %mul3A_36] : memref<2x10240xf32, #tpu.memory_space<hbm>> -> memref<1x640xf32, #tpu.memory_space<hbm>>
      %dma_start3A_40 = tpu.memref_squeeze %dma_start3A_39 : memref<1x640xf32, #tpu.memory_space<hbm>> -> memref<640xf32, #tpu.memory_space<hbm>>
      tpu.enqueue_dma source(%arg11 : memref<640xf32, #tpu.memory_space<vmem>>) target(%dma_start3A_40 : memref<640xf32, #tpu.memory_space<hbm>>) target_semaphore(%run_scoped3A_37 : memref<!tpu.dma_semaphore, #tpu.memory_space<semaphore_mem>>)
      %dma_wait3A = tpu.memref_slice %arg5[%arg0, %mul3A_36] : memref<2x10240xf32, #tpu.memory_space<hbm>> -> memref<1x640xf32, #tpu.memory_space<hbm>>
      %dma_wait3A_41 = tpu.memref_squeeze %dma_wait3A : memref<1x640xf32, #tpu.memory_space<hbm>> -> memref<640xf32, #tpu.memory_space<hbm>>
      %dma_wait3A_42 = tpu.memref_slice %arg5[%arg0, %mul3A_36] : memref<2x10240xf32, #tpu.memory_space<hbm>> -> memref<1x640xf32, #tpu.memory_space<hbm>>
      %dma_wait3A_43 = tpu.memref_squeeze %dma_wait3A_42 : memref<1x640xf32, #tpu.memory_space<hbm>> -> memref<640xf32, #tpu.memory_space<hbm>>
      tpu.wait_dma2 semaphore(%run_scoped3A_37 : memref<!tpu.dma_semaphore, #tpu.memory_space<semaphore_mem>>) src(%arg11 : memref<640xf32, #tpu.memory_space<vmem>>) dst(%dma_wait3A_43 : memref<640xf32, #tpu.memory_space<hbm>>)
      tpu.yield
    }) : () -> ()
    return
  }
}

#map = affine_map<(d0, d1) -> (0, 0)>
#map1 = affine_map<(d0, d1) -> (0, 0, 0)>
#map2 = affine_map<(d0, d1) -> (0)>
module attributes {stable_mosaic.version = 14 : i64} {
  func.func @_sc_agg_c0(%arg0: i32, %arg1: i32, %arg2: memref<10240x128xf32, #tpu.memory_space<hbm>>, %arg3: memref<32x80x128xi32, #tpu.memory_space<hbm>>, %arg4: memref<32x80x128xi32, #tpu.memory_space<hbm>>, %arg5: memref<10240xf32, #tpu.memory_space<hbm>>, %arg6: memref<2x10240x128xf32, #tpu.memory_space<hbm>>, %arg7: memref<32x10240xf32, #tpu.memory_space<hbm>>, %arg8: memref<128xi32, #tpu.memory_space<vmem>>, %arg9: memref<128xi32, #tpu.memory_space<vmem>>, %arg10: memref<128xi32, #tpu.memory_space<vmem>>, %arg11: memref<128xi32, #tpu.memory_space<vmem>>, %arg12: memref<128x128xf32, #tpu.memory_space<vmem>>, %arg13: memref<128x128xf32, #tpu.memory_space<vmem>>, %arg14: memref<128xf32, #tpu.memory_space<vmem>>, %arg15: memref<128xf32, #tpu.memory_space<vmem>>, %arg16: memref<10240xf32, #tpu.memory_space<vmem>>, %arg17: memref<10240x128xf32, #tpu.memory_space<vmem_shared>>, %arg18: memref<!tpu.dma_semaphore, #tpu.memory_space<semaphore_mem>>, %arg19: memref<!tpu.dma_semaphore, #tpu.memory_space<semaphore_mem>>, %arg20: memref<!tpu.dma_semaphore, #tpu.memory_space<semaphore_mem>>, %arg21: memref<!tpu.dma_semaphore, #tpu.memory_space<semaphore_mem>>, %arg22: memref<!tpu.dma_semaphore, #tpu.memory_space<semaphore_mem>>) attributes {dimension_semantics = [#tpu.dimension_semantics<core_parallel>, #tpu.dimension_semantics<subcore_parallel>], iteration_bounds = array<i64: 2, 16>, scalar_prefetch = 0 : i64, scratch_operands = 15 : i64, tpu.core_type = #tpu.core_type<sc_vector_subcore>, window_params = [{transform_indices = #map}, {transform_indices = #map1}, {transform_indices = #map1}, {transform_indices = #map2}, {transform_indices = #map1}, {transform_indices = #map}]} {
    %mul3A = arith.constant 2 : i32
    %mul3A_0 = arith.muli %arg1, %mul3A : i32
    %add3A = arith.addi %mul3A_0, %arg0 : i32
    %broadcast_in_dim3A = arith.constant 0.000000e+00 : f32
    %broadcast_in_dim3A_1 = vector.broadcast %broadcast_in_dim3A : f32 to vector<16xf32>
    %scan3A = arith.constant 0 : i32
    %scan3A_2 = arith.constant 0 : i32
    %scan3A_3 = arith.constant 640 : i32
    %scan3A_4 = arith.addi %scan3A_2, %scan3A_3 : i32
    %scan3A_5 = arith.constant 1 : i32
    %scan3A_6 = scf.for %scan3A_41 = %scan3A_2 to %scan3A_4 step %scan3A_5 iter_args(%scan3A_42 = %scan3A) -> (i32)  : i32 {
      %mul3A_43 = arith.constant 16 : i32
      %mul3A_44 = arith.muli %scan3A_41, %mul3A_43 : i32
      %swap3A = arith.index_cast %mul3A_44 : i32 to index
      %swap3A_45 = tpu.vector_load %arg16[%swap3A] {strides = array<i32>} : memref<10240xf32, #tpu.memory_space<vmem>>, vector<16xf32>,
      tpu.vector_store %arg16[%swap3A], %broadcast_in_dim3A_1 {strides = array<i32>} : memref<10240xf32, #tpu.memory_space<vmem>>, vector<16xf32>,
      %scan3A_46 = arith.constant 0 : i32
      scf.yield %scan3A_46 : i32
    }
    %scan3A_7 = arith.constant 640 : i32
    %scan3A_8 = arith.constant 0 : i32
    %scan3A_9 = arith.constant 0 : i32
    %scan3A_10 = arith.constant 16 : i32
    %scan3A_11 = arith.addi %scan3A_9, %scan3A_10 : i32
    %scan3A_12 = arith.constant 1 : i32
    %scan3A_13 = scf.for %scan3A_41 = %scan3A_9 to %scan3A_11 step %scan3A_12 iter_args(%scan3A_42 = %scan3A_8) -> (i32)  : i32 {
      %swap3A = arith.index_cast %scan3A_41 : i32 to index
      %swap3A_43 = arith.constant 0 : index
      %swap3A_44 = tpu.vector_load %arg12[%swap3A, %swap3A_43] {strides = array<i32>} : memref<128x128xf32, #tpu.memory_space<vmem>>, vector<16xf32>,
      tpu.vector_store %arg12[%swap3A, %swap3A_43], %broadcast_in_dim3A_1 {strides = array<i32>} : memref<128x128xf32, #tpu.memory_space<vmem>>, vector<16xf32>,
      %swap3A_45 = arith.index_cast %scan3A_41 : i32 to index
      %swap3A_46 = arith.constant 16 : index
      %swap3A_47 = tpu.vector_load %arg12[%swap3A_45, %swap3A_46] {strides = array<i32>} : memref<128x128xf32, #tpu.memory_space<vmem>>, vector<16xf32>,
      tpu.vector_store %arg12[%swap3A_45, %swap3A_46], %broadcast_in_dim3A_1 {strides = array<i32>} : memref<128x128xf32, #tpu.memory_space<vmem>>, vector<16xf32>,
      %swap3A_48 = arith.index_cast %scan3A_41 : i32 to index
      %swap3A_49 = arith.constant 32 : index
      %swap3A_50 = tpu.vector_load %arg12[%swap3A_48, %swap3A_49] {strides = array<i32>} : memref<128x128xf32, #tpu.memory_space<vmem>>, vector<16xf32>,
      tpu.vector_store %arg12[%swap3A_48, %swap3A_49], %broadcast_in_dim3A_1 {strides = array<i32>} : memref<128x128xf32, #tpu.memory_space<vmem>>, vector<16xf32>,
      %swap3A_51 = arith.index_cast %scan3A_41 : i32 to index
      %swap3A_52 = arith.constant 48 : index
      %swap3A_53 = tpu.vector_load %arg12[%swap3A_51, %swap3A_52] {strides = array<i32>} : memref<128x128xf32, #tpu.memory_space<vmem>>, vector<16xf32>,
      tpu.vector_store %arg12[%swap3A_51, %swap3A_52], %broadcast_in_dim3A_1 {strides = array<i32>} : memref<128x128xf32, #tpu.memory_space<vmem>>, vector<16xf32>,
      %swap3A_54 = arith.index_cast %scan3A_41 : i32 to index
      %swap3A_55 = arith.constant 64 : index
      %swap3A_56 = tpu.vector_load %arg12[%swap3A_54, %swap3A_55] {strides = array<i32>} : memref<128x128xf32, #tpu.memory_space<vmem>>, vector<16xf32>,
      tpu.vector_store %arg12[%swap3A_54, %swap3A_55], %broadcast_in_dim3A_1 {strides = array<i32>} : memref<128x128xf32, #tpu.memory_space<vmem>>, vector<16xf32>,
      %swap3A_57 = arith.index_cast %scan3A_41 : i32 to index
      %swap3A_58 = arith.constant 80 : index
      %swap3A_59 = tpu.vector_load %arg12[%swap3A_57, %swap3A_58] {strides = array<i32>} : memref<128x128xf32, #tpu.memory_space<vmem>>, vector<16xf32>,
      tpu.vector_store %arg12[%swap3A_57, %swap3A_58], %broadcast_in_dim3A_1 {strides = array<i32>} : memref<128x128xf32, #tpu.memory_space<vmem>>, vector<16xf32>,
      %swap3A_60 = arith.index_cast %scan3A_41 : i32 to index
      %swap3A_61 = arith.constant 96 : index
      %swap3A_62 = tpu.vector_load %arg12[%swap3A_60, %swap3A_61] {strides = array<i32>} : memref<128x128xf32, #tpu.memory_space<vmem>>, vector<16xf32>,
      tpu.vector_store %arg12[%swap3A_60, %swap3A_61], %broadcast_in_dim3A_1 {strides = array<i32>} : memref<128x128xf32, #tpu.memory_space<vmem>>, vector<16xf32>,
      %swap3A_63 = arith.index_cast %scan3A_41 : i32 to index
      %swap3A_64 = arith.constant 112 : index
      %swap3A_65 = tpu.vector_load %arg12[%swap3A_63, %swap3A_64] {strides = array<i32>} : memref<128x128xf32, #tpu.memory_space<vmem>>, vector<16xf32>,
      tpu.vector_store %arg12[%swap3A_63, %swap3A_64], %broadcast_in_dim3A_1 {strides = array<i32>} : memref<128x128xf32, #tpu.memory_space<vmem>>, vector<16xf32>,
      %scan3A_66 = arith.constant 0 : i32
      scf.yield %scan3A_66 : i32
    }
    %scan3A_14 = arith.constant 16 : i32
    %scan3A_15 = arith.constant 0 : i32
    %scan3A_16 = arith.constant 0 : i32
    %scan3A_17 = arith.constant 40 : i32
    %scan3A_18 = arith.addi %scan3A_16, %scan3A_17 : i32
    %scan3A_19 = arith.constant 1 : i32
    %scan3A_20 = scf.for %scan3A_41 = %scan3A_16 to %scan3A_18 step %scan3A_19 iter_args(%scan3A_42 = %scan3A_15) -> (i32)  : i32 {
      %mul3A_43 = arith.constant 640 : i32
      %mul3A_44 = arith.muli %arg1, %mul3A_43 : i32
      %mul3A_45 = arith.constant 16 : i32
      %mul3A_46 = arith.muli %scan3A_41, %mul3A_45 : i32
      %add3A_47 = arith.addi %mul3A_44, %mul3A_46 : i32
      "tpu.region"() ({
        %run_scoped3A_49 = tpu.sem_alloc : memref<!tpu.dma_semaphore, #tpu.memory_space<semaphore_mem>>
        %dma_start3A_50 = arith.constant 0 : i32
        %dma_start3A_51 = arith.constant 0 : i32
        %dma_start3A_52 = tpu.memref_slice %arg12[%dma_start3A_50, %dma_start3A_51] : memref<128x128xf32, #tpu.memory_space<vmem>> -> memref<16x128xf32, #tpu.memory_space<vmem>>
        %dma_start3A_53 = arith.constant 0 : i32
        %dma_start3A_54 = tpu.memref_slice %arg17[%add3A_47, %dma_start3A_53] : memref<10240x128xf32, #tpu.memory_space<vmem_shared>> -> memref<16x128xf32, #tpu.memory_space<vmem_shared>>
        %dma_start3A_55 = arith.constant 0 : i32
        %dma_start3A_56 = tpu.memref_slice %arg17[%add3A_47, %dma_start3A_55] : memref<10240x128xf32, #tpu.memory_space<vmem_shared>> -> memref<16x128xf32, #tpu.memory_space<vmem_shared>>
        %dma_start3A_57 = arith.constant 0 : i32
        %dma_start3A_58 = arith.constant 0 : i32
        %dma_start3A_59 = tpu.memref_slice %arg12[%dma_start3A_57, %dma_start3A_58] : memref<128x128xf32, #tpu.memory_space<vmem>> -> memref<16x128xf32, #tpu.memory_space<vmem>>
        tpu.enqueue_dma source(%dma_start3A_59 : memref<16x128xf32, #tpu.memory_space<vmem>>) target(%dma_start3A_56 : memref<16x128xf32, #tpu.memory_space<vmem_shared>>) target_semaphore(%run_scoped3A_49 : memref<!tpu.dma_semaphore, #tpu.memory_space<semaphore_mem>>)
        %dma_wait3A_60 = arith.constant 0 : i32
        %dma_wait3A_61 = arith.constant 0 : i32
        %dma_wait3A_62 = tpu.memref_slice %arg12[%dma_wait3A_60, %dma_wait3A_61] : memref<128x128xf32, #tpu.memory_space<vmem>> -> memref<16x128xf32, #tpu.memory_space<vmem>>
        %dma_wait3A_63 = arith.constant 0 : i32
        %dma_wait3A_64 = tpu.memref_slice %arg17[%add3A_47, %dma_wait3A_63] : memref<10240x128xf32, #tpu.memory_space<vmem_shared>> -> memref<16x128xf32, #tpu.memory_space<vmem_shared>>
        %dma_wait3A_65 = arith.constant 0 : i32
        %dma_wait3A_66 = tpu.memref_slice %arg17[%add3A_47, %dma_wait3A_65] : memref<10240x128xf32, #tpu.memory_space<vmem_shared>> -> memref<16x128xf32, #tpu.memory_space<vmem_shared>>
        %dma_wait3A_67 = arith.constant 0 : i32
        %dma_wait3A_68 = arith.constant 0 : i32
        %dma_wait3A_69 = tpu.memref_slice %arg12[%dma_wait3A_67, %dma_wait3A_68] : memref<128x128xf32, #tpu.memory_space<vmem>> -> memref<16x128xf32, #tpu.memory_space<vmem>>
        tpu.wait_dma2 semaphore(%run_scoped3A_49 : memref<!tpu.dma_semaphore, #tpu.memory_space<semaphore_mem>>) src(%dma_wait3A_69 : memref<16x128xf32, #tpu.memory_space<vmem>>) dst(%dma_wait3A_66 : memref<16x128xf32, #tpu.memory_space<vmem_shared>>)
        tpu.yield
      }) : () -> ()
      %scan3A_48 = arith.constant 0 : i32
      scf.yield %scan3A_48 : i32
    }
    %scan3A_21 = arith.constant 40 : i32
    %barrier3A = arith.constant 0 : index
    tpu.barrier barrier_id(%barrier3A)
    %run_scoped3A = arith.constant 0 : i32
    "tpu.region"() ({
      %run_scoped3A_41 = tpu.sem_alloc : memref<!tpu.dma_semaphore, #tpu.memory_space<semaphore_mem>>
      %dma_start3A_42 = arith.constant 0 : i32
      %dma_start3A_43 = tpu.memref_slice %arg3[%add3A, %run_scoped3A, %dma_start3A_42] : memref<32x80x128xi32, #tpu.memory_space<hbm>> -> memref<1x1x128xi32, #tpu.memory_space<hbm>>
      %dma_start3A_44 = tpu.memref_squeeze %dma_start3A_43 : memref<1x1x128xi32, #tpu.memory_space<hbm>> -> memref<128xi32, #tpu.memory_space<hbm>>
      %dma_start3A_45 = arith.constant 0 : i32
      %dma_start3A_46 = tpu.memref_slice %arg3[%add3A, %run_scoped3A, %dma_start3A_45] : memref<32x80x128xi32, #tpu.memory_space<hbm>> -> memref<1x1x128xi32, #tpu.memory_space<hbm>>
      %dma_start3A_47 = tpu.memref_squeeze %dma_start3A_46 : memref<1x1x128xi32, #tpu.memory_space<hbm>> -> memref<128xi32, #tpu.memory_space<hbm>>
      tpu.enqueue_dma source(%dma_start3A_47 : memref<128xi32, #tpu.memory_space<hbm>>) target(%arg8 : memref<128xi32, #tpu.memory_space<vmem>>) target_semaphore(%run_scoped3A_41 : memref<!tpu.dma_semaphore, #tpu.memory_space<semaphore_mem>>)
      %dma_wait3A_48 = arith.constant 0 : i32
      %dma_wait3A_49 = tpu.memref_slice %arg3[%add3A, %run_scoped3A, %dma_wait3A_48] : memref<32x80x128xi32, #tpu.memory_space<hbm>> -> memref<1x1x128xi32, #tpu.memory_space<hbm>>
      %dma_wait3A_50 = tpu.memref_squeeze %dma_wait3A_49 : memref<1x1x128xi32, #tpu.memory_space<hbm>> -> memref<128xi32, #tpu.memory_space<hbm>>
      %dma_wait3A_51 = arith.constant 0 : i32
      %dma_wait3A_52 = tpu.memref_slice %arg3[%add3A, %run_scoped3A, %dma_wait3A_51] : memref<32x80x128xi32, #tpu.memory_space<hbm>> -> memref<1x1x128xi32, #tpu.memory_space<hbm>>
      %dma_wait3A_53 = tpu.memref_squeeze %dma_wait3A_52 : memref<1x1x128xi32, #tpu.memory_space<hbm>> -> memref<128xi32, #tpu.memory_space<hbm>>
      tpu.wait_dma2 semaphore(%run_scoped3A_41 : memref<!tpu.dma_semaphore, #tpu.memory_space<semaphore_mem>>) src(%dma_wait3A_53 : memref<128xi32, #tpu.memory_space<hbm>>) dst(%arg8 : memref<128xi32, #tpu.memory_space<vmem>>)
      tpu.yield
    }) : () -> ()
    %run_scoped3A_22 = arith.constant 0 : i32
    "tpu.region"() ({
      %run_scoped3A_41 = tpu.sem_alloc : memref<!tpu.dma_semaphore, #tpu.memory_space<semaphore_mem>>
      %dma_start3A_42 = arith.constant 0 : i32
      %dma_start3A_43 = tpu.memref_slice %arg4[%add3A, %run_scoped3A_22, %dma_start3A_42] : memref<32x80x128xi32, #tpu.memory_space<hbm>> -> memref<1x1x128xi32, #tpu.memory_space<hbm>>
      %dma_start3A_44 = tpu.memref_squeeze %dma_start3A_43 : memref<1x1x128xi32, #tpu.memory_space<hbm>> -> memref<128xi32, #tpu.memory_space<hbm>>
      %dma_start3A_45 = arith.constant 0 : i32
      %dma_start3A_46 = tpu.memref_slice %arg4[%add3A, %run_scoped3A_22, %dma_start3A_45] : memref<32x80x128xi32, #tpu.memory_space<hbm>> -> memref<1x1x128xi32, #tpu.memory_space<hbm>>
      %dma_start3A_47 = tpu.memref_squeeze %dma_start3A_46 : memref<1x1x128xi32, #tpu.memory_space<hbm>> -> memref<128xi32, #tpu.memory_space<hbm>>
      tpu.enqueue_dma source(%dma_start3A_47 : memref<128xi32, #tpu.memory_space<hbm>>) target(%arg9 : memref<128xi32, #tpu.memory_space<vmem>>) target_semaphore(%run_scoped3A_41 : memref<!tpu.dma_semaphore, #tpu.memory_space<semaphore_mem>>)
      %dma_wait3A_48 = arith.constant 0 : i32
      %dma_wait3A_49 = tpu.memref_slice %arg4[%add3A, %run_scoped3A_22, %dma_wait3A_48] : memref<32x80x128xi32, #tpu.memory_space<hbm>> -> memref<1x1x128xi32, #tpu.memory_space<hbm>>
      %dma_wait3A_50 = tpu.memref_squeeze %dma_wait3A_49 : memref<1x1x128xi32, #tpu.memory_space<hbm>> -> memref<128xi32, #tpu.memory_space<hbm>>
      %dma_wait3A_51 = arith.constant 0 : i32
      %dma_wait3A_52 = tpu.memref_slice %arg4[%add3A, %run_scoped3A_22, %dma_wait3A_51] : memref<32x80x128xi32, #tpu.memory_space<hbm>> -> memref<1x1x128xi32, #tpu.memory_space<hbm>>
      %dma_wait3A_53 = tpu.memref_squeeze %dma_wait3A_52 : memref<1x1x128xi32, #tpu.memory_space<hbm>> -> memref<128xi32, #tpu.memory_space<hbm>>
      tpu.wait_dma2 semaphore(%run_scoped3A_41 : memref<!tpu.dma_semaphore, #tpu.memory_space<semaphore_mem>>) src(%dma_wait3A_53 : memref<128xi32, #tpu.memory_space<hbm>>) dst(%arg9 : memref<128xi32, #tpu.memory_space<vmem>>)
      tpu.yield
    }) : () -> ()
    %dma_start3A = arith.constant 0 : i32
    %dma_start3A_23 = tpu.memref_slice %arg5[%dma_start3A] : memref<10240xf32, #tpu.memory_space<hbm>> -> memref<10240xf32, #tpu.memory_space<hbm>>
    tpu.enqueue_indirect_dma source(%dma_start3A_23 : memref<10240xf32, #tpu.memory_space<hbm>>) target(%arg14 : memref<128xf32, #tpu.memory_space<vmem>>) offsets(%arg9 : memref<128xi32, #tpu.memory_space<vmem>>) semaphore(%arg19 : memref<!tpu.dma_semaphore, #tpu.memory_space<semaphore_mem>>)
    %dma_start3A_24 = arith.constant 0 : i32
    %dma_start3A_25 = arith.constant 0 : i32
    %dma_start3A_26 = tpu.memref_slice %arg2[%dma_start3A_24, %dma_start3A_25] : memref<10240x128xf32, #tpu.memory_space<hbm>> -> memref<10240x128xf32, #tpu.memory_space<hbm>>
    tpu.enqueue_indirect_dma source(%dma_start3A_26 : memref<10240x128xf32, #tpu.memory_space<hbm>>) target(%arg12 : memref<128x128xf32, #tpu.memory_space<vmem>>) offsets(%arg8 : memref<128xi32, #tpu.memory_space<vmem>>) semaphore(%arg18 : memref<!tpu.dma_semaphore, #tpu.memory_space<semaphore_mem>>)
    %scan3A_27 = arith.constant 0 : i32
    %scan3A_28 = arith.constant 0 : i32
    %scan3A_29 = arith.constant 40 : i32
    %scan3A_30 = arith.addi %scan3A_28, %scan3A_29 : i32
    %scan3A_31 = arith.constant 1 : i32
    %scan3A_32 = scf.for %scan3A_41 = %scan3A_28 to %scan3A_30 step %scan3A_31 iter_args(%scan3A_42 = %scan3A_27) -> (i32)  : i32 {
      %gt3A = arith.constant 0 : i32
      %gt3A_43 = arith.cmpi sgt, %scan3A_41, %gt3A : i32
      %convert_element_type3A = arith.extui %gt3A_43 : i1 to i32
      %cond3A = arith.constant 0 : i32
      %cond3A_44 = arith.cmpi ne, %convert_element_type3A, %cond3A : i32
      scf.if %cond3A_44 {
        %dma_wait3A_150 = arith.constant 0 : i32
        %dma_wait3A_151 = arith.constant 0 : i32
        %dma_wait3A_152 = tpu.memref_slice %arg17[%dma_wait3A_150, %dma_wait3A_151] : memref<10240x128xf32, #tpu.memory_space<vmem_shared>> -> memref<10240x128xf32, #tpu.memory_space<vmem_shared>>
        tpu.wait_indirect_dma semaphore(%arg22 : memref<!tpu.dma_semaphore, #tpu.memory_space<semaphore_mem>>) src(%arg13 : memref<128x128xf32, #tpu.memory_space<vmem>>) dst(%dma_wait3A_152 : memref<10240x128xf32, #tpu.memory_space<vmem_shared>>)
      } else {
      }
      %mul3A_45 = arith.constant 2 : i32
      %mul3A_46 = arith.muli %mul3A_45, %scan3A_41 : i32
      %add3A_47 = arith.constant 1 : i32
      %add3A_48 = arith.addi %mul3A_46, %add3A_47 : i32
      "tpu.region"() ({
        %run_scoped3A_150 = tpu.sem_alloc : memref<!tpu.dma_semaphore, #tpu.memory_space<semaphore_mem>>
        %dma_start3A_151 = arith.constant 0 : i32
        %dma_start3A_152 = tpu.memref_slice %arg3[%add3A, %add3A_48, %dma_start3A_151] : memref<32x80x128xi32, #tpu.memory_space<hbm>> -> memref<1x1x128xi32, #tpu.memory_space<hbm>>
        %dma_start3A_153 = tpu.memref_squeeze %dma_start3A_152 : memref<1x1x128xi32, #tpu.memory_space<hbm>> -> memref<128xi32, #tpu.memory_space<hbm>>
        %dma_start3A_154 = arith.constant 0 : i32
        %dma_start3A_155 = tpu.memref_slice %arg3[%add3A, %add3A_48, %dma_start3A_154] : memref<32x80x128xi32, #tpu.memory_space<hbm>> -> memref<1x1x128xi32, #tpu.memory_space<hbm>>
        %dma_start3A_156 = tpu.memref_squeeze %dma_start3A_155 : memref<1x1x128xi32, #tpu.memory_space<hbm>> -> memref<128xi32, #tpu.memory_space<hbm>>
        tpu.enqueue_dma source(%dma_start3A_156 : memref<128xi32, #tpu.memory_space<hbm>>) target(%arg10 : memref<128xi32, #tpu.memory_space<vmem>>) target_semaphore(%run_scoped3A_150 : memref<!tpu.dma_semaphore, #tpu.memory_space<semaphore_mem>>)
        %dma_wait3A_157 = arith.constant 0 : i32
        %dma_wait3A_158 = tpu.memref_slice %arg3[%add3A, %add3A_48, %dma_wait3A_157] : memref<32x80x128xi32, #tpu.memory_space<hbm>> -> memref<1x1x128xi32, #tpu.memory_space<hbm>>
        %dma_wait3A_159 = tpu.memref_squeeze %dma_wait3A_158 : memref<1x1x128xi32, #tpu.memory_space<hbm>> -> memref<128xi32, #tpu.memory_space<hbm>>
        %dma_wait3A_160 = arith.constant 0 : i32
        %dma_wait3A_161 = tpu.memref_slice %arg3[%add3A, %add3A_48, %dma_wait3A_160] : memref<32x80x128xi32, #tpu.memory_space<hbm>> -> memref<1x1x128xi32, #tpu.memory_space<hbm>>
        %dma_wait3A_162 = tpu.memref_squeeze %dma_wait3A_161 : memref<1x1x128xi32, #tpu.memory_space<hbm>> -> memref<128xi32, #tpu.memory_space<hbm>>
        tpu.wait_dma2 semaphore(%run_scoped3A_150 : memref<!tpu.dma_semaphore, #tpu.memory_space<semaphore_mem>>) src(%dma_wait3A_162 : memref<128xi32, #tpu.memory_space<hbm>>) dst(%arg10 : memref<128xi32, #tpu.memory_space<vmem>>)
        tpu.yield
      }) : () -> ()
      %mul3A_49 = arith.constant 2 : i32
      %mul3A_50 = arith.muli %mul3A_49, %scan3A_41 : i32
      %add3A_51 = arith.constant 1 : i32
      %add3A_52 = arith.addi %mul3A_50, %add3A_51 : i32
      "tpu.region"() ({
        %run_scoped3A_150 = tpu.sem_alloc : memref<!tpu.dma_semaphore, #tpu.memory_space<semaphore_mem>>
        %dma_start3A_151 = arith.constant 0 : i32
        %dma_start3A_152 = tpu.memref_slice %arg4[%add3A, %add3A_52, %dma_start3A_151] : memref<32x80x128xi32, #tpu.memory_space<hbm>> -> memref<1x1x128xi32, #tpu.memory_space<hbm>>
        %dma_start3A_153 = tpu.memref_squeeze %dma_start3A_152 : memref<1x1x128xi32, #tpu.memory_space<hbm>> -> memref<128xi32, #tpu.memory_space<hbm>>
        %dma_start3A_154 = arith.constant 0 : i32
        %dma_start3A_155 = tpu.memref_slice %arg4[%add3A, %add3A_52, %dma_start3A_154] : memref<32x80x128xi32, #tpu.memory_space<hbm>> -> memref<1x1x128xi32, #tpu.memory_space<hbm>>
        %dma_start3A_156 = tpu.memref_squeeze %dma_start3A_155 : memref<1x1x128xi32, #tpu.memory_space<hbm>> -> memref<128xi32, #tpu.memory_space<hbm>>
        tpu.enqueue_dma source(%dma_start3A_156 : memref<128xi32, #tpu.memory_space<hbm>>) target(%arg11 : memref<128xi32, #tpu.memory_space<vmem>>) target_semaphore(%run_scoped3A_150 : memref<!tpu.dma_semaphore, #tpu.memory_space<semaphore_mem>>)
        %dma_wait3A_157 = arith.constant 0 : i32
        %dma_wait3A_158 = tpu.memref_slice %arg4[%add3A, %add3A_52, %dma_wait3A_157] : memref<32x80x128xi32, #tpu.memory_space<hbm>> -> memref<1x1x128xi32, #tpu.memory_space<hbm>>
        %dma_wait3A_159 = tpu.memref_squeeze %dma_wait3A_158 : memref<1x1x128xi32, #tpu.memory_space<hbm>> -> memref<128xi32, #tpu.memory_space<hbm>>
        %dma_wait3A_160 = arith.constant 0 : i32
        %dma_wait3A_161 = tpu.memref_slice %arg4[%add3A, %add3A_52, %dma_wait3A_160] : memref<32x80x128xi32, #tpu.memory_space<hbm>> -> memref<1x1x128xi32, #tpu.memory_space<hbm>>
        %dma_wait3A_162 = tpu.memref_squeeze %dma_wait3A_161 : memref<1x1x128xi32, #tpu.memory_space<hbm>> -> memref<128xi32, #tpu.memory_space<hbm>>
        tpu.wait_dma2 semaphore(%run_scoped3A_150 : memref<!tpu.dma_semaphore, #tpu.memory_space<semaphore_mem>>) src(%dma_wait3A_162 : memref<128xi32, #tpu.memory_space<hbm>>) dst(%arg11 : memref<128xi32, #tpu.memory_space<vmem>>)
        tpu.yield
      }) : () -> ()
      %dma_start3A_53 = arith.constant 0 : i32
      %dma_start3A_54 = tpu.memref_slice %arg5[%dma_start3A_53] : memref<10240xf32, #tpu.memory_space<hbm>> -> memref<10240xf32, #tpu.memory_space<hbm>>
      tpu.enqueue_indirect_dma source(%dma_start3A_54 : memref<10240xf32, #tpu.memory_space<hbm>>) target(%arg15 : memref<128xf32, #tpu.memory_space<vmem>>) offsets(%arg11 : memref<128xi32, #tpu.memory_space<vmem>>) semaphore(%arg20 : memref<!tpu.dma_semaphore, #tpu.memory_space<semaphore_mem>>)
      %dma_wait3A_55 = arith.constant 0 : i32
      %dma_wait3A_56 = arith.constant 0 : i32
      %dma_wait3A_57 = tpu.memref_slice %arg2[%dma_wait3A_55, %dma_wait3A_56] : memref<10240x128xf32, #tpu.memory_space<hbm>> -> memref<10240x128xf32, #tpu.memory_space<hbm>>
      tpu.wait_indirect_dma semaphore(%arg18 : memref<!tpu.dma_semaphore, #tpu.memory_space<semaphore_mem>>) src(%dma_wait3A_57 : memref<10240x128xf32, #tpu.memory_space<hbm>>) dst(%arg12 : memref<128x128xf32, #tpu.memory_space<vmem>>)
      %dma_start3A_58 = arith.constant 0 : i32
      %dma_start3A_59 = arith.constant 0 : i32
      %dma_start3A_60 = tpu.memref_slice %arg2[%dma_start3A_58, %dma_start3A_59] : memref<10240x128xf32, #tpu.memory_space<hbm>> -> memref<10240x128xf32, #tpu.memory_space<hbm>>
      tpu.enqueue_indirect_dma source(%dma_start3A_60 : memref<10240x128xf32, #tpu.memory_space<hbm>>) target(%arg13 : memref<128x128xf32, #tpu.memory_space<vmem>>) offsets(%arg10 : memref<128xi32, #tpu.memory_space<vmem>>) semaphore(%arg18 : memref<!tpu.dma_semaphore, #tpu.memory_space<semaphore_mem>>)
      %dma_start3A_61 = arith.constant 0 : i32
      %dma_start3A_62 = arith.constant 0 : i32
      %dma_start3A_63 = tpu.memref_slice %arg17[%dma_start3A_61, %dma_start3A_62] : memref<10240x128xf32, #tpu.memory_space<vmem_shared>> -> memref<10240x128xf32, #tpu.memory_space<vmem_shared>>
      tpu.enqueue_indirect_dma source(%arg12 : memref<128x128xf32, #tpu.memory_space<vmem>>) target(%dma_start3A_63 : memref<10240x128xf32, #tpu.memory_space<vmem_shared>>) offsets(%arg9 : memref<128xi32, #tpu.memory_space<vmem>>) semaphore(%arg21 : memref<!tpu.dma_semaphore, #tpu.memory_space<semaphore_mem>>) {add = true}
      %dma_wait3A_64 = arith.constant 0 : i32
      %dma_wait3A_65 = tpu.memref_slice %arg5[%dma_wait3A_64] : memref<10240xf32, #tpu.memory_space<hbm>> -> memref<10240xf32, #tpu.memory_space<hbm>>
      tpu.wait_indirect_dma semaphore(%arg19 : memref<!tpu.dma_semaphore, #tpu.memory_space<semaphore_mem>>) src(%dma_wait3A_65 : memref<10240xf32, #tpu.memory_space<hbm>>) dst(%arg14 : memref<128xf32, #tpu.memory_space<vmem>>)
      %get3A = arith.constant 0 : index
      %get3A_66 = tpu.vector_load %arg8[%get3A] {strides = array<i32>} : memref<128xi32, #tpu.memory_space<vmem>>, vector<16xi32>,
      %get3A_67 = arith.constant 0 : index
      %get3A_68 = tpu.vector_load %arg14[%get3A_67] {strides = array<i32>} : memref<128xf32, #tpu.memory_space<vmem>>, vector<16xf32>,
      tpu.vector_store_idx %arg16[%get3A_66], %get3A_68 {add = true} : memref<10240xf32, #tpu.memory_space<vmem>>[vector<16xi32>], vector<16xf32>,
      %get3A_69 = arith.constant 16 : index
      %get3A_70 = tpu.vector_load %arg8[%get3A_69] {strides = array<i32>} : memref<128xi32, #tpu.memory_space<vmem>>, vector<16xi32>,
      %get3A_71 = arith.constant 16 : index
      %get3A_72 = tpu.vector_load %arg14[%get3A_71] {strides = array<i32>} : memref<128xf32, #tpu.memory_space<vmem>>, vector<16xf32>,
      tpu.vector_store_idx %arg16[%get3A_70], %get3A_72 {add = true} : memref<10240xf32, #tpu.memory_space<vmem>>[vector<16xi32>], vector<16xf32>,
      %get3A_73 = arith.constant 32 : index
      %get3A_74 = tpu.vector_load %arg8[%get3A_73] {strides = array<i32>} : memref<128xi32, #tpu.memory_space<vmem>>, vector<16xi32>,
      %get3A_75 = arith.constant 32 : index
      %get3A_76 = tpu.vector_load %arg14[%get3A_75] {strides = array<i32>} : memref<128xf32, #tpu.memory_space<vmem>>, vector<16xf32>,
      tpu.vector_store_idx %arg16[%get3A_74], %get3A_76 {add = true} : memref<10240xf32, #tpu.memory_space<vmem>>[vector<16xi32>], vector<16xf32>,
      %get3A_77 = arith.constant 48 : index
      %get3A_78 = tpu.vector_load %arg8[%get3A_77] {strides = array<i32>} : memref<128xi32, #tpu.memory_space<vmem>>, vector<16xi32>,
      %get3A_79 = arith.constant 48 : index
      %get3A_80 = tpu.vector_load %arg14[%get3A_79] {strides = array<i32>} : memref<128xf32, #tpu.memory_space<vmem>>, vector<16xf32>,
      tpu.vector_store_idx %arg16[%get3A_78], %get3A_80 {add = true} : memref<10240xf32, #tpu.memory_space<vmem>>[vector<16xi32>], vector<16xf32>,
      %get3A_81 = arith.constant 64 : index
      %get3A_82 = tpu.vector_load %arg8[%get3A_81] {strides = array<i32>} : memref<128xi32, #tpu.memory_space<vmem>>, vector<16xi32>,
      %get3A_83 = arith.constant 64 : index
      %get3A_84 = tpu.vector_load %arg14[%get3A_83] {strides = array<i32>} : memref<128xf32, #tpu.memory_space<vmem>>, vector<16xf32>,
      tpu.vector_store_idx %arg16[%get3A_82], %get3A_84 {add = true} : memref<10240xf32, #tpu.memory_space<vmem>>[vector<16xi32>], vector<16xf32>,
      %get3A_85 = arith.constant 80 : index
      %get3A_86 = tpu.vector_load %arg8[%get3A_85] {strides = array<i32>} : memref<128xi32, #tpu.memory_space<vmem>>, vector<16xi32>,
      %get3A_87 = arith.constant 80 : index
      %get3A_88 = tpu.vector_load %arg14[%get3A_87] {strides = array<i32>} : memref<128xf32, #tpu.memory_space<vmem>>, vector<16xf32>,
      tpu.vector_store_idx %arg16[%get3A_86], %get3A_88 {add = true} : memref<10240xf32, #tpu.memory_space<vmem>>[vector<16xi32>], vector<16xf32>,
      %get3A_89 = arith.constant 96 : index
      %get3A_90 = tpu.vector_load %arg8[%get3A_89] {strides = array<i32>} : memref<128xi32, #tpu.memory_space<vmem>>, vector<16xi32>,
      %get3A_91 = arith.constant 96 : index
      %get3A_92 = tpu.vector_load %arg14[%get3A_91] {strides = array<i32>} : memref<128xf32, #tpu.memory_space<vmem>>, vector<16xf32>,
      tpu.vector_store_idx %arg16[%get3A_90], %get3A_92 {add = true} : memref<10240xf32, #tpu.memory_space<vmem>>[vector<16xi32>], vector<16xf32>,
      %get3A_93 = arith.constant 112 : index
      %get3A_94 = tpu.vector_load %arg8[%get3A_93] {strides = array<i32>} : memref<128xi32, #tpu.memory_space<vmem>>, vector<16xi32>,
      %get3A_95 = arith.constant 112 : index
      %get3A_96 = tpu.vector_load %arg14[%get3A_95] {strides = array<i32>} : memref<128xf32, #tpu.memory_space<vmem>>, vector<16xf32>,
      tpu.vector_store_idx %arg16[%get3A_94], %get3A_96 {add = true} : memref<10240xf32, #tpu.memory_space<vmem>>[vector<16xi32>], vector<16xf32>,
      %dma_wait3A_97 = arith.constant 0 : i32
      %dma_wait3A_98 = arith.constant 0 : i32
      %dma_wait3A_99 = tpu.memref_slice %arg17[%dma_wait3A_97, %dma_wait3A_98] : memref<10240x128xf32, #tpu.memory_space<vmem_shared>> -> memref<10240x128xf32, #tpu.memory_space<vmem_shared>>
      tpu.wait_indirect_dma semaphore(%arg21 : memref<!tpu.dma_semaphore, #tpu.memory_space<semaphore_mem>>) src(%arg12 : memref<128x128xf32, #tpu.memory_space<vmem>>) dst(%dma_wait3A_99 : memref<10240x128xf32, #tpu.memory_space<vmem_shared>>)
      %lt3A = arith.constant 39 : i32
      %lt3A_100 = arith.cmpi slt, %scan3A_41, %lt3A : i32
      %convert_element_type3A_101 = arith.extui %lt3A_100 : i1 to i32
      %cond3A_102 = arith.constant 0 : i32
      %cond3A_103 = arith.cmpi ne, %convert_element_type3A_101, %cond3A_102 : i32
      scf.if %cond3A_103 {
        %mul3A_150 = arith.constant 2 : i32
        %mul3A_151 = arith.muli %mul3A_150, %scan3A_41 : i32
        %add3A_152 = arith.constant 2 : i32
        %add3A_153 = arith.addi %mul3A_151, %add3A_152 : i32
        "tpu.region"() ({
          %run_scoped3A_160 = tpu.sem_alloc : memref<!tpu.dma_semaphore, #tpu.memory_space<semaphore_mem>>
          %dma_start3A_161 = arith.constant 0 : i32
          %dma_start3A_162 = tpu.memref_slice %arg3[%add3A, %add3A_153, %dma_start3A_161] : memref<32x80x128xi32, #tpu.memory_space<hbm>> -> memref<1x1x128xi32, #tpu.memory_space<hbm>>
          %dma_start3A_163 = tpu.memref_squeeze %dma_start3A_162 : memref<1x1x128xi32, #tpu.memory_space<hbm>> -> memref<128xi32, #tpu.memory_space<hbm>>
          %dma_start3A_164 = arith.constant 0 : i32
          %dma_start3A_165 = tpu.memref_slice %arg3[%add3A, %add3A_153, %dma_start3A_164] : memref<32x80x128xi32, #tpu.memory_space<hbm>> -> memref<1x1x128xi32, #tpu.memory_space<hbm>>
          %dma_start3A_166 = tpu.memref_squeeze %dma_start3A_165 : memref<1x1x128xi32, #tpu.memory_space<hbm>> -> memref<128xi32, #tpu.memory_space<hbm>>
          tpu.enqueue_dma source(%dma_start3A_166 : memref<128xi32, #tpu.memory_space<hbm>>) target(%arg8 : memref<128xi32, #tpu.memory_space<vmem>>) target_semaphore(%run_scoped3A_160 : memref<!tpu.dma_semaphore, #tpu.memory_space<semaphore_mem>>)
          %dma_wait3A_167 = arith.constant 0 : i32
          %dma_wait3A_168 = tpu.memref_slice %arg3[%add3A, %add3A_153, %dma_wait3A_167] : memref<32x80x128xi32, #tpu.memory_space<hbm>> -> memref<1x1x128xi32, #tpu.memory_space<hbm>>
          %dma_wait3A_169 = tpu.memref_squeeze %dma_wait3A_168 : memref<1x1x128xi32, #tpu.memory_space<hbm>> -> memref<128xi32, #tpu.memory_space<hbm>>
          %dma_wait3A_170 = arith.constant 0 : i32
          %dma_wait3A_171 = tpu.memref_slice %arg3[%add3A, %add3A_153, %dma_wait3A_170] : memref<32x80x128xi32, #tpu.memory_space<hbm>> -> memref<1x1x128xi32, #tpu.memory_space<hbm>>
          %dma_wait3A_172 = tpu.memref_squeeze %dma_wait3A_171 : memref<1x1x128xi32, #tpu.memory_space<hbm>> -> memref<128xi32, #tpu.memory_space<hbm>>
          tpu.wait_dma2 semaphore(%run_scoped3A_160 : memref<!tpu.dma_semaphore, #tpu.memory_space<semaphore_mem>>) src(%dma_wait3A_172 : memref<128xi32, #tpu.memory_space<hbm>>) dst(%arg8 : memref<128xi32, #tpu.memory_space<vmem>>)
          tpu.yield
        }) : () -> ()
        %mul3A_154 = arith.constant 2 : i32
        %mul3A_155 = arith.muli %mul3A_154, %scan3A_41 : i32
        %add3A_156 = arith.constant 2 : i32
        %add3A_157 = arith.addi %mul3A_155, %add3A_156 : i32
        "tpu.region"() ({
          %run_scoped3A_160 = tpu.sem_alloc : memref<!tpu.dma_semaphore, #tpu.memory_space<semaphore_mem>>
          %dma_start3A_161 = arith.constant 0 : i32
          %dma_start3A_162 = tpu.memref_slice %arg4[%add3A, %add3A_157, %dma_start3A_161] : memref<32x80x128xi32, #tpu.memory_space<hbm>> -> memref<1x1x128xi32, #tpu.memory_space<hbm>>
          %dma_start3A_163 = tpu.memref_squeeze %dma_start3A_162 : memref<1x1x128xi32, #tpu.memory_space<hbm>> -> memref<128xi32, #tpu.memory_space<hbm>>
          %dma_start3A_164 = arith.constant 0 : i32
          %dma_start3A_165 = tpu.memref_slice %arg4[%add3A, %add3A_157, %dma_start3A_164] : memref<32x80x128xi32, #tpu.memory_space<hbm>> -> memref<1x1x128xi32, #tpu.memory_space<hbm>>
          %dma_start3A_166 = tpu.memref_squeeze %dma_start3A_165 : memref<1x1x128xi32, #tpu.memory_space<hbm>> -> memref<128xi32, #tpu.memory_space<hbm>>
          tpu.enqueue_dma source(%dma_start3A_166 : memref<128xi32, #tpu.memory_space<hbm>>) target(%arg9 : memref<128xi32, #tpu.memory_space<vmem>>) target_semaphore(%run_scoped3A_160 : memref<!tpu.dma_semaphore, #tpu.memory_space<semaphore_mem>>)
          %dma_wait3A_167 = arith.constant 0 : i32
          %dma_wait3A_168 = tpu.memref_slice %arg4[%add3A, %add3A_157, %dma_wait3A_167] : memref<32x80x128xi32, #tpu.memory_space<hbm>> -> memref<1x1x128xi32, #tpu.memory_space<hbm>>
          %dma_wait3A_169 = tpu.memref_squeeze %dma_wait3A_168 : memref<1x1x128xi32, #tpu.memory_space<hbm>> -> memref<128xi32, #tpu.memory_space<hbm>>
          %dma_wait3A_170 = arith.constant 0 : i32
          %dma_wait3A_171 = tpu.memref_slice %arg4[%add3A, %add3A_157, %dma_wait3A_170] : memref<32x80x128xi32, #tpu.memory_space<hbm>> -> memref<1x1x128xi32, #tpu.memory_space<hbm>>
          %dma_wait3A_172 = tpu.memref_squeeze %dma_wait3A_171 : memref<1x1x128xi32, #tpu.memory_space<hbm>> -> memref<128xi32, #tpu.memory_space<hbm>>
          tpu.wait_dma2 semaphore(%run_scoped3A_160 : memref<!tpu.dma_semaphore, #tpu.memory_space<semaphore_mem>>) src(%dma_wait3A_172 : memref<128xi32, #tpu.memory_space<hbm>>) dst(%arg9 : memref<128xi32, #tpu.memory_space<vmem>>)
          tpu.yield
        }) : () -> ()
        %dma_start3A_158 = arith.constant 0 : i32
        %dma_start3A_159 = tpu.memref_slice %arg5[%dma_start3A_158] : memref<10240xf32, #tpu.memory_space<hbm>> -> memref<10240xf32, #tpu.memory_space<hbm>>
        tpu.enqueue_indirect_dma source(%dma_start3A_159 : memref<10240xf32, #tpu.memory_space<hbm>>) target(%arg14 : memref<128xf32, #tpu.memory_space<vmem>>) offsets(%arg9 : memref<128xi32, #tpu.memory_space<vmem>>) semaphore(%arg19 : memref<!tpu.dma_semaphore, #tpu.memory_space<semaphore_mem>>)
      } else {
      }
      %dma_wait3A_104 = arith.constant 0 : i32
      %dma_wait3A_105 = arith.constant 0 : i32
      %dma_wait3A_106 = tpu.memref_slice %arg2[%dma_wait3A_104, %dma_wait3A_105] : memref<10240x128xf32, #tpu.memory_space<hbm>> -> memref<10240x128xf32, #tpu.memory_space<hbm>>
      tpu.wait_indirect_dma semaphore(%arg18 : memref<!tpu.dma_semaphore, #tpu.memory_space<semaphore_mem>>) src(%dma_wait3A_106 : memref<10240x128xf32, #tpu.memory_space<hbm>>) dst(%arg13 : memref<128x128xf32, #tpu.memory_space<vmem>>)
      %lt3A_107 = arith.constant 39 : i32
      %lt3A_108 = arith.cmpi slt, %scan3A_41, %lt3A_107 : i32
      %convert_element_type3A_109 = arith.extui %lt3A_108 : i1 to i32
      %cond3A_110 = arith.constant 0 : i32
      %cond3A_111 = arith.cmpi ne, %convert_element_type3A_109, %cond3A_110 : i32
      scf.if %cond3A_111 {
        %dma_start3A_150 = arith.constant 0 : i32
        %dma_start3A_151 = arith.constant 0 : i32
        %dma_start3A_152 = tpu.memref_slice %arg2[%dma_start3A_150, %dma_start3A_151] : memref<10240x128xf32, #tpu.memory_space<hbm>> -> memref<10240x128xf32, #tpu.memory_space<hbm>>
        tpu.enqueue_indirect_dma source(%dma_start3A_152 : memref<10240x128xf32, #tpu.memory_space<hbm>>) target(%arg12 : memref<128x128xf32, #tpu.memory_space<vmem>>) offsets(%arg8 : memref<128xi32, #tpu.memory_space<vmem>>) semaphore(%arg18 : memref<!tpu.dma_semaphore, #tpu.memory_space<semaphore_mem>>)
      } else {
      }
      %dma_start3A_112 = arith.constant 0 : i32
      %dma_start3A_113 = arith.constant 0 : i32
      %dma_start3A_114 = tpu.memref_slice %arg17[%dma_start3A_112, %dma_start3A_113] : memref<10240x128xf32, #tpu.memory_space<vmem_shared>> -> memref<10240x128xf32, #tpu.memory_space<vmem_shared>>
      tpu.enqueue_indirect_dma source(%arg13 : memref<128x128xf32, #tpu.memory_space<vmem>>) target(%dma_start3A_114 : memref<10240x128xf32, #tpu.memory_space<vmem_shared>>) offsets(%arg11 : memref<128xi32, #tpu.memory_space<vmem>>) semaphore(%arg22 : memref<!tpu.dma_semaphore, #tpu.memory_space<semaphore_mem>>) {add = true}
      %dma_wait3A_115 = arith.constant 0 : i32
      %dma_wait3A_116 = tpu.memref_slice %arg5[%dma_wait3A_115] : memref<10240xf32, #tpu.memory_space<hbm>> -> memref<10240xf32, #tpu.memory_space<hbm>>
      tpu.wait_indirect_dma semaphore(%arg20 : memref<!tpu.dma_semaphore, #tpu.memory_space<semaphore_mem>>) src(%dma_wait3A_116 : memref<10240xf32, #tpu.memory_space<hbm>>) dst(%arg15 : memref<128xf32, #tpu.memory_space<vmem>>)
      %get3A_117 = arith.constant 0 : index
      %get3A_118 = tpu.vector_load %arg10[%get3A_117] {strides = array<i32>} : memref<128xi32, #tpu.memory_space<vmem>>, vector<16xi32>,
      %get3A_119 = arith.constant 0 : index
      %get3A_120 = tpu.vector_load %arg15[%get3A_119] {strides = array<i32>} : memref<128xf32, #tpu.memory_space<vmem>>, vector<16xf32>,
      tpu.vector_store_idx %arg16[%get3A_118], %get3A_120 {add = true} : memref<10240xf32, #tpu.memory_space<vmem>>[vector<16xi32>], vector<16xf32>,
      %get3A_121 = arith.constant 16 : index
      %get3A_122 = tpu.vector_load %arg10[%get3A_121] {strides = array<i32>} : memref<128xi32, #tpu.memory_space<vmem>>, vector<16xi32>,
      %get3A_123 = arith.constant 16 : index
      %get3A_124 = tpu.vector_load %arg15[%get3A_123] {strides = array<i32>} : memref<128xf32, #tpu.memory_space<vmem>>, vector<16xf32>,
      tpu.vector_store_idx %arg16[%get3A_122], %get3A_124 {add = true} : memref<10240xf32, #tpu.memory_space<vmem>>[vector<16xi32>], vector<16xf32>,
      %get3A_125 = arith.constant 32 : index
      %get3A_126 = tpu.vector_load %arg10[%get3A_125] {strides = array<i32>} : memref<128xi32, #tpu.memory_space<vmem>>, vector<16xi32>,
      %get3A_127 = arith.constant 32 : index
      %get3A_128 = tpu.vector_load %arg15[%get3A_127] {strides = array<i32>} : memref<128xf32, #tpu.memory_space<vmem>>, vector<16xf32>,
      tpu.vector_store_idx %arg16[%get3A_126], %get3A_128 {add = true} : memref<10240xf32, #tpu.memory_space<vmem>>[vector<16xi32>], vector<16xf32>,
      %get3A_129 = arith.constant 48 : index
      %get3A_130 = tpu.vector_load %arg10[%get3A_129] {strides = array<i32>} : memref<128xi32, #tpu.memory_space<vmem>>, vector<16xi32>,
      %get3A_131 = arith.constant 48 : index
      %get3A_132 = tpu.vector_load %arg15[%get3A_131] {strides = array<i32>} : memref<128xf32, #tpu.memory_space<vmem>>, vector<16xf32>,
      tpu.vector_store_idx %arg16[%get3A_130], %get3A_132 {add = true} : memref<10240xf32, #tpu.memory_space<vmem>>[vector<16xi32>], vector<16xf32>,
      %get3A_133 = arith.constant 64 : index
      %get3A_134 = tpu.vector_load %arg10[%get3A_133] {strides = array<i32>} : memref<128xi32, #tpu.memory_space<vmem>>, vector<16xi32>,
      %get3A_135 = arith.constant 64 : index
      %get3A_136 = tpu.vector_load %arg15[%get3A_135] {strides = array<i32>} : memref<128xf32, #tpu.memory_space<vmem>>, vector<16xf32>,
      tpu.vector_store_idx %arg16[%get3A_134], %get3A_136 {add = true} : memref<10240xf32, #tpu.memory_space<vmem>>[vector<16xi32>], vector<16xf32>,
      %get3A_137 = arith.constant 80 : index
      %get3A_138 = tpu.vector_load %arg10[%get3A_137] {strides = array<i32>} : memref<128xi32, #tpu.memory_space<vmem>>, vector<16xi32>,
      %get3A_139 = arith.constant 80 : index
      %get3A_140 = tpu.vector_load %arg15[%get3A_139] {strides = array<i32>} : memref<128xf32, #tpu.memory_space<vmem>>, vector<16xf32>,
      tpu.vector_store_idx %arg16[%get3A_138], %get3A_140 {add = true} : memref<10240xf32, #tpu.memory_space<vmem>>[vector<16xi32>], vector<16xf32>,
      %get3A_141 = arith.constant 96 : index
      %get3A_142 = tpu.vector_load %arg10[%get3A_141] {strides = array<i32>} : memref<128xi32, #tpu.memory_space<vmem>>, vector<16xi32>,
      %get3A_143 = arith.constant 96 : index
      %get3A_144 = tpu.vector_load %arg15[%get3A_143] {strides = array<i32>} : memref<128xf32, #tpu.memory_space<vmem>>, vector<16xf32>,
      tpu.vector_store_idx %arg16[%get3A_142], %get3A_144 {add = true} : memref<10240xf32, #tpu.memory_space<vmem>>[vector<16xi32>], vector<16xf32>,
      %get3A_145 = arith.constant 112 : index
      %get3A_146 = tpu.vector_load %arg10[%get3A_145] {strides = array<i32>} : memref<128xi32, #tpu.memory_space<vmem>>, vector<16xi32>,
      %get3A_147 = arith.constant 112 : index
      %get3A_148 = tpu.vector_load %arg15[%get3A_147] {strides = array<i32>} : memref<128xf32, #tpu.memory_space<vmem>>, vector<16xf32>,
      tpu.vector_store_idx %arg16[%get3A_146], %get3A_148 {add = true} : memref<10240xf32, #tpu.memory_space<vmem>>[vector<16xi32>], vector<16xf32>,
      %scan3A_149 = arith.constant 0 : i32
      scf.yield %scan3A_149 : i32
    }
    %scan3A_33 = arith.constant 40 : i32
    %dma_wait3A = arith.constant 0 : i32
    %dma_wait3A_34 = arith.constant 0 : i32
    %dma_wait3A_35 = tpu.memref_slice %arg17[%dma_wait3A, %dma_wait3A_34] : memref<10240x128xf32, #tpu.memory_space<vmem_shared>> -> memref<10240x128xf32, #tpu.memory_space<vmem_shared>>
    tpu.wait_indirect_dma semaphore(%arg22 : memref<!tpu.dma_semaphore, #tpu.memory_space<semaphore_mem>>) src(%arg13 : memref<128x128xf32, #tpu.memory_space<vmem>>) dst(%dma_wait3A_35 : memref<10240x128xf32, #tpu.memory_space<vmem_shared>>)
    %barrier3A_36 = arith.constant 0 : index
    tpu.barrier barrier_id(%barrier3A_36)
    %mul3A_37 = arith.constant 640 : i32
    %mul3A_38 = arith.muli %arg1, %mul3A_37 : i32
    %mul3A_39 = arith.constant 640 : i32
    %mul3A_40 = arith.muli %arg1, %mul3A_39 : i32
    "tpu.region"() ({
      %run_scoped3A_41 = tpu.sem_alloc : memref<!tpu.dma_semaphore, #tpu.memory_space<semaphore_mem>>
      %dma_start3A_42 = arith.constant 0 : i32
      %dma_start3A_43 = tpu.memref_slice %arg6[%arg0, %mul3A_40, %dma_start3A_42] : memref<2x10240x128xf32, #tpu.memory_space<hbm>> -> memref<1x640x128xf32, #tpu.memory_space<hbm>>
      %dma_start3A_44 = tpu.memref_squeeze %dma_start3A_43 : memref<1x640x128xf32, #tpu.memory_space<hbm>> -> memref<640x128xf32, #tpu.memory_space<hbm>>
      %dma_start3A_45 = arith.constant 0 : i32
      %dma_start3A_46 = tpu.memref_slice %arg17[%mul3A_38, %dma_start3A_45] : memref<10240x128xf32, #tpu.memory_space<vmem_shared>> -> memref<640x128xf32, #tpu.memory_space<vmem_shared>>
      tpu.enqueue_dma source(%dma_start3A_46 : memref<640x128xf32, #tpu.memory_space<vmem_shared>>) target(%dma_start3A_44 : memref<640x128xf32, #tpu.memory_space<hbm>>) target_semaphore(%run_scoped3A_41 : memref<!tpu.dma_semaphore, #tpu.memory_space<semaphore_mem>>)
      %dma_wait3A_47 = arith.constant 0 : i32
      %dma_wait3A_48 = tpu.memref_slice %arg6[%arg0, %mul3A_40, %dma_wait3A_47] : memref<2x10240x128xf32, #tpu.memory_space<hbm>> -> memref<1x640x128xf32, #tpu.memory_space<hbm>>
      %dma_wait3A_49 = tpu.memref_squeeze %dma_wait3A_48 : memref<1x640x128xf32, #tpu.memory_space<hbm>> -> memref<640x128xf32, #tpu.memory_space<hbm>>
      %dma_wait3A_50 = arith.constant 0 : i32
      %dma_wait3A_51 = tpu.memref_slice %arg17[%mul3A_38, %dma_wait3A_50] : memref<10240x128xf32, #tpu.memory_space<vmem_shared>> -> memref<640x128xf32, #tpu.memory_space<vmem_shared>>
      tpu.wait_dma2 semaphore(%run_scoped3A_41 : memref<!tpu.dma_semaphore, #tpu.memory_space<semaphore_mem>>) src(%dma_wait3A_51 : memref<640x128xf32, #tpu.memory_space<vmem_shared>>) dst(%dma_wait3A_49 : memref<640x128xf32, #tpu.memory_space<hbm>>)
      tpu.yield
    }) : () -> ()
    "tpu.region"() ({
      %run_scoped3A_41 = tpu.sem_alloc : memref<!tpu.dma_semaphore, #tpu.memory_space<semaphore_mem>>
      %dma_start3A_42 = arith.constant 0 : i32
      %dma_start3A_43 = tpu.memref_slice %arg7[%add3A, %dma_start3A_42] : memref<32x10240xf32, #tpu.memory_space<hbm>> -> memref<1x10240xf32, #tpu.memory_space<hbm>>
      %dma_start3A_44 = tpu.memref_squeeze %dma_start3A_43 : memref<1x10240xf32, #tpu.memory_space<hbm>> -> memref<10240xf32, #tpu.memory_space<hbm>>
      %dma_start3A_45 = arith.constant 0 : i32
      %dma_start3A_46 = tpu.memref_slice %arg7[%add3A, %dma_start3A_45] : memref<32x10240xf32, #tpu.memory_space<hbm>> -> memref<1x10240xf32, #tpu.memory_space<hbm>>
      %dma_start3A_47 = tpu.memref_squeeze %dma_start3A_46 : memref<1x10240xf32, #tpu.memory_space<hbm>> -> memref<10240xf32, #tpu.memory_space<hbm>>
      tpu.enqueue_dma source(%arg16 : memref<10240xf32, #tpu.memory_space<vmem>>) target(%dma_start3A_47 : memref<10240xf32, #tpu.memory_space<hbm>>) target_semaphore(%run_scoped3A_41 : memref<!tpu.dma_semaphore, #tpu.memory_space<semaphore_mem>>)
      %dma_wait3A_48 = arith.constant 0 : i32
      %dma_wait3A_49 = tpu.memref_slice %arg7[%add3A, %dma_wait3A_48] : memref<32x10240xf32, #tpu.memory_space<hbm>> -> memref<1x10240xf32, #tpu.memory_space<hbm>>
      %dma_wait3A_50 = tpu.memref_squeeze %dma_wait3A_49 : memref<1x10240xf32, #tpu.memory_space<hbm>> -> memref<10240xf32, #tpu.memory_space<hbm>>
      %dma_wait3A_51 = arith.constant 0 : i32
      %dma_wait3A_52 = tpu.memref_slice %arg7[%add3A, %dma_wait3A_51] : memref<32x10240xf32, #tpu.memory_space<hbm>> -> memref<1x10240xf32, #tpu.memory_space<hbm>>
      %dma_wait3A_53 = tpu.memref_squeeze %dma_wait3A_52 : memref<1x10240xf32, #tpu.memory_space<hbm>> -> memref<10240xf32, #tpu.memory_space<hbm>>
      tpu.wait_dma2 semaphore(%run_scoped3A_41 : memref<!tpu.dma_semaphore, #tpu.memory_space<semaphore_mem>>) src(%arg16 : memref<10240xf32, #tpu.memory_space<vmem>>) dst(%dma_wait3A_53 : memref<10240xf32, #tpu.memory_space<hbm>>)
      tpu.yield
    }) : () -> ()
    return
  }
}

#map = affine_map<(d0, d1) -> (0, 0)>
#map1 = affine_map<(d0, d1) -> (0, 0, 0)>
module attributes {stable_mosaic.version = 14 : i64} {
  func.func @_sc_agg(%arg0: i32, %arg1: i32, %arg2: memref<10240x128xf32, #tpu.memory_space<hbm>>, %arg3: memref<32x10240xi32, #tpu.memory_space<hbm>>, %arg4: memref<32x80x128xi32, #tpu.memory_space<hbm>>, %arg5: memref<2x10240x128xf32, #tpu.memory_space<hbm>>, %arg6: memref<10240xi32, #tpu.memory_space<vmem>>, %arg7: memref<128xi32, #tpu.memory_space<vmem>>, %arg8: memref<128xi32, #tpu.memory_space<vmem>>, %arg9: memref<2x128x128xf32, #tpu.memory_space<vmem>>, %arg10: memref<10240x128xf32, #tpu.memory_space<vmem_shared>>, %arg11: memref<!tpu.dma_semaphore, #tpu.memory_space<semaphore_mem>>, %arg12: memref<!tpu.dma_semaphore, #tpu.memory_space<semaphore_mem>>) attributes {dimension_semantics = [#tpu.dimension_semantics<core_parallel>, #tpu.dimension_semantics<subcore_parallel>], iteration_bounds = array<i64: 2, 16>, scalar_prefetch = 0 : i64, scratch_operands = 7 : i64, tpu.core_type = #tpu.core_type<sc_vector_subcore>, window_params = [{transform_indices = #map}, {transform_indices = #map}, {transform_indices = #map1}, {transform_indices = #map1}]} {
    %mul3A = arith.constant 2 : i32
    %mul3A_0 = arith.muli %arg1, %mul3A : i32
    %add3A = arith.addi %mul3A_0, %arg0 : i32
    "tpu.region"() ({
      %run_scoped3A = tpu.sem_alloc : memref<!tpu.dma_semaphore, #tpu.memory_space<semaphore_mem>>
      %dma_start3A_43 = arith.constant 0 : i32
      %dma_start3A_44 = tpu.memref_slice %arg3[%add3A, %dma_start3A_43] : memref<32x10240xi32, #tpu.memory_space<hbm>> -> memref<1x10240xi32, #tpu.memory_space<hbm>>
      %dma_start3A_45 = tpu.memref_squeeze %dma_start3A_44 : memref<1x10240xi32, #tpu.memory_space<hbm>> -> memref<10240xi32, #tpu.memory_space<hbm>>
      %dma_start3A_46 = arith.constant 0 : i32
      %dma_start3A_47 = tpu.memref_slice %arg3[%add3A, %dma_start3A_46] : memref<32x10240xi32, #tpu.memory_space<hbm>> -> memref<1x10240xi32, #tpu.memory_space<hbm>>
      %dma_start3A_48 = tpu.memref_squeeze %dma_start3A_47 : memref<1x10240xi32, #tpu.memory_space<hbm>> -> memref<10240xi32, #tpu.memory_space<hbm>>
      tpu.enqueue_dma source(%dma_start3A_48 : memref<10240xi32, #tpu.memory_space<hbm>>) target(%arg6 : memref<10240xi32, #tpu.memory_space<vmem>>) target_semaphore(%run_scoped3A : memref<!tpu.dma_semaphore, #tpu.memory_space<semaphore_mem>>)
      %dma_wait3A_49 = arith.constant 0 : i32
      %dma_wait3A_50 = tpu.memref_slice %arg3[%add3A, %dma_wait3A_49] : memref<32x10240xi32, #tpu.memory_space<hbm>> -> memref<1x10240xi32, #tpu.memory_space<hbm>>
      %dma_wait3A_51 = tpu.memref_squeeze %dma_wait3A_50 : memref<1x10240xi32, #tpu.memory_space<hbm>> -> memref<10240xi32, #tpu.memory_space<hbm>>
      %dma_wait3A_52 = arith.constant 0 : i32
      %dma_wait3A_53 = tpu.memref_slice %arg3[%add3A, %dma_wait3A_52] : memref<32x10240xi32, #tpu.memory_space<hbm>> -> memref<1x10240xi32, #tpu.memory_space<hbm>>
      %dma_wait3A_54 = tpu.memref_squeeze %dma_wait3A_53 : memref<1x10240xi32, #tpu.memory_space<hbm>> -> memref<10240xi32, #tpu.memory_space<hbm>>
      tpu.wait_dma2 semaphore(%run_scoped3A : memref<!tpu.dma_semaphore, #tpu.memory_space<semaphore_mem>>) src(%dma_wait3A_54 : memref<10240xi32, #tpu.memory_space<hbm>>) dst(%arg6 : memref<10240xi32, #tpu.memory_space<vmem>>)
      tpu.yield
    }) : () -> ()
    %broadcast_in_dim3A = arith.constant 0.000000e+00 : f32
    %broadcast_in_dim3A_1 = vector.broadcast %broadcast_in_dim3A : f32 to vector<16xf32>
    %scan3A = arith.constant 0 : i32
    %scan3A_2 = arith.constant 0 : i32
    %scan3A_3 = arith.constant 16 : i32
    %scan3A_4 = arith.addi %scan3A_2, %scan3A_3 : i32
    %scan3A_5 = arith.constant 1 : i32
    %scan3A_6 = scf.for %scan3A_43 = %scan3A_2 to %scan3A_4 step %scan3A_5 iter_args(%scan3A_44 = %scan3A) -> (i32)  : i32 {
      %swap3A = arith.constant 0 : i32
      %swap3A_45 = arith.index_cast %swap3A : i32 to index
      %swap3A_46 = arith.index_cast %scan3A_43 : i32 to index
      %swap3A_47 = arith.constant 0 : index
      %swap3A_48 = tpu.vector_load %arg9[%swap3A_45, %swap3A_46, %swap3A_47] {strides = array<i32>} : memref<2x128x128xf32, #tpu.memory_space<vmem>>, vector<16xf32>,
      tpu.vector_store %arg9[%swap3A_45, %swap3A_46, %swap3A_47], %broadcast_in_dim3A_1 {strides = array<i32>} : memref<2x128x128xf32, #tpu.memory_space<vmem>>, vector<16xf32>,
      %swap3A_49 = arith.constant 0 : i32
      %swap3A_50 = arith.index_cast %swap3A_49 : i32 to index
      %swap3A_51 = arith.index_cast %scan3A_43 : i32 to index
      %swap3A_52 = arith.constant 16 : index
      %swap3A_53 = tpu.vector_load %arg9[%swap3A_50, %swap3A_51, %swap3A_52] {strides = array<i32>} : memref<2x128x128xf32, #tpu.memory_space<vmem>>, vector<16xf32>,
      tpu.vector_store %arg9[%swap3A_50, %swap3A_51, %swap3A_52], %broadcast_in_dim3A_1 {strides = array<i32>} : memref<2x128x128xf32, #tpu.memory_space<vmem>>, vector<16xf32>,
      %swap3A_54 = arith.constant 0 : i32
      %swap3A_55 = arith.index_cast %swap3A_54 : i32 to index
      %swap3A_56 = arith.index_cast %scan3A_43 : i32 to index
      %swap3A_57 = arith.constant 32 : index
      %swap3A_58 = tpu.vector_load %arg9[%swap3A_55, %swap3A_56, %swap3A_57] {strides = array<i32>} : memref<2x128x128xf32, #tpu.memory_space<vmem>>, vector<16xf32>,
      tpu.vector_store %arg9[%swap3A_55, %swap3A_56, %swap3A_57], %broadcast_in_dim3A_1 {strides = array<i32>} : memref<2x128x128xf32, #tpu.memory_space<vmem>>, vector<16xf32>,
      %swap3A_59 = arith.constant 0 : i32
      %swap3A_60 = arith.index_cast %swap3A_59 : i32 to index
      %swap3A_61 = arith.index_cast %scan3A_43 : i32 to index
      %swap3A_62 = arith.constant 48 : index
      %swap3A_63 = tpu.vector_load %arg9[%swap3A_60, %swap3A_61, %swap3A_62] {strides = array<i32>} : memref<2x128x128xf32, #tpu.memory_space<vmem>>, vector<16xf32>,
      tpu.vector_store %arg9[%swap3A_60, %swap3A_61, %swap3A_62], %broadcast_in_dim3A_1 {strides = array<i32>} : memref<2x128x128xf32, #tpu.memory_space<vmem>>, vector<16xf32>,
      %swap3A_64 = arith.constant 0 : i32
      %swap3A_65 = arith.index_cast %swap3A_64 : i32 to index
      %swap3A_66 = arith.index_cast %scan3A_43 : i32 to index
      %swap3A_67 = arith.constant 64 : index
      %swap3A_68 = tpu.vector_load %arg9[%swap3A_65, %swap3A_66, %swap3A_67] {strides = array<i32>} : memref<2x128x128xf32, #tpu.memory_space<vmem>>, vector<16xf32>,
      tpu.vector_store %arg9[%swap3A_65, %swap3A_66, %swap3A_67], %broadcast_in_dim3A_1 {strides = array<i32>} : memref<2x128x128xf32, #tpu.memory_space<vmem>>, vector<16xf32>,
      %swap3A_69 = arith.constant 0 : i32
      %swap3A_70 = arith.index_cast %swap3A_69 : i32 to index
      %swap3A_71 = arith.index_cast %scan3A_43 : i32 to index
      %swap3A_72 = arith.constant 80 : index
      %swap3A_73 = tpu.vector_load %arg9[%swap3A_70, %swap3A_71, %swap3A_72] {strides = array<i32>} : memref<2x128x128xf32, #tpu.memory_space<vmem>>, vector<16xf32>,
      tpu.vector_store %arg9[%swap3A_70, %swap3A_71, %swap3A_72], %broadcast_in_dim3A_1 {strides = array<i32>} : memref<2x128x128xf32, #tpu.memory_space<vmem>>, vector<16xf32>,
      %swap3A_74 = arith.constant 0 : i32
      %swap3A_75 = arith.index_cast %swap3A_74 : i32 to index
      %swap3A_76 = arith.index_cast %scan3A_43 : i32 to index
      %swap3A_77 = arith.constant 96 : index
      %swap3A_78 = tpu.vector_load %arg9[%swap3A_75, %swap3A_76, %swap3A_77] {strides = array<i32>} : memref<2x128x128xf32, #tpu.memory_space<vmem>>, vector<16xf32>,
      tpu.vector_store %arg9[%swap3A_75, %swap3A_76, %swap3A_77], %broadcast_in_dim3A_1 {strides = array<i32>} : memref<2x128x128xf32, #tpu.memory_space<vmem>>, vector<16xf32>,
      %swap3A_79 = arith.constant 0 : i32
      %swap3A_80 = arith.index_cast %swap3A_79 : i32 to index
      %swap3A_81 = arith.index_cast %scan3A_43 : i32 to index
      %swap3A_82 = arith.constant 112 : index
      %swap3A_83 = tpu.vector_load %arg9[%swap3A_80, %swap3A_81, %swap3A_82] {strides = array<i32>} : memref<2x128x128xf32, #tpu.memory_space<vmem>>, vector<16xf32>,
      tpu.vector_store %arg9[%swap3A_80, %swap3A_81, %swap3A_82], %broadcast_in_dim3A_1 {strides = array<i32>} : memref<2x128x128xf32, #tpu.memory_space<vmem>>, vector<16xf32>,
      %scan3A_84 = arith.constant 0 : i32
      scf.yield %scan3A_84 : i32
    }
    %scan3A_7 = arith.constant 16 : i32
    %scan3A_8 = arith.constant 0 : i32
    %scan3A_9 = arith.constant 0 : i32
    %scan3A_10 = arith.constant 40 : i32
    %scan3A_11 = arith.addi %scan3A_9, %scan3A_10 : i32
    %scan3A_12 = arith.constant 1 : i32
    %scan3A_13 = scf.for %scan3A_43 = %scan3A_9 to %scan3A_11 step %scan3A_12 iter_args(%scan3A_44 = %scan3A_8) -> (i32)  : i32 {
      %mul3A_45 = arith.constant 640 : i32
      %mul3A_46 = arith.muli %arg1, %mul3A_45 : i32
      %mul3A_47 = arith.constant 16 : i32
      %mul3A_48 = arith.muli %scan3A_43, %mul3A_47 : i32
      %add3A_49 = arith.addi %mul3A_46, %mul3A_48 : i32
      %run_scoped3A = arith.constant 0 : i32
      "tpu.region"() ({
        %run_scoped3A_51 = tpu.sem_alloc : memref<!tpu.dma_semaphore, #tpu.memory_space<semaphore_mem>>
        %dma_start3A_52 = arith.constant 0 : i32
        %dma_start3A_53 = arith.constant 0 : i32
        %dma_start3A_54 = tpu.memref_slice %arg9[%run_scoped3A, %dma_start3A_52, %dma_start3A_53] : memref<2x128x128xf32, #tpu.memory_space<vmem>> -> memref<1x16x128xf32, #tpu.memory_space<vmem>>
        %dma_start3A_55 = tpu.memref_squeeze %dma_start3A_54 : memref<1x16x128xf32, #tpu.memory_space<vmem>> -> memref<16x128xf32, #tpu.memory_space<vmem>>
        %dma_start3A_56 = arith.constant 0 : i32
        %dma_start3A_57 = tpu.memref_slice %arg10[%add3A_49, %dma_start3A_56] : memref<10240x128xf32, #tpu.memory_space<vmem_shared>> -> memref<16x128xf32, #tpu.memory_space<vmem_shared>>
        %dma_start3A_58 = arith.constant 0 : i32
        %dma_start3A_59 = tpu.memref_slice %arg10[%add3A_49, %dma_start3A_58] : memref<10240x128xf32, #tpu.memory_space<vmem_shared>> -> memref<16x128xf32, #tpu.memory_space<vmem_shared>>
        %dma_start3A_60 = arith.constant 0 : i32
        %dma_start3A_61 = arith.constant 0 : i32
        %dma_start3A_62 = tpu.memref_slice %arg9[%run_scoped3A, %dma_start3A_60, %dma_start3A_61] : memref<2x128x128xf32, #tpu.memory_space<vmem>> -> memref<1x16x128xf32, #tpu.memory_space<vmem>>
        %dma_start3A_63 = tpu.memref_squeeze %dma_start3A_62 : memref<1x16x128xf32, #tpu.memory_space<vmem>> -> memref<16x128xf32, #tpu.memory_space<vmem>>
        tpu.enqueue_dma source(%dma_start3A_63 : memref<16x128xf32, #tpu.memory_space<vmem>>) target(%dma_start3A_59 : memref<16x128xf32, #tpu.memory_space<vmem_shared>>) target_semaphore(%run_scoped3A_51 : memref<!tpu.dma_semaphore, #tpu.memory_space<semaphore_mem>>)
        %dma_wait3A_64 = arith.constant 0 : i32
        %dma_wait3A_65 = arith.constant 0 : i32
        %dma_wait3A_66 = tpu.memref_slice %arg9[%run_scoped3A, %dma_wait3A_64, %dma_wait3A_65] : memref<2x128x128xf32, #tpu.memory_space<vmem>> -> memref<1x16x128xf32, #tpu.memory_space<vmem>>
        %dma_wait3A_67 = tpu.memref_squeeze %dma_wait3A_66 : memref<1x16x128xf32, #tpu.memory_space<vmem>> -> memref<16x128xf32, #tpu.memory_space<vmem>>
        %dma_wait3A_68 = arith.constant 0 : i32
        %dma_wait3A_69 = tpu.memref_slice %arg10[%add3A_49, %dma_wait3A_68] : memref<10240x128xf32, #tpu.memory_space<vmem_shared>> -> memref<16x128xf32, #tpu.memory_space<vmem_shared>>
        %dma_wait3A_70 = arith.constant 0 : i32
        %dma_wait3A_71 = tpu.memref_slice %arg10[%add3A_49, %dma_wait3A_70] : memref<10240x128xf32, #tpu.memory_space<vmem_shared>> -> memref<16x128xf32, #tpu.memory_space<vmem_shared>>
        %dma_wait3A_72 = arith.constant 0 : i32
        %dma_wait3A_73 = arith.constant 0 : i32
        %dma_wait3A_74 = tpu.memref_slice %arg9[%run_scoped3A, %dma_wait3A_72, %dma_wait3A_73] : memref<2x128x128xf32, #tpu.memory_space<vmem>> -> memref<1x16x128xf32, #tpu.memory_space<vmem>>
        %dma_wait3A_75 = tpu.memref_squeeze %dma_wait3A_74 : memref<1x16x128xf32, #tpu.memory_space<vmem>> -> memref<16x128xf32, #tpu.memory_space<vmem>>
        tpu.wait_dma2 semaphore(%run_scoped3A_51 : memref<!tpu.dma_semaphore, #tpu.memory_space<semaphore_mem>>) src(%dma_wait3A_75 : memref<16x128xf32, #tpu.memory_space<vmem>>) dst(%dma_wait3A_71 : memref<16x128xf32, #tpu.memory_space<vmem_shared>>)
        tpu.yield
      }) : () -> ()
      %scan3A_50 = arith.constant 0 : i32
      scf.yield %scan3A_50 : i32
    }
    %scan3A_14 = arith.constant 40 : i32
    %barrier3A = arith.constant 0 : index
    tpu.barrier barrier_id(%barrier3A)
    %dma_start3A = arith.constant 0 : i32
    %dma_start3A_15 = arith.constant 0 : i32
    %dma_start3A_16 = arith.constant 0 : i32
    %dma_start3A_17 = tpu.memref_slice %arg9[%dma_start3A, %dma_start3A_15, %dma_start3A_16] : memref<2x128x128xf32, #tpu.memory_space<vmem>> -> memref<1x128x128xf32, #tpu.memory_space<vmem>>
    %dma_start3A_18 = tpu.memref_squeeze %dma_start3A_17 : memref<1x128x128xf32, #tpu.memory_space<vmem>> -> memref<128x128xf32, #tpu.memory_space<vmem>>
    %dma_start3A_19 = arith.constant 0 : i32
    %dma_start3A_20 = tpu.memref_slice %arg6[%dma_start3A_19] : memref<10240xi32, #tpu.memory_space<vmem>> -> memref<128xi32, #tpu.memory_space<vmem>>
    %dma_start3A_21 = arith.constant 0 : i32
    %dma_start3A_22 = arith.constant 0 : i32
    %dma_start3A_23 = tpu.memref_slice %arg2[%dma_start3A_21, %dma_start3A_22] : memref<10240x128xf32, #tpu.memory_space<hbm>> -> memref<10240x128xf32, #tpu.memory_space<hbm>>
    tpu.enqueue_indirect_dma source(%dma_start3A_23 : memref<10240x128xf32, #tpu.memory_space<hbm>>) target(%dma_start3A_18 : memref<128x128xf32, #tpu.memory_space<vmem>>) offsets(%dma_start3A_20 : memref<128xi32, #tpu.memory_space<vmem>>) semaphore(%arg11 : memref<!tpu.dma_semaphore, #tpu.memory_space<semaphore_mem>>)
    %scan3A_24 = arith.constant 0 : i32
    %scan3A_25 = arith.constant 0 : i32
    %scan3A_26 = arith.constant 80 : i32
    %scan3A_27 = arith.addi %scan3A_25, %scan3A_26 : i32
    %scan3A_28 = arith.constant 1 : i32
    %scan3A_29 = scf.for %scan3A_43 = %scan3A_25 to %scan3A_27 step %scan3A_28 iter_args(%scan3A_44 = %scan3A_24) -> (i32)  : i32 {
      %rem3A = arith.constant 2 : i32
      %rem3A_45 = arith.remsi %scan3A_43, %rem3A : i32
      %mul3A_46 = arith.constant 128 : i32
      %mul3A_47 = arith.muli %scan3A_43, %mul3A_46 : i32
      %dma_wait3A_48 = arith.constant 0 : i32
      %dma_wait3A_49 = arith.constant 0 : i32
      %dma_wait3A_50 = tpu.memref_slice %arg9[%rem3A_45, %dma_wait3A_48, %dma_wait3A_49] : memref<2x128x128xf32, #tpu.memory_space<vmem>> -> memref<1x128x128xf32, #tpu.memory_space<vmem>>
      %dma_wait3A_51 = tpu.memref_squeeze %dma_wait3A_50 : memref<1x128x128xf32, #tpu.memory_space<vmem>> -> memref<128x128xf32, #tpu.memory_space<vmem>>
      %dma_wait3A_52 = tpu.memref_slice %arg6[%mul3A_47] : memref<10240xi32, #tpu.memory_space<vmem>> -> memref<128xi32, #tpu.memory_space<vmem>>
      %dma_wait3A_53 = arith.constant 0 : i32
      %dma_wait3A_54 = arith.constant 0 : i32
      %dma_wait3A_55 = tpu.memref_slice %arg2[%dma_wait3A_53, %dma_wait3A_54] : memref<10240x128xf32, #tpu.memory_space<hbm>> -> memref<10240x128xf32, #tpu.memory_space<hbm>>
      tpu.wait_indirect_dma semaphore(%arg11 : memref<!tpu.dma_semaphore, #tpu.memory_space<semaphore_mem>>) src(%dma_wait3A_55 : memref<10240x128xf32, #tpu.memory_space<hbm>>) dst(%dma_wait3A_51 : memref<128x128xf32, #tpu.memory_space<vmem>>)
      %gt3A = arith.constant 0 : i32
      %gt3A_56 = arith.cmpi sgt, %scan3A_43, %gt3A : i32
      %convert_element_type3A = arith.extui %gt3A_56 : i1 to i32
      %cond3A = arith.constant 0 : i32
      %cond3A_57 = arith.cmpi ne, %convert_element_type3A, %cond3A : i32
      scf.if %cond3A_57 {
        %sub3A = arith.constant 1 : i32
        %sub3A_76 = arith.subi %sub3A, %rem3A_45 : i32
        %rem3A_77 = arith.constant 2 : i32
        %rem3A_78 = arith.remsi %scan3A_43, %rem3A_77 : i32
        %eq3A_79 = arith.constant 0 : i32
        %eq3A_80 = arith.cmpi eq, %rem3A_78, %eq3A_79 : i32
        %convert_element_type3A_81 = arith.extui %eq3A_80 : i1 to i32
        %cond3A_82 = arith.constant 0 : i32
        %cond3A_83 = arith.cmpi ne, %convert_element_type3A_81, %cond3A_82 : i32
        scf.if %cond3A_83 {
          %dma_wait3A_91 = arith.constant 0 : i32
          %dma_wait3A_92 = arith.constant 0 : i32
          %dma_wait3A_93 = tpu.memref_slice %arg9[%sub3A_76, %dma_wait3A_91, %dma_wait3A_92] : memref<2x128x128xf32, #tpu.memory_space<vmem>> -> memref<1x128x128xf32, #tpu.memory_space<vmem>>
          %dma_wait3A_94 = tpu.memref_squeeze %dma_wait3A_93 : memref<1x128x128xf32, #tpu.memory_space<vmem>> -> memref<128x128xf32, #tpu.memory_space<vmem>>
          %dma_wait3A_95 = arith.constant 0 : i32
          %dma_wait3A_96 = arith.constant 0 : i32
          %dma_wait3A_97 = tpu.memref_slice %arg10[%dma_wait3A_95, %dma_wait3A_96] : memref<10240x128xf32, #tpu.memory_space<vmem_shared>> -> memref<10240x128xf32, #tpu.memory_space<vmem_shared>>
          tpu.wait_indirect_dma semaphore(%arg12 : memref<!tpu.dma_semaphore, #tpu.memory_space<semaphore_mem>>) src(%dma_wait3A_94 : memref<128x128xf32, #tpu.memory_space<vmem>>) dst(%dma_wait3A_97 : memref<10240x128xf32, #tpu.memory_space<vmem_shared>>)
        } else {
        }
        %rem3A_84 = arith.constant 2 : i32
        %rem3A_85 = arith.remsi %scan3A_43, %rem3A_84 : i32
        %eq3A_86 = arith.constant 1 : i32
        %eq3A_87 = arith.cmpi eq, %rem3A_85, %eq3A_86 : i32
        %convert_element_type3A_88 = arith.extui %eq3A_87 : i1 to i32
        %cond3A_89 = arith.constant 0 : i32
        %cond3A_90 = arith.cmpi ne, %convert_element_type3A_88, %cond3A_89 : i32
        scf.if %cond3A_90 {
          %dma_wait3A_91 = arith.constant 0 : i32
          %dma_wait3A_92 = arith.constant 0 : i32
          %dma_wait3A_93 = tpu.memref_slice %arg9[%sub3A_76, %dma_wait3A_91, %dma_wait3A_92] : memref<2x128x128xf32, #tpu.memory_space<vmem>> -> memref<1x128x128xf32, #tpu.memory_space<vmem>>
          %dma_wait3A_94 = tpu.memref_squeeze %dma_wait3A_93 : memref<1x128x128xf32, #tpu.memory_space<vmem>> -> memref<128x128xf32, #tpu.memory_space<vmem>>
          %dma_wait3A_95 = arith.constant 0 : i32
          %dma_wait3A_96 = arith.constant 0 : i32
          %dma_wait3A_97 = tpu.memref_slice %arg10[%dma_wait3A_95, %dma_wait3A_96] : memref<10240x128xf32, #tpu.memory_space<vmem_shared>> -> memref<10240x128xf32, #tpu.memory_space<vmem_shared>>
          tpu.wait_indirect_dma semaphore(%arg12 : memref<!tpu.dma_semaphore, #tpu.memory_space<semaphore_mem>>) src(%dma_wait3A_94 : memref<128x128xf32, #tpu.memory_space<vmem>>) dst(%dma_wait3A_97 : memref<10240x128xf32, #tpu.memory_space<vmem_shared>>)
        } else {
        }
      } else {
      }
      %lt3A = arith.constant 79 : i32
      %lt3A_58 = arith.cmpi slt, %scan3A_43, %lt3A : i32
      %convert_element_type3A_59 = arith.extui %lt3A_58 : i1 to i32
      %cond3A_60 = arith.constant 0 : i32
      %cond3A_61 = arith.cmpi ne, %convert_element_type3A_59, %cond3A_60 : i32
      scf.if %cond3A_61 {
        %add3A_76 = arith.constant 1 : i32
        %add3A_77 = arith.addi %scan3A_43, %add3A_76 : i32
        %mul3A_78 = arith.constant 128 : i32
        %mul3A_79 = arith.muli %add3A_77, %mul3A_78 : i32
        %sub3A = arith.constant 1 : i32
        %sub3A_80 = arith.subi %sub3A, %rem3A_45 : i32
        %dma_start3A_81 = arith.constant 0 : i32
        %dma_start3A_82 = arith.constant 0 : i32
        %dma_start3A_83 = tpu.memref_slice %arg9[%sub3A_80, %dma_start3A_81, %dma_start3A_82] : memref<2x128x128xf32, #tpu.memory_space<vmem>> -> memref<1x128x128xf32, #tpu.memory_space<vmem>>
        %dma_start3A_84 = tpu.memref_squeeze %dma_start3A_83 : memref<1x128x128xf32, #tpu.memory_space<vmem>> -> memref<128x128xf32, #tpu.memory_space<vmem>>
        %dma_start3A_85 = tpu.memref_slice %arg6[%mul3A_79] : memref<10240xi32, #tpu.memory_space<vmem>> -> memref<128xi32, #tpu.memory_space<vmem>>
        %dma_start3A_86 = arith.constant 0 : i32
        %dma_start3A_87 = arith.constant 0 : i32
        %dma_start3A_88 = tpu.memref_slice %arg2[%dma_start3A_86, %dma_start3A_87] : memref<10240x128xf32, #tpu.memory_space<hbm>> -> memref<10240x128xf32, #tpu.memory_space<hbm>>
        tpu.enqueue_indirect_dma source(%dma_start3A_88 : memref<10240x128xf32, #tpu.memory_space<hbm>>) target(%dma_start3A_84 : memref<128x128xf32, #tpu.memory_space<vmem>>) offsets(%dma_start3A_85 : memref<128xi32, #tpu.memory_space<vmem>>) semaphore(%arg11 : memref<!tpu.dma_semaphore, #tpu.memory_space<semaphore_mem>>)
      } else {
      }
      %rem3A_62 = arith.constant 2 : i32
      %rem3A_63 = arith.remsi %scan3A_43, %rem3A_62 : i32
      %eq3A = arith.constant 0 : i32
      %eq3A_64 = arith.cmpi eq, %rem3A_63, %eq3A : i32
      %convert_element_type3A_65 = arith.extui %eq3A_64 : i1 to i32
      %cond3A_66 = arith.constant 0 : i32
      %cond3A_67 = arith.cmpi ne, %convert_element_type3A_65, %cond3A_66 : i32
      scf.if %cond3A_67 {
        "tpu.region"() ({
          %run_scoped3A = tpu.sem_alloc : memref<!tpu.dma_semaphore, #tpu.memory_space<semaphore_mem>>
          %dma_start3A_83 = arith.constant 0 : i32
          %dma_start3A_84 = tpu.memref_slice %arg4[%add3A, %scan3A_43, %dma_start3A_83] : memref<32x80x128xi32, #tpu.memory_space<hbm>> -> memref<1x1x128xi32, #tpu.memory_space<hbm>>
          %dma_start3A_85 = tpu.memref_squeeze %dma_start3A_84 : memref<1x1x128xi32, #tpu.memory_space<hbm>> -> memref<128xi32, #tpu.memory_space<hbm>>
          %dma_start3A_86 = arith.constant 0 : i32
          %dma_start3A_87 = tpu.memref_slice %arg4[%add3A, %scan3A_43, %dma_start3A_86] : memref<32x80x128xi32, #tpu.memory_space<hbm>> -> memref<1x1x128xi32, #tpu.memory_space<hbm>>
          %dma_start3A_88 = tpu.memref_squeeze %dma_start3A_87 : memref<1x1x128xi32, #tpu.memory_space<hbm>> -> memref<128xi32, #tpu.memory_space<hbm>>
          tpu.enqueue_dma source(%dma_start3A_88 : memref<128xi32, #tpu.memory_space<hbm>>) target(%arg7 : memref<128xi32, #tpu.memory_space<vmem>>) target_semaphore(%run_scoped3A : memref<!tpu.dma_semaphore, #tpu.memory_space<semaphore_mem>>)
          %dma_wait3A_89 = arith.constant 0 : i32
          %dma_wait3A_90 = tpu.memref_slice %arg4[%add3A, %scan3A_43, %dma_wait3A_89] : memref<32x80x128xi32, #tpu.memory_space<hbm>> -> memref<1x1x128xi32, #tpu.memory_space<hbm>>
          %dma_wait3A_91 = tpu.memref_squeeze %dma_wait3A_90 : memref<1x1x128xi32, #tpu.memory_space<hbm>> -> memref<128xi32, #tpu.memory_space<hbm>>
          %dma_wait3A_92 = arith.constant 0 : i32
          %dma_wait3A_93 = tpu.memref_slice %arg4[%add3A, %scan3A_43, %dma_wait3A_92] : memref<32x80x128xi32, #tpu.memory_space<hbm>> -> memref<1x1x128xi32, #tpu.memory_space<hbm>>
          %dma_wait3A_94 = tpu.memref_squeeze %dma_wait3A_93 : memref<1x1x128xi32, #tpu.memory_space<hbm>> -> memref<128xi32, #tpu.memory_space<hbm>>
          tpu.wait_dma2 semaphore(%run_scoped3A : memref<!tpu.dma_semaphore, #tpu.memory_space<semaphore_mem>>) src(%dma_wait3A_94 : memref<128xi32, #tpu.memory_space<hbm>>) dst(%arg7 : memref<128xi32, #tpu.memory_space<vmem>>)
          tpu.yield
        }) : () -> ()
        %dma_start3A_76 = arith.constant 0 : i32
        %dma_start3A_77 = arith.constant 0 : i32
        %dma_start3A_78 = tpu.memref_slice %arg9[%rem3A_45, %dma_start3A_76, %dma_start3A_77] : memref<2x128x128xf32, #tpu.memory_space<vmem>> -> memref<1x128x128xf32, #tpu.memory_space<vmem>>
        %dma_start3A_79 = tpu.memref_squeeze %dma_start3A_78 : memref<1x128x128xf32, #tpu.memory_space<vmem>> -> memref<128x128xf32, #tpu.memory_space<vmem>>
        %dma_start3A_80 = arith.constant 0 : i32
        %dma_start3A_81 = arith.constant 0 : i32
        %dma_start3A_82 = tpu.memref_slice %arg10[%dma_start3A_80, %dma_start3A_81] : memref<10240x128xf32, #tpu.memory_space<vmem_shared>> -> memref<10240x128xf32, #tpu.memory_space<vmem_shared>>
        tpu.enqueue_indirect_dma source(%dma_start3A_79 : memref<128x128xf32, #tpu.memory_space<vmem>>) target(%dma_start3A_82 : memref<10240x128xf32, #tpu.memory_space<vmem_shared>>) offsets(%arg7 : memref<128xi32, #tpu.memory_space<vmem>>) semaphore(%arg12 : memref<!tpu.dma_semaphore, #tpu.memory_space<semaphore_mem>>) {add = true}
      } else {
      }
      %rem3A_68 = arith.constant 2 : i32
      %rem3A_69 = arith.remsi %scan3A_43, %rem3A_68 : i32
      %eq3A_70 = arith.constant 1 : i32
      %eq3A_71 = arith.cmpi eq, %rem3A_69, %eq3A_70 : i32
      %convert_element_type3A_72 = arith.extui %eq3A_71 : i1 to i32
      %cond3A_73 = arith.constant 0 : i32
      %cond3A_74 = arith.cmpi ne, %convert_element_type3A_72, %cond3A_73 : i32
      scf.if %cond3A_74 {
        "tpu.region"() ({
          %run_scoped3A = tpu.sem_alloc : memref<!tpu.dma_semaphore, #tpu.memory_space<semaphore_mem>>
          %dma_start3A_83 = arith.constant 0 : i32
          %dma_start3A_84 = tpu.memref_slice %arg4[%add3A, %scan3A_43, %dma_start3A_83] : memref<32x80x128xi32, #tpu.memory_space<hbm>> -> memref<1x1x128xi32, #tpu.memory_space<hbm>>
          %dma_start3A_85 = tpu.memref_squeeze %dma_start3A_84 : memref<1x1x128xi32, #tpu.memory_space<hbm>> -> memref<128xi32, #tpu.memory_space<hbm>>
          %dma_start3A_86 = arith.constant 0 : i32
          %dma_start3A_87 = tpu.memref_slice %arg4[%add3A, %scan3A_43, %dma_start3A_86] : memref<32x80x128xi32, #tpu.memory_space<hbm>> -> memref<1x1x128xi32, #tpu.memory_space<hbm>>
          %dma_start3A_88 = tpu.memref_squeeze %dma_start3A_87 : memref<1x1x128xi32, #tpu.memory_space<hbm>> -> memref<128xi32, #tpu.memory_space<hbm>>
          tpu.enqueue_dma source(%dma_start3A_88 : memref<128xi32, #tpu.memory_space<hbm>>) target(%arg8 : memref<128xi32, #tpu.memory_space<vmem>>) target_semaphore(%run_scoped3A : memref<!tpu.dma_semaphore, #tpu.memory_space<semaphore_mem>>)
          %dma_wait3A_89 = arith.constant 0 : i32
          %dma_wait3A_90 = tpu.memref_slice %arg4[%add3A, %scan3A_43, %dma_wait3A_89] : memref<32x80x128xi32, #tpu.memory_space<hbm>> -> memref<1x1x128xi32, #tpu.memory_space<hbm>>
          %dma_wait3A_91 = tpu.memref_squeeze %dma_wait3A_90 : memref<1x1x128xi32, #tpu.memory_space<hbm>> -> memref<128xi32, #tpu.memory_space<hbm>>
          %dma_wait3A_92 = arith.constant 0 : i32
          %dma_wait3A_93 = tpu.memref_slice %arg4[%add3A, %scan3A_43, %dma_wait3A_92] : memref<32x80x128xi32, #tpu.memory_space<hbm>> -> memref<1x1x128xi32, #tpu.memory_space<hbm>>
          %dma_wait3A_94 = tpu.memref_squeeze %dma_wait3A_93 : memref<1x1x128xi32, #tpu.memory_space<hbm>> -> memref<128xi32, #tpu.memory_space<hbm>>
          tpu.wait_dma2 semaphore(%run_scoped3A : memref<!tpu.dma_semaphore, #tpu.memory_space<semaphore_mem>>) src(%dma_wait3A_94 : memref<128xi32, #tpu.memory_space<hbm>>) dst(%arg8 : memref<128xi32, #tpu.memory_space<vmem>>)
          tpu.yield
        }) : () -> ()
        %dma_start3A_76 = arith.constant 0 : i32
        %dma_start3A_77 = arith.constant 0 : i32
        %dma_start3A_78 = tpu.memref_slice %arg9[%rem3A_45, %dma_start3A_76, %dma_start3A_77] : memref<2x128x128xf32, #tpu.memory_space<vmem>> -> memref<1x128x128xf32, #tpu.memory_space<vmem>>
        %dma_start3A_79 = tpu.memref_squeeze %dma_start3A_78 : memref<1x128x128xf32, #tpu.memory_space<vmem>> -> memref<128x128xf32, #tpu.memory_space<vmem>>
        %dma_start3A_80 = arith.constant 0 : i32
        %dma_start3A_81 = arith.constant 0 : i32
        %dma_start3A_82 = tpu.memref_slice %arg10[%dma_start3A_80, %dma_start3A_81] : memref<10240x128xf32, #tpu.memory_space<vmem_shared>> -> memref<10240x128xf32, #tpu.memory_space<vmem_shared>>
        tpu.enqueue_indirect_dma source(%dma_start3A_79 : memref<128x128xf32, #tpu.memory_space<vmem>>) target(%dma_start3A_82 : memref<10240x128xf32, #tpu.memory_space<vmem_shared>>) offsets(%arg8 : memref<128xi32, #tpu.memory_space<vmem>>) semaphore(%arg12 : memref<!tpu.dma_semaphore, #tpu.memory_space<semaphore_mem>>) {add = true}
      } else {
      }
      %scan3A_75 = arith.constant 0 : i32
      scf.yield %scan3A_75 : i32
    }
    %scan3A_30 = arith.constant 80 : i32
    %dma_wait3A = arith.constant 1 : i32
    %dma_wait3A_31 = arith.constant 0 : i32
    %dma_wait3A_32 = arith.constant 0 : i32
    %dma_wait3A_33 = tpu.memref_slice %arg9[%dma_wait3A, %dma_wait3A_31, %dma_wait3A_32] : memref<2x128x128xf32, #tpu.memory_space<vmem>> -> memref<1x128x128xf32, #tpu.memory_space<vmem>>
    %dma_wait3A_34 = tpu.memref_squeeze %dma_wait3A_33 : memref<1x128x128xf32, #tpu.memory_space<vmem>> -> memref<128x128xf32, #tpu.memory_space<vmem>>
    %dma_wait3A_35 = arith.constant 0 : i32
    %dma_wait3A_36 = arith.constant 0 : i32
    %dma_wait3A_37 = tpu.memref_slice %arg10[%dma_wait3A_35, %dma_wait3A_36] : memref<10240x128xf32, #tpu.memory_space<vmem_shared>> -> memref<10240x128xf32, #tpu.memory_space<vmem_shared>>
    tpu.wait_indirect_dma semaphore(%arg12 : memref<!tpu.dma_semaphore, #tpu.memory_space<semaphore_mem>>) src(%dma_wait3A_34 : memref<128x128xf32, #tpu.memory_space<vmem>>) dst(%dma_wait3A_37 : memref<10240x128xf32, #tpu.memory_space<vmem_shared>>)
    %barrier3A_38 = arith.constant 0 : index
    tpu.barrier barrier_id(%barrier3A_38)
    %mul3A_39 = arith.constant 640 : i32
    %mul3A_40 = arith.muli %arg1, %mul3A_39 : i32
    %mul3A_41 = arith.constant 640 : i32
    %mul3A_42 = arith.muli %arg1, %mul3A_41 : i32
    "tpu.region"() ({
      %run_scoped3A = tpu.sem_alloc : memref<!tpu.dma_semaphore, #tpu.memory_space<semaphore_mem>>
      %dma_start3A_43 = arith.constant 0 : i32
      %dma_start3A_44 = tpu.memref_slice %arg5[%arg0, %mul3A_42, %dma_start3A_43] : memref<2x10240x128xf32, #tpu.memory_space<hbm>> -> memref<1x640x128xf32, #tpu.memory_space<hbm>>
      %dma_start3A_45 = tpu.memref_squeeze %dma_start3A_44 : memref<1x640x128xf32, #tpu.memory_space<hbm>> -> memref<640x128xf32, #tpu.memory_space<hbm>>
      %dma_start3A_46 = arith.constant 0 : i32
      %dma_start3A_47 = tpu.memref_slice %arg10[%mul3A_40, %dma_start3A_46] : memref<10240x128xf32, #tpu.memory_space<vmem_shared>> -> memref<640x128xf32, #tpu.memory_space<vmem_shared>>
      tpu.enqueue_dma source(%dma_start3A_47 : memref<640x128xf32, #tpu.memory_space<vmem_shared>>) target(%dma_start3A_45 : memref<640x128xf32, #tpu.memory_space<hbm>>) target_semaphore(%run_scoped3A : memref<!tpu.dma_semaphore, #tpu.memory_space<semaphore_mem>>)
      %dma_wait3A_48 = arith.constant 0 : i32
      %dma_wait3A_49 = tpu.memref_slice %arg5[%arg0, %mul3A_42, %dma_wait3A_48] : memref<2x10240x128xf32, #tpu.memory_space<hbm>> -> memref<1x640x128xf32, #tpu.memory_space<hbm>>
      %dma_wait3A_50 = tpu.memref_squeeze %dma_wait3A_49 : memref<1x640x128xf32, #tpu.memory_space<hbm>> -> memref<640x128xf32, #tpu.memory_space<hbm>>
      %dma_wait3A_51 = arith.constant 0 : i32
      %dma_wait3A_52 = tpu.memref_slice %arg10[%mul3A_40, %dma_wait3A_51] : memref<10240x128xf32, #tpu.memory_space<vmem_shared>> -> memref<640x128xf32, #tpu.memory_space<vmem_shared>>
      tpu.wait_dma2 semaphore(%run_scoped3A : memref<!tpu.dma_semaphore, #tpu.memory_space<semaphore_mem>>) src(%dma_wait3A_52 : memref<640x128xf32, #tpu.memory_space<vmem_shared>>) dst(%dma_wait3A_50 : memref<640x128xf32, #tpu.memory_space<hbm>>)
      tpu.yield
    }) : () -> ()
    return
  }
}

module attributes {stable_mosaic.version = 14 : i64} {
  func.func @_tc_norm_mm_body(%arg0: i32, %arg1: memref<400x1xf32, #tpu.memory_space<vmem>>, %arg2: memref<400x1xf32, #tpu.memory_space<vmem>>, %arg3: memref<400x1xf32, #tpu.memory_space<vmem>>, %arg4: memref<400x1xf32, #tpu.memory_space<vmem>>, %arg5: memref<400x128xf32, #tpu.memory_space<vmem>>, %arg6: memref<128x128xf32, #tpu.memory_space<vmem>>, %arg7: memref<400x128xf32, #tpu.memory_space<vmem>>, %arg8: memref<400x1xf32, #tpu.memory_space<vmem>>, %arg9: memref<400x1xf32, #tpu.memory_space<vmem>>) attributes {dimension_semantics = [#tpu.dimension_semantics<arbitrary>], iteration_bounds = array<i64: 25>, scalar_prefetch = 0 : i64, scratch_operands = 0 : i64, tpu.core_type = #tpu.core_type<tc>, window_params = [{transform_indices = @transform_0, window_bounds = array<i64: 400, 1>}, {transform_indices = @transform_1, window_bounds = array<i64: 400, 1>}, {transform_indices = @transform_2, window_bounds = array<i64: 400, 1>}, {transform_indices = @transform_3, window_bounds = array<i64: 400, 1>}, {transform_indices = @transform_4, window_bounds = array<i64: 400, 128>}, {pipeline_mode = #tpu.pipeline_mode<synchronous>, transform_indices = @transform_5, window_bounds = array<i64: 128, 128>}, {transform_indices = @transform_6, window_bounds = array<i64: 400, 128>}, {transform_indices = @transform_7, window_bounds = array<i64: 400, 1>}, {transform_indices = @transform_8, window_bounds = array<i64: 400, 1>}]} {
    %get3A = arith.constant 0 : index
    %get3A_0 = arith.constant 0 : index
    %get3A_1 = vector.load %arg1[%get3A, %get3A_0] : memref<400x1xf32, #tpu.memory_space<vmem>>, vector<400x1xf32>
    %get3A_2 = arith.constant 0 : index
    %get3A_3 = arith.constant 0 : index
    %get3A_4 = vector.load %arg2[%get3A_2, %get3A_3] : memref<400x1xf32, #tpu.memory_space<vmem>>, vector<400x1xf32>
    %add3A = arith.addf %get3A_1, %get3A_4 : vector<400x1xf32>
    %max3A = arith.constant 1.000000e+00 : f32
    %max3A_5 = vector.broadcast %max3A : f32 to vector<400x1xf32>
    %max3A_6 = arith.maximumf %add3A, %max3A_5 : vector<400x1xf32>
    %rsqrt3A = math.rsqrt %max3A_6 : vector<400x1xf32>
    %get3A_7 = arith.constant 0 : index
    %get3A_8 = arith.constant 0 : index
    %get3A_9 = vector.load %arg3[%get3A_7, %get3A_8] : memref<400x1xf32, #tpu.memory_space<vmem>>, vector<400x1xf32>
    %get3A_10 = arith.constant 0 : index
    %get3A_11 = arith.constant 0 : index
    %get3A_12 = vector.load %arg4[%get3A_10, %get3A_11] : memref<400x1xf32, #tpu.memory_space<vmem>>, vector<400x1xf32>
    %add3A_13 = arith.addf %get3A_9, %get3A_12 : vector<400x1xf32>
    %max3A_14 = arith.constant 1.000000e+00 : f32
    %max3A_15 = vector.broadcast %max3A_14 : f32 to vector<400x1xf32>
    %max3A_16 = arith.maximumf %add3A_13, %max3A_15 : vector<400x1xf32>
    %rsqrt3A_17 = math.rsqrt %max3A_16 : vector<400x1xf32>
    %get3A_18 = arith.constant 0 : index
    %get3A_19 = arith.constant 0 : index
    %get3A_20 = vector.load %arg5[%get3A_18, %get3A_19] : memref<400x128xf32, #tpu.memory_space<vmem>>, vector<400x128xf32>
    %mul3A = vector.broadcast %rsqrt3A : vector<400x1xf32> to vector<400x128xf32>
    %mul3A_21 = arith.mulf %get3A_20, %mul3A : vector<400x128xf32>
    %get3A_22 = arith.constant 0 : index
    %get3A_23 = arith.constant 0 : index
    %get3A_24 = vector.load %arg6[%get3A_22, %get3A_23] : memref<128x128xf32, #tpu.memory_space<vmem>>, vector<128x128xf32>
    %dot_general3A = arith.constant dense<0.000000e+00> : vector<400x128xf32>
    %dot_general3A_25 = tpu.matmul %mul3A_21, %get3A_24, %dot_general3A {dimension_numbers = #tpu.dot_dimension_numbers<[1], [0], [0], [1], [0, 0, 1, 1], [], []>, precision = #tpu.contract_precision<fp32>, transpose_lhs_hint = false} : vector<400x128xf32>, vector<128x128xf32>, vector<400x128xf32> -> vector<400x128xf32>
    %swap3A = arith.constant 0 : index
    %swap3A_26 = arith.constant 0 : index
    %swap3A_27 = vector.load %arg7[%swap3A, %swap3A_26] : memref<400x128xf32, #tpu.memory_space<vmem>>, vector<400x128xf32>
    tpu.vector_store %arg7[%swap3A, %swap3A_26], %dot_general3A_25 {strides = array<i32>} : memref<400x128xf32, #tpu.memory_space<vmem>>, vector<400x128xf32>,
    %swap3A_28 = arith.constant 0 : index
    %swap3A_29 = arith.constant 0 : index
    %swap3A_30 = vector.load %arg8[%swap3A_28, %swap3A_29] : memref<400x1xf32, #tpu.memory_space<vmem>>, vector<400x1xf32>
    tpu.vector_store %arg8[%swap3A_28, %swap3A_29], %rsqrt3A {strides = array<i32>} : memref<400x1xf32, #tpu.memory_space<vmem>>, vector<400x1xf32>,
    %swap3A_31 = arith.constant 0 : index
    %swap3A_32 = arith.constant 0 : index
    %swap3A_33 = vector.load %arg9[%swap3A_31, %swap3A_32] : memref<400x1xf32, #tpu.memory_space<vmem>>, vector<400x1xf32>
    tpu.vector_store %arg9[%swap3A_31, %swap3A_32], %rsqrt3A_17 {strides = array<i32>} : memref<400x1xf32, #tpu.memory_space<vmem>>, vector<400x1xf32>,
    return
  }
  func.func @transform_0(%arg0: i32) -> (i32, i32) {
    %c0_i32 = arith.constant 0 : i32
    %c0_i32_0 = arith.constant 0 : i32
    return %arg0, %c0_i32 : i32, i32
  }
  func.func @transform_1(%arg0: i32) -> (i32, i32) {
    %c0_i32 = arith.constant 0 : i32
    %c0_i32_0 = arith.constant 0 : i32
    return %arg0, %c0_i32 : i32, i32
  }
  func.func @transform_2(%arg0: i32) -> (i32, i32) {
    %c0_i32 = arith.constant 0 : i32
    %c0_i32_0 = arith.constant 0 : i32
    return %arg0, %c0_i32 : i32, i32
  }
  func.func @transform_3(%arg0: i32) -> (i32, i32) {
    %c0_i32 = arith.constant 0 : i32
    %c0_i32_0 = arith.constant 0 : i32
    return %arg0, %c0_i32 : i32, i32
  }
  func.func @transform_4(%arg0: i32) -> (i32, i32) {
    %c0_i32 = arith.constant 0 : i32
    %c0_i32_0 = arith.constant 0 : i32
    return %arg0, %c0_i32 : i32, i32
  }
  func.func @transform_5(%arg0: i32) -> (i32, i32) {
    %c0_i32 = arith.constant 0 : i32
    %c0_i32_0 = arith.constant 0 : i32
    %c0_i32_1 = arith.constant 0 : i32
    return %c0_i32, %c0_i32_0 : i32, i32
  }
  func.func @transform_6(%arg0: i32) -> (i32, i32) {
    %c0_i32 = arith.constant 0 : i32
    %c0_i32_0 = arith.constant 0 : i32
    return %arg0, %c0_i32 : i32, i32
  }
  func.func @transform_7(%arg0: i32) -> (i32, i32) {
    %c0_i32 = arith.constant 0 : i32
    %c0_i32_0 = arith.constant 0 : i32
    return %arg0, %c0_i32 : i32, i32
  }
  func.func @transform_8(%arg0: i32) -> (i32, i32) {
    %c0_i32 = arith.constant 0 : i32
    %c0_i32_0 = arith.constant 0 : i32
    return %arg0, %c0_i32 : i32, i32
  }
}

module attributes {stable_mosaic.version = 14 : i64} {
  func.func @_tc_mid_body(%arg0: i32, %arg1: memref<400x128xf32, #tpu.memory_space<vmem>>, %arg2: memref<400x128xf32, #tpu.memory_space<vmem>>, %arg3: memref<400x1xf32, #tpu.memory_space<vmem>>, %arg4: memref<400x1xf32, #tpu.memory_space<vmem>>, %arg5: memref<1x128xf32, #tpu.memory_space<vmem>>, %arg6: memref<128x128xf32, #tpu.memory_space<vmem>>, %arg7: memref<32x1280xf32, #tpu.memory_space<vmem>>, %arg8: memref<400x128xf32, #tpu.memory_space<vmem>>, %arg9: memref<1x1280xf32, #tpu.memory_space<vmem>>) attributes {dimension_semantics = [#tpu.dimension_semantics<arbitrary>], iteration_bounds = array<i64: 25>, scalar_prefetch = 0 : i64, scratch_operands = 0 : i64, tpu.core_type = #tpu.core_type<tc>, window_params = [{transform_indices = @transform_0, window_bounds = array<i64: 400, 128>}, {transform_indices = @transform_1, window_bounds = array<i64: 400, 128>}, {transform_indices = @transform_2, window_bounds = array<i64: 400, 1>}, {transform_indices = @transform_3, window_bounds = array<i64: 400, 1>}, {pipeline_mode = #tpu.pipeline_mode<synchronous>, transform_indices = @transform_4, window_bounds = array<i64: 1, 128>}, {pipeline_mode = #tpu.pipeline_mode<synchronous>, transform_indices = @transform_5, window_bounds = array<i64: 128, 128>}, {transform_indices = @transform_6, window_bounds = array<i64: 32, 1280>}, {transform_indices = @transform_7, window_bounds = array<i64: 400, 128>}, {transform_indices = @transform_8, window_bounds = array<i64: 1, 1280>}]} {
    %get3A = arith.constant 0 : index
    %get3A_0 = arith.constant 0 : index
    %get3A_1 = vector.load %arg1[%get3A, %get3A_0] : memref<400x128xf32, #tpu.memory_space<vmem>>, vector<400x128xf32>
    %get3A_2 = arith.constant 0 : index
    %get3A_3 = arith.constant 0 : index
    %get3A_4 = vector.load %arg2[%get3A_2, %get3A_3] : memref<400x128xf32, #tpu.memory_space<vmem>>, vector<400x128xf32>
    %add3A = arith.addf %get3A_1, %get3A_4 : vector<400x128xf32>
    %get3A_5 = arith.constant 0 : index
    %get3A_6 = arith.constant 0 : index
    %get3A_7 = vector.load %arg3[%get3A_5, %get3A_6] : memref<400x1xf32, #tpu.memory_space<vmem>>, vector<400x1xf32>
    %mul3A = vector.broadcast %get3A_7 : vector<400x1xf32> to vector<400x128xf32>
    %mul3A_8 = arith.mulf %add3A, %mul3A : vector<400x128xf32>
    %get3A_9 = arith.constant 0 : index
    %get3A_10 = arith.constant 0 : index
    %get3A_11 = vector.load %arg5[%get3A_9, %get3A_10] : memref<1x128xf32, #tpu.memory_space<vmem>>, vector<1x128xf32>
    %add3A_12 = vector.broadcast %get3A_11 : vector<1x128xf32> to vector<400x128xf32>
    %add3A_13 = arith.addf %mul3A_8, %add3A_12 : vector<400x128xf32>
    %max3A = arith.constant 0.000000e+00 : f32
    %max3A_14 = vector.broadcast %max3A : f32 to vector<400x128xf32>
    %max3A_15 = arith.maximumf %add3A_13, %max3A_14 : vector<400x128xf32>
    %get3A_16 = arith.constant 0 : index
    %get3A_17 = arith.constant 0 : index
    %get3A_18 = vector.load %arg4[%get3A_16, %get3A_17] : memref<400x1xf32, #tpu.memory_space<vmem>>, vector<400x1xf32>
    %mul3A_19 = vector.broadcast %get3A_18 : vector<400x1xf32> to vector<400x128xf32>
    %mul3A_20 = arith.mulf %max3A_15, %mul3A_19 : vector<400x128xf32>
    %get3A_21 = arith.constant 0 : index
    %get3A_22 = arith.constant 0 : index
    %get3A_23 = vector.load %arg6[%get3A_21, %get3A_22] : memref<128x128xf32, #tpu.memory_space<vmem>>, vector<128x128xf32>
    %dot_general3A = arith.constant dense<0.000000e+00> : vector<400x128xf32>
    %dot_general3A_24 = tpu.matmul %mul3A_20, %get3A_23, %dot_general3A {dimension_numbers = #tpu.dot_dimension_numbers<[1], [0], [0], [1], [0, 0, 1, 1], [], []>, precision = #tpu.contract_precision<fp32>, transpose_lhs_hint = false} : vector<400x128xf32>, vector<128x128xf32>, vector<400x128xf32> -> vector<400x128xf32>
    %swap3A = arith.constant 0 : index
    %swap3A_25 = arith.constant 0 : index
    %swap3A_26 = vector.load %arg8[%swap3A, %swap3A_25] : memref<400x128xf32, #tpu.memory_space<vmem>>, vector<400x128xf32>
    tpu.vector_store %arg8[%swap3A, %swap3A_25], %dot_general3A_24 {strides = array<i32>} : memref<400x128xf32, #tpu.memory_space<vmem>>, vector<400x128xf32>,
    %get3A_27 = arith.constant 0 : index
    %get3A_28 = arith.constant 0 : index
    %get3A_29 = vector.load %arg7[%get3A_27, %get3A_28] : memref<32x1280xf32, #tpu.memory_space<vmem>>, vector<32x1280xf32>
    %reduce_sum3A = arith.constant dense<0.000000e+00> : vector<1280xf32>
    %reduce_sum3A_30 = vector.multi_reduction <add>, %get3A_29, %reduce_sum3A [0] : vector<32x1280xf32> to vector<1280xf32>
    %broadcast_in_dim3A = vector.shape_cast %reduce_sum3A_30 : vector<1280xf32> to vector<1x1280xf32>
    %swap3A_31 = arith.constant 0 : index
    %swap3A_32 = arith.constant 0 : index
    %swap3A_33 = vector.load %arg9[%swap3A_31, %swap3A_32] : memref<1x1280xf32, #tpu.memory_space<vmem>>, vector<1x1280xf32>
    tpu.vector_store %arg9[%swap3A_31, %swap3A_32], %broadcast_in_dim3A {strides = array<i32>} : memref<1x1280xf32, #tpu.memory_space<vmem>>, vector<1x1280xf32>,
    return
  }
  func.func @transform_0(%arg0: i32) -> (i32, i32) {
    %c0_i32 = arith.constant 0 : i32
    %c0_i32_0 = arith.constant 0 : i32
    return %arg0, %c0_i32 : i32, i32
  }
  func.func @transform_1(%arg0: i32) -> (i32, i32) {
    %c0_i32 = arith.constant 0 : i32
    %c0_i32_0 = arith.constant 0 : i32
    return %arg0, %c0_i32 : i32, i32
  }
  func.func @transform_2(%arg0: i32) -> (i32, i32) {
    %c0_i32 = arith.constant 0 : i32
    %c0_i32_0 = arith.constant 0 : i32
    return %arg0, %c0_i32 : i32, i32
  }
  func.func @transform_3(%arg0: i32) -> (i32, i32) {
    %c0_i32 = arith.constant 0 : i32
    %c0_i32_0 = arith.constant 0 : i32
    return %arg0, %c0_i32 : i32, i32
  }
  func.func @transform_4(%arg0: i32) -> (i32, i32) {
    %c0_i32 = arith.constant 0 : i32
    %c0_i32_0 = arith.constant 0 : i32
    %c0_i32_1 = arith.constant 0 : i32
    return %c0_i32, %c0_i32_0 : i32, i32
  }
  func.func @transform_5(%arg0: i32) -> (i32, i32) {
    %c0_i32 = arith.constant 0 : i32
    %c0_i32_0 = arith.constant 0 : i32
    %c0_i32_1 = arith.constant 0 : i32
    return %c0_i32, %c0_i32_0 : i32, i32
  }
  func.func @transform_6(%arg0: i32) -> (i32, i32) {
    %jit3A = arith.constant 8 : i32
    %eq3A = arith.constant 0 : i32
    %eq3A_0 = arith.cmpi eq, %jit3A, %eq3A : i32
    %jit3A_1 = arith.constant 1 : i32
    %select_n3A = arith.select %eq3A_0, %jit3A_1, %jit3A : i32
    %rem3A = arith.remsi %arg0, %select_n3A : i32
    %ne3A = arith.constant 0 : i32
    %ne3A_2 = arith.cmpi ne, %rem3A, %ne3A : i32
    %lt3A = arith.constant 0 : i32
    %lt3A_3 = arith.cmpi slt, %rem3A, %lt3A : i32
    %lt3A_4 = arith.constant 0 : i32
    %lt3A_5 = arith.cmpi slt, %select_n3A, %lt3A_4 : i32
    %ne3A_6 = arith.xori %lt3A_3, %lt3A_5 : i1
    %and3A = arith.andi %ne3A_6, %ne3A_2 : i1
    %add3A = arith.addi %rem3A, %select_n3A : i32
    %select_n3A_7 = arith.select %and3A, %add3A, %rem3A : i32
    %c0_i32 = arith.constant 0 : i32
    %c0_i32_8 = arith.constant 0 : i32
    return %c0_i32, %select_n3A_7 : i32, i32
  }
  func.func @transform_7(%arg0: i32) -> (i32, i32) {
    %c0_i32 = arith.constant 0 : i32
    %c0_i32_0 = arith.constant 0 : i32
    return %arg0, %c0_i32 : i32, i32
  }
  func.func @transform_8(%arg0: i32) -> (i32, i32) {
    %jit3A = arith.constant 8 : i32
    %eq3A = arith.constant 0 : i32
    %eq3A_0 = arith.cmpi eq, %jit3A, %eq3A : i32
    %jit3A_1 = arith.constant 1 : i32
    %select_n3A = arith.select %eq3A_0, %jit3A_1, %jit3A : i32
    %rem3A = arith.remsi %arg0, %select_n3A : i32
    %ne3A = arith.constant 0 : i32
    %ne3A_2 = arith.cmpi ne, %rem3A, %ne3A : i32
    %lt3A = arith.constant 0 : i32
    %lt3A_3 = arith.cmpi slt, %rem3A, %lt3A : i32
    %lt3A_4 = arith.constant 0 : i32
    %lt3A_5 = arith.cmpi slt, %select_n3A, %lt3A_4 : i32
    %ne3A_6 = arith.xori %lt3A_3, %lt3A_5 : i1
    %and3A = arith.andi %ne3A_6, %ne3A_2 : i1
    %add3A = arith.addi %rem3A, %select_n3A : i32
    %select_n3A_7 = arith.select %and3A, %add3A, %rem3A : i32
    %c0_i32 = arith.constant 0 : i32
    %c0_i32_8 = arith.constant 0 : i32
    return %c0_i32, %select_n3A_7 : i32, i32
  }
}

module attributes {stable_mosaic.version = 14 : i64} {
  func.func @_tc_final_body(%arg0: i32, %arg1: memref<400x128xf32, #tpu.memory_space<vmem>>, %arg2: memref<400x128xf32, #tpu.memory_space<vmem>>, %arg3: memref<400x1xf32, #tpu.memory_space<vmem>>, %arg4: memref<1x128xf32, #tpu.memory_space<vmem>>, %arg5: memref<400x1xf32, #tpu.memory_space<vmem>>, %arg6: memref<400x1xf32, #tpu.memory_space<vmem>>, %arg7: memref<128x64xf32, #tpu.memory_space<vmem>>, %arg8: memref<1x64xf32, #tpu.memory_space<vmem>>, %arg9: memref<1x64xf32, #tpu.memory_space<vmem>>, %arg10: memref<1x128xf32, #tpu.memory_space<vmem>>) attributes {dimension_semantics = [#tpu.dimension_semantics<arbitrary>], iteration_bounds = array<i64: 25>, scalar_prefetch = 0 : i64, scratch_operands = 1 : i64, tpu.core_type = #tpu.core_type<tc>, window_params = [{transform_indices = @transform_0, window_bounds = array<i64: 400, 128>}, {transform_indices = @transform_1, window_bounds = array<i64: 400, 128>}, {transform_indices = @transform_2, window_bounds = array<i64: 400, 1>}, {pipeline_mode = #tpu.pipeline_mode<synchronous>, transform_indices = @transform_3, window_bounds = array<i64: 1, 128>}, {transform_indices = @transform_4, window_bounds = array<i64: 400, 1>}, {transform_indices = @transform_5, window_bounds = array<i64: 400, 1>}, {pipeline_mode = #tpu.pipeline_mode<synchronous>, transform_indices = @transform_6, window_bounds = array<i64: 128, 64>}, {pipeline_mode = #tpu.pipeline_mode<synchronous>, transform_indices = @transform_7, window_bounds = array<i64: 1, 64>}, {pipeline_mode = #tpu.pipeline_mode<synchronous>, transform_indices = @transform_8, window_bounds = array<i64: 1, 64>}]} {
    %eq3A = arith.constant 0 : i32
    %eq3A_0 = arith.cmpi eq, %arg0, %eq3A : i32
    %convert_element_type3A = arith.extui %eq3A_0 : i1 to i32
    %cond3A = arith.constant 0 : i32
    %cond3A_1 = arith.cmpi ne, %convert_element_type3A, %cond3A : i32
    scf.if %cond3A_1 {
      %broadcast_in_dim3A_39 = arith.constant 0.000000e+00 : f32
      %broadcast_in_dim3A_40 = vector.broadcast %broadcast_in_dim3A_39 : f32 to vector<1x128xf32>
      %swap3A_41 = arith.constant 0 : index
      %swap3A_42 = arith.constant 0 : index
      %swap3A_43 = vector.load %arg10[%swap3A_41, %swap3A_42] : memref<1x128xf32, #tpu.memory_space<vmem>>, vector<1x128xf32>
      tpu.vector_store %arg10[%swap3A_41, %swap3A_42], %broadcast_in_dim3A_40 {strides = array<i32>} : memref<1x128xf32, #tpu.memory_space<vmem>>, vector<1x128xf32>,
    } else {
    }
    %get3A = arith.constant 0 : index
    %get3A_2 = arith.constant 0 : index
    %get3A_3 = vector.load %arg1[%get3A, %get3A_2] : memref<400x128xf32, #tpu.memory_space<vmem>>, vector<400x128xf32>
    %get3A_4 = arith.constant 0 : index
    %get3A_5 = arith.constant 0 : index
    %get3A_6 = vector.load %arg2[%get3A_4, %get3A_5] : memref<400x128xf32, #tpu.memory_space<vmem>>, vector<400x128xf32>
    %add3A = arith.addf %get3A_3, %get3A_6 : vector<400x128xf32>
    %get3A_7 = arith.constant 0 : index
    %get3A_8 = arith.constant 0 : index
    %get3A_9 = vector.load %arg3[%get3A_7, %get3A_8] : memref<400x1xf32, #tpu.memory_space<vmem>>, vector<400x1xf32>
    %mul3A = vector.broadcast %get3A_9 : vector<400x1xf32> to vector<400x128xf32>
    %mul3A_10 = arith.mulf %add3A, %mul3A : vector<400x128xf32>
    %get3A_11 = arith.constant 0 : index
    %get3A_12 = arith.constant 0 : index
    %get3A_13 = vector.load %arg4[%get3A_11, %get3A_12] : memref<1x128xf32, #tpu.memory_space<vmem>>, vector<1x128xf32>
    %add3A_14 = vector.broadcast %get3A_13 : vector<1x128xf32> to vector<400x128xf32>
    %add3A_15 = arith.addf %mul3A_10, %add3A_14 : vector<400x128xf32>
    %max3A = arith.constant 0.000000e+00 : f32
    %max3A_16 = vector.broadcast %max3A : f32 to vector<400x128xf32>
    %max3A_17 = arith.maximumf %add3A_15, %max3A_16 : vector<400x128xf32>
    %get3A_18 = arith.constant 0 : index
    %get3A_19 = arith.constant 0 : index
    %get3A_20 = vector.load %arg5[%get3A_18, %get3A_19] : memref<400x1xf32, #tpu.memory_space<vmem>>, vector<400x1xf32>
    %get3A_21 = arith.constant 0 : index
    %get3A_22 = arith.constant 0 : index
    %get3A_23 = vector.load %arg6[%get3A_21, %get3A_22] : memref<400x1xf32, #tpu.memory_space<vmem>>, vector<400x1xf32>
    %mul3A_24 = arith.mulf %get3A_20, %get3A_23 : vector<400x1xf32>
    %get3A_25 = arith.constant 0 : index
    %get3A_26 = arith.constant 0 : index
    %get3A_27 = vector.load %arg10[%get3A_25, %get3A_26] : memref<1x128xf32, #tpu.memory_space<vmem>>, vector<1x128xf32>
    %mul3A_28 = vector.broadcast %mul3A_24 : vector<400x1xf32> to vector<400x128xf32>
    %mul3A_29 = arith.mulf %max3A_17, %mul3A_28 : vector<400x128xf32>
    %reduce_sum3A = arith.constant dense<0.000000e+00> : vector<128xf32>
    %reduce_sum3A_30 = vector.multi_reduction <add>, %mul3A_29, %reduce_sum3A [0] : vector<400x128xf32> to vector<128xf32>
    %broadcast_in_dim3A = vector.shape_cast %reduce_sum3A_30 : vector<128xf32> to vector<1x128xf32>
    %add3A_31 = arith.addf %get3A_27, %broadcast_in_dim3A : vector<1x128xf32>
    %swap3A = arith.constant 0 : index
    %swap3A_32 = arith.constant 0 : index
    %swap3A_33 = vector.load %arg10[%swap3A, %swap3A_32] : memref<1x128xf32, #tpu.memory_space<vmem>>, vector<1x128xf32>
    tpu.vector_store %arg10[%swap3A, %swap3A_32], %add3A_31 {strides = array<i32>} : memref<1x128xf32, #tpu.memory_space<vmem>>, vector<1x128xf32>,
    %eq3A_34 = arith.constant 24 : i32
    %eq3A_35 = arith.cmpi eq, %arg0, %eq3A_34 : i32
    %convert_element_type3A_36 = arith.extui %eq3A_35 : i1 to i32
    %cond3A_37 = arith.constant 0 : i32
    %cond3A_38 = arith.cmpi ne, %convert_element_type3A_36, %cond3A_37 : i32
    scf.if %cond3A_38 {
      %get3A_39 = arith.constant 0 : index
      %get3A_40 = arith.constant 0 : index
      %get3A_41 = vector.load %arg10[%get3A_39, %get3A_40] : memref<1x128xf32, #tpu.memory_space<vmem>>, vector<1x128xf32>
      %mul3A_42 = arith.constant 9.99999974E-5 : f32
      %mul3A_43 = vector.broadcast %mul3A_42 : f32 to vector<1x128xf32>
      %mul3A_44 = arith.mulf %get3A_41, %mul3A_43 : vector<1x128xf32>
      %get3A_45 = arith.constant 0 : index
      %get3A_46 = arith.constant 0 : index
      %get3A_47 = vector.load %arg7[%get3A_45, %get3A_46] : memref<128x64xf32, #tpu.memory_space<vmem>>, vector<128x64xf32>
      %dot_general3A = arith.constant dense<0.000000e+00> : vector<1x64xf32>
      %dot_general3A_48 = tpu.matmul %mul3A_44, %get3A_47, %dot_general3A {dimension_numbers = #tpu.dot_dimension_numbers<[1], [0], [0], [1], [0, 0, 1, 1], [], []>, precision = #tpu.contract_precision<fp32>, transpose_lhs_hint = false} : vector<1x128xf32>, vector<128x64xf32>, vector<1x64xf32> -> vector<1x64xf32>
      %get3A_49 = arith.constant 0 : index
      %get3A_50 = arith.constant 0 : index
      %get3A_51 = vector.load %arg8[%get3A_49, %get3A_50] : memref<1x64xf32, #tpu.memory_space<vmem>>, vector<1x64xf32>
      %add3A_52 = arith.addf %dot_general3A_48, %get3A_51 : vector<1x64xf32>
      %swap3A_53 = arith.constant 0 : index
      %swap3A_54 = arith.constant 0 : index
      %swap3A_55 = vector.load %arg9[%swap3A_53, %swap3A_54] : memref<1x64xf32, #tpu.memory_space<vmem>>, vector<1x64xf32>
      tpu.vector_store %arg9[%swap3A_53, %swap3A_54], %add3A_52 {strides = array<i32>} : memref<1x64xf32, #tpu.memory_space<vmem>>, vector<1x64xf32>,
    } else {
    }
    return
  }
  func.func @transform_0(%arg0: i32) -> (i32, i32) {
    %c0_i32 = arith.constant 0 : i32
    %c0_i32_0 = arith.constant 0 : i32
    return %arg0, %c0_i32 : i32, i32
  }
  func.func @transform_1(%arg0: i32) -> (i32, i32) {
    %c0_i32 = arith.constant 0 : i32
    %c0_i32_0 = arith.constant 0 : i32
    return %arg0, %c0_i32 : i32, i32
  }
  func.func @transform_2(%arg0: i32) -> (i32, i32) {
    %c0_i32 = arith.constant 0 : i32
    %c0_i32_0 = arith.constant 0 : i32
    return %arg0, %c0_i32 : i32, i32
  }
  func.func @transform_3(%arg0: i32) -> (i32, i32) {
    %c0_i32 = arith.constant 0 : i32
    %c0_i32_0 = arith.constant 0 : i32
    %c0_i32_1 = arith.constant 0 : i32
    return %c0_i32, %c0_i32_0 : i32, i32
  }
  func.func @transform_4(%arg0: i32) -> (i32, i32) {
    %c0_i32 = arith.constant 0 : i32
    %c0_i32_0 = arith.constant 0 : i32
    return %arg0, %c0_i32 : i32, i32
  }
  func.func @transform_5(%arg0: i32) -> (i32, i32) {
    %c0_i32 = arith.constant 0 : i32
    %c0_i32_0 = arith.constant 0 : i32
    return %arg0, %c0_i32 : i32, i32
  }
  func.func @transform_6(%arg0: i32) -> (i32, i32) {
    %c0_i32 = arith.constant 0 : i32
    %c0_i32_0 = arith.constant 0 : i32
    %c0_i32_1 = arith.constant 0 : i32
    return %c0_i32, %c0_i32_0 : i32, i32
  }
  func.func @transform_7(%arg0: i32) -> (i32, i32) {
    %c0_i32 = arith.constant 0 : i32
    %c0_i32_0 = arith.constant 0 : i32
    %c0_i32_1 = arith.constant 0 : i32
    return %c0_i32, %c0_i32_0 : i32, i32
  }
  func.func @transform_8(%arg0: i32) -> (i32, i32) {
    %c0_i32 = arith.constant 0 : i32
    %c0_i32_0 = arith.constant 0 : i32
    %c0_i32_1 = arith.constant 0 : i32
    return %c0_i32, %c0_i32_0 : i32, i32
  }
}

</mosaic_0001>

<sc_bundles>
// kernel: kernel.11.cloned.1.call-start
scs
__scs_entry_jumppad:
0x0: {  	(pc) =	sbr.rel $0x88, $3  }
0x1: {  	(tag) =	ssettag $0x0;
	lr =	simm.s32 $0x1  }
0x2: {  	[smem:$0x3F99] =	sst lr;
	_ =	strace $0xD0000000  }
0x3: {  	_ = 	snop  }
0x4: {  	_ = 	snop  }
0x5: {  	_ = 	snop  }
0x6: {  	_ = 	snop  }
0x7: {  	_ = 	snop  }
__scs_overlays_trampoline_lowered:
0x8: {  	[smem:$0x3FA8] =	sst s0  }
0x9: {  	[smem:$0x3FA9] =	sst s1  }
0xa: {  	[smem:$0x3FAA] =	sst s2  }
0xb: {  	[smem:$0x3FAB] =	sst s3  }
0xc: {  	[smem:$0x3FAC] =	sst s4  }
0xd: {  	[smem:$0x3FAD] =	sst s5  }
0xe: {  	[smem:$0x3FAE] =	sst s6  }
0xf: {  	[smem:$0x3FAF] =	sst s7  }
0x10: {  	[smem:$0x3FB0] =	sst s8  }
0x11: {  	[smem:$0x3FB1] =	sst s9;
	s0 =	simm.s32 @!p0 $0x0  }
0x12: {  	s1 =	sld [smem:$0x3F97];
	s0 =	simm.s32 @p0 $0x1  }
0x13: {  	[smem:$0x3FB2] =	sst s0;
	s0 =	simm.s32 @!p1 $0x0  }
0x14: {  	s2 =	sld [smem:$0x3F96];
	s0 =	simm.s32 @p1 $0x1  }
0x15: {  	[smem:$0x3FB3] =	sst s0;
	s0 =	simm.s32 @!p2 $0x0  }
0x16: {  	s3 =	sld [smem:$0x3FDB];
	s0 =	simm.s32 @p2 $0x1  }
0x17: {  	s4 =	simm.s32 $0x1BF5;
	[smem:$0x3FB5] =	sst s0  }
0x18: {  	s0 =	sld [smem:$0x3F98];
	_ =	swait.ge [sflag:s4], $0x0  }
0x19: {  	s7 =	sld [smem:$0x3F99]  }
0x1a: {  	s8 =	sadd.s32 $0xFFFFE003, lr  }
0x1b: {  	s9 =	sadd.s32 $0xFFFFFEF7, lr;
	s5 =	simm.s32 $0xFFFFFFFF;
	p2 =	slt.u32 s8, $0xFFFFF086  }
0x1c: {  	p1 =	slt.u32 s9, $0xF7A;
	s5 =	simm.s32 @!p2 $0x0  }
0x1d: {  	s5 =	simm.s32 @p1 $0x1;
	p0 =	seq.s32 s7, s2  }
0x1e: {  	s7 =	smul.u32 @!p0 $0xF7A, s2;
	p2 =	seq.s32 @!p0 s5, $0x0  }
0x1f: {  	s9 =	smul.u32 $0xF7A, s1;
	s8 =	simm.s32 @!p0 $0x1BF5;
	p2 =	por !p2, p0  }
0x20: {  	[sflag:s8] =	ssyncset.s32 @!p0 $0xFFFFF086;
	s6 =	sadd.s32 @!p0 s3, s7;
	s7 =	simm.s32 @!p0 $0x108  }
0x21: {  	s3 =	sadd.s32 s3, s9;
	s6 =	sadd.s32 @!p0 $0x88, s6;
	s7 =	simm.s32 @p2 $0x1082  }
0x22: {  	[simem:s7], [sflag:s8] =	dma.local @!p0 [hbm:s6], $0xF7A  }
0x23: {  	s9 =	sor.u32 $0xD0000000, s2;
	s6 =	simm.s32 $0x108;
	_ =	swait.ge @!p0 [sflag:s8], $0x0  }
0x24: {  	s3 =	sadd.s32 $0x88, s3;
	s6 =	simm.s32 @!p1 $0x1082;
	[sflag:s4] =	ssyncset.s32 $0xFFFFF086  }
0x25: {  	[simem:s6], [sflag:s4] =	dma.local [hbm:s3], $0xF7A  }
0x26: {  	[smem:$0x3F99] =	sst s1;
	(tag) =	ssettag s2;
	_ =	strace s9  }
0x27: {  	s1 =	sld [smem:$0x3FA9]  }
0x28: {  	s2 =	sld [smem:$0x3FAA]  }
0x29: {  	s4 =	sld [smem:$0x3FAC]  }
0x2a: {  	p0 =	seq.s32 s5, $0x0;
	s5 =	sld [smem:$0x3FAD]  }
0x2b: {  	s6 =	sld [smem:$0x3FAE]  }
0x2c: {  	s7 =	sld [smem:$0x3FAF]  }
0x2d: {  	s3 =	simm.s32 $0x108;
	s8 =	sld [smem:$0x3FB0]  }
0x2e: {  	s3 =	simm.s32 @!p0 $0x1082;
	s9 =	sld [smem:$0x3FB1]  }
0x2f: {  	lr =	sadd.s32 s0, s3;
	s0 =	sld [smem:$0x3FA8]  }
0x30: {  	s3 =	sld [smem:$0x3FAB]  }
0x31: {  	[smem:$0x3FB4] =	sst s10  }
0x32: {  	s10 =	sld [smem:$0x3FB2];
	_ =	sdelay $0x3  }
0x33: {  	p0 =	seq.s32 s10, $0x1;
	s10 =	sld [smem:$0x3FB4];
	_ =	sdelay $0x3  }
0x34: {  	[smem:$0x3FB4] =	sst s10  }
0x35: {  	s10 =	sld [smem:$0x3FB3];
	_ =	sdelay $0x3  }
0x36: {  	p1 =	seq.s32 s10, $0x1;
	s10 =	sld [smem:$0x3FB4];
	_ =	sdelay $0x3  }
0x37: {  	[smem:$0x3FB4] =	sst s10  }
0x38: {  	s10 =	sld [smem:$0x3FB5]  }
0x39: {  	_ = 	snop;
	(pc) =	sbr.ind lr, $3  }
0x3a: {  	_ = 	snop  }
0x3b: {  	_ = 	snop  }
0x3c: {  	p2 =	seq.s32 s10, $0x1;
	s10 =	sld [smem:$0x3FB4]  }
0x3d: {  	_ =	shalt  }
0x3e: {  	_ =	shalt  }
0x3f: {  	_ =	shalt  }
0x40: {  	_ =	shalt  }
0x41: {  	_ =	shalt  }
0x42: {  	_ =	shalt  }
0x43: {  	_ =	shalt  }
0x44: {  	_ =	shalt  }
0x45: {  	_ =	shalt  }
0x46: {  	_ =	shalt  }
0x47: {  	_ =	shalt  }
0x48: {  	_ =	shalt  }
0x49: {  	_ =	shalt  }
0x4a: {  	_ =	shalt  }
0x4b: {  	_ =	shalt  }
0x4c: {  	_ =	shalt  }
0x4d: {  	_ =	shalt  }
0x4e: {  	_ =	shalt  }
0x4f: {  	_ =	shalt  }
0x50: {  	_ =	shalt  }
0x51: {  	_ =	shalt  }
0x52: {  	_ =	shalt  }
0x53: {  	_ =	shalt  }
0x54: {  	_ =	shalt  }
0x55: {  	_ =	shalt  }
0x56: {  	_ =	shalt  }
0x57: {  	_ =	shalt  }
0x58: {  	_ =	shalt  }
0x59: {  	_ =	shalt  }
0x5a: {  	_ =	shalt  }
0x5b: {  	_ =	shalt  }
0x5c: {  	_ =	shalt  }
0x5d: {  	_ =	shalt  }
0x5e: {  	_ =	shalt  }
0x5f: {  	_ =	shalt  }
0x60: {  	_ =	shalt  }
0x61: {  	_ =	shalt  }
0x62: {  	_ =	shalt  }
0x63: {  	_ =	shalt  }
0x64: {  	_ =	shalt  }
0x65: {  	_ =	shalt  }
0x66: {  	_ =	shalt  }
0x67: {  	_ =	shalt  }
0x68: {  	_ =	shalt  }
0x69: {  	_ =	shalt  }
0x6a: {  	_ =	shalt  }
0x6b: {  	_ =	shalt  }
0x6c: {  	_ =	shalt  }
0x6d: {  	_ =	shalt  }
0x6e: {  	_ =	shalt  }
0x6f: {  	_ =	shalt  }
0x70: {  	_ =	shalt  }
0x71: {  	_ =	shalt  }
0x72: {  	_ =	shalt  }
0x73: {  	_ =	shalt  }
0x74: {  	_ =	shalt  }
0x75: {  	_ =	shalt  }
0x76: {  	_ =	shalt  }
0x77: {  	_ =	shalt  }
0x78: {  	_ =	shalt  }
0x79: {  	_ =	shalt  }
0x7a: {  	_ =	shalt  }
0x7b: {  	_ =	shalt  }
0x7c: {  	_ =	shalt  }
0x7d: {  	_ =	shalt  }
0x7e: {  	_ =	shalt  }
0x7f: {  	_ =	shalt  }
0x80: {  	_ =	shalt  }
0x81: {  	_ =	shalt  }
0x82: {  	_ =	shalt  }
0x83: {  	_ =	shalt  }
0x84: {  	_ =	shalt  }
0x85: {  	_ =	shalt  }
0x86: {  	_ =	shalt  }
0x87: {  	_ =	shalt  }
.Lfunc_end0:
.L_simem_size_0:
called_computation.1_lowered:
.L_overlay_start_0:
0x88: {  	s2 =	sld [smem:$0x3FD9]  }
0x89: {  	s3 =	sld [smem:$0x3FFE];
	_ =	sdelay $0x1  }
0x8a: {  	s1 =	srdreg.scid  }
0x8b: {  	s0 =	sand.u32 $0x1, s1  }
0x8c: {  	s16 =	sshll.u32 s0, $0xA;
	s2 =	sadd.s32 s3, s2  }
0x8d: {  	s2 =	sadd.s32 s2, s16  }
0x8e: {  	[smem:$0x3FC0] =	sst s2  }
0x8f: {  	_ = 	snop  }
0x90: {  	(tm) =	ssettm $0x1  }
0x91: {  	s17 =	sld [smem:$0x3FFB];
	_ =	sdelay $0x3  }
0x92: {  	_ =	strace s17  }
0x93: {  	s2 =	sld [smem:$0x3FFC];
	_ =	sdelay $0x3  }
0x94: {  	_ =	strace s2  }
0x95: {  	s2 =	sld [smem:$0x3FFD];
	_ =	sdelay $0x3  }
0x96: {  	_ =	strace s2  }
0x97: {  	_ =	strace $0x8FFFFFFF  }
0x98: {  	s18 =	sld [smem:$0x3FDB];
	_ =	sdelay $0x1  }
0x99: {  	s19 =	simm.s32 $_scs_section_size  }
0x9a: {  	s4 =	simm.s32 $_size__tile_overlayer_lowered;
	s5 =	simm.s32 $_tile_overlayer_lowered  }
0x9b: {  	s22 =	simm.s32 $0x1BFF;
	s21 =	sshll.u32 s5, $0x1;
	s2 =	sadd.s32 s19, s18  }
0x9c: {  	s6 =	simm.s32 $0x0;
	s20 =	sshll.u32 s4, $0x1;
	s4 =	sadd.s32 s21, s2  }
0x9d: {  	[timem:s6], [sflag:s22] =	dma.local [hbm:s4], s20  }
0x9e: {  	_ =	swait.ge [sflag:s22], s20  }
0x9f: {  	s3 =	ssub.s32 $0x0, s20;
	[sflag:s22] =	ssyncset.done $0x0  }
0xa0: {  	[sflag:s22] =	ssyncadd.s32 s3;
	_ =	sdelay $0x1  }
0xa1: {  	s23 =	simm.s32 $0x1B8B  }
0xa2: {  	_ =	swait.ge [sflag:s23], $0x1  }
0xa3: {  	[sflag:s23] =	ssyncset.done $0x0  }
0xa4: {  	s25 =	simm.s32 $0x1B8E;
	s24 =	sld [smem:$0x3FFE];
	[sflag:s23] =	ssyncadd.s32 $0xFFFFFFFF  }
0xa5: {  	s26 =	simm.s32 $execute0_lowered;
	[smem:$0x3FD2] =	sst s25  }
0xa6: {  	s4 =	sshll.u32 s26, $0x1;
	_ =	strace $0x80000049;
	[dreg:$0x1] =	wrdreg $0xFFFFFFFF  }
0xa7: {  	s28 =	simm.s32 $_size_execute0_lowered;
	s2 =	sadd.s32 s2, s4;
	[dreg:$0x0] =	wrdreg $0x0  }
0xa8: {  	s4 =	sshll.u32 s28, $0x1;
	[dreg:$0x2] =	wrdreg s2  }
0xa9: {  	[dreg:$0x3] =	wrdreg s4  }
0xaa: {  	[dreg:$0x4] =	wrdreg $0xC0  }
0xab: {  	_ =	task [dreg:s6], $0x5FFFF  }
0xac: {  	[dreg:$0x1] =	wrdreg $0xFFFFFFFF  }
0xad: {  	[dreg:$0x0] =	wrdreg $0x60  }
0xae: {  	[dreg:$0x2] =	wrdreg s24  }
0xaf: {  	[dreg:$0x3] =	wrdreg $0xAB000  }
0xb0: {  	[dreg:$0x4] =	wrdreg $0x9  }
0xb1: {  	_ =	task.clear_ibuf [dreg:s6], $0x5FFFF;
	_ =	strace $0x90000049  }
0xb2: {  	s29 =	simm.s32 $0x9;
	_ =	strace $0x8000004B  }
0xb3: {  	_ =	swait.ge [sflag:s29], $0x1  }
0xb4: {  	[sflag:s29] =	ssyncadd.s32 $0xFFFFFFFF  }
0xb5: {  	_ =	strace $0x9000004B  }
0xb6: {  	_ =	sfence  }
0xb7: {  	s30 =	sld [smem:$0x0];
	_ =	sdelay $0x2  }
0xb8: {  	s31 =	sshll.u32 s1, $0xD;
	s1 =	sshrl.u32 s1, $0x2  }
0xb9: {  	s3 =	sand.u32 $0x4000, s31;
	s1 =	sadd.s32 s1, s30  }
0xba: {  	s0 =	sor.u32 s3, s0;
	s1 =	sshll.u32 s1, $0x11  }
0xbb: {  	s0 =	sor.u32 s1, s0  }
0xbc: {  	s0 =	sadd.s32 $0x8F2B, s0  }
0xbd: {  	[sflag:s0] =	ssyncadd.remote.s32 $0x1  }
0xbe: {  	_ =	sfence.sel $0xFFFF  }
0xbf: {  	[dreg:$0x0] =	wrdreg $0xFFFFFFFF;
	(pc) =	sbr.abs _section_cstart, $3  }
0xc0: {  	[dreg:$0x1] =	wrdreg $0xFFFFFFFF  }
0xc1: {  	_ =	task.clear_ibuf [dreg:s6], $0x2FFFF;
	_ =	strace $0x9FFFFFFF  }
0xc2: {  	(tm) =	ssettm $0x7FFFFFFF  }
0xc3: {  	_ =	shalt  }
tec
execute0_lowered:
.L_overlay_start_1:
0x0: {  	(tag) =	ssettag $0x1  }
0x1: {  	s0 =	rddreg [dreg:$0x0]  }
0x2: {  	s1 =	rddreg [dreg:$0x1];
	s3 =	simm.s32 $0x0  }
0x3: {  	s4 =	srdreg.scid;
	s2 =	stileid.u32;
	s15 =	simm.s32 $0x200  }
0x4: {  	s16 =	simm.s32 $0x6;
	s17 =	simm.s32 $0x80;
	s31 =	simm.s32 $0x8280  }
0x5: {  	s19 =	simm.s32 $0x100;
	s20 =	simm.s32 $0x180;
	s21 =	simm.s32 $0x1  }
0x6: {  	s28 =	simm.s32 $0x5;
	s30 =	simm.s32 $0x0;
	[smem:$0x7FF] =	sst s3  }
0x7: {  	s9 =	sand.u32 $0x1, s4;
	s4 =	sadd.s32 $0x6A400, s0;
	s10 =	smul.u32 $0x14000, s2  }
0x8: {  	s5 =	sshll.u32 s2, $0x1;
	s6 =	sshrl.u32 s2, $0x2;
	s23 =	smul.u32 $0x50000, s2  }
0x9: {  	s7 =	sadd.s32 $0x3000, s0;
	_ =	strace $0x8000004A;
	s8 =	smul.u32 $0x140000, s9  }
0xa: {  	s11 =	sor.u32 s9, s5;
	s5 =	sadd.s32 $0x2E400, s0;
	s12 =	smul.u32 $0x14000, s6  }
0xb: {  	s6 =	sadd.s32 $0x38400, s0;
	s9 =	ssub.s32 $0x2, s9;
	[dreg:$0x3] =	wrdreg s31  }
0xc: {  	s13 =	sshll.u32 s11, $0x7;
	s25 =	sshrl.u32 s9, $0x1;
	s26 =	sshrl.u32 s23, $0x2  }
0xd: {  	s23 =	simm.s32 $0x2;
	s13 =	sand.u32 $0x380, s13;
	s8 =	sadd.s32 s10, s8  }
0xe: {  	s14 =	ssub.s32 s9, s25;
	s9 =	sadd.s32 s26, s1;
	s25 =	simm.s32 $0x4  }
0xf: {  	s26 =	simm.s32 $0x3;
	s22 =	sor.u32 s12, s13;
	s24 =	sshrl.u32 s8, $0x3  }
0x10: {  	s8 =	smul.u32 $0x2800, s11;
	s14 =	smax.u32 s14, $0x1;
	s10 =	sshrl.u32 s22, $0x3  }
0x11: {  	s13 =	sadd.s32 s24, s0;
	s22 =	simm.s32 $0x4200;
	s24 =	simm.s32 $0x8300  }
0x12: {  	s0 =	sadd.s32 s10, s0;
	s29 =	sshrl.u32 s8, $0x3;
	s12 =	sadd.s32 $0x92400, s13  }
0x13: {  	v0 =	vimm.f32 $0.0e+00;
	s10 =	sadd.s32 s5, s29;
	s11 =	sadd.s32 s6, s29;
	s13 =	sadd.s32 $0x3600, s0  }
.LBB2_1:
0x14: {  	s0 =	simm.s32 $0x40;
	s31 =	simm.s32 $0x0  }
.LBB2_2:
0x15: {  	p0 =	sne.s32 s0, $0x9FC0;
	[tilespmem:s31+$0x8300] =	vst v0;
	s31 =	smov.u32 s0;
	s0 =	sadd.s32 $0x40, s0  }
.Ltmp0:
0x16: {  	(pc) =	sbr.rel @p0 .LBB2_2-.Ltmp0, $2  }
0x17: {  	_ =	sdelay $0x2  }
0x18: {  	s31 =	sshra.s32 s31, $0x2  }
0x19: {  	[tilespmem:s31+$0x8300] =	vst v0;
	s31 =	simm.s32 $0x0;
	s0 =	simm.s32 $0x200  }
.LBB2_4:
0x1a: {  	p0 =	sne.s32 s0, $0x1E00;
	[tilespmem:s31+$0x270] =	vst v0  }
0x1b: {  	[tilespmem:s31+$0x200] =	vst v0  }
0x1c: {  	[tilespmem:s31+$0x210] =	vst v0  }
.Ltmp1:
0x1d: {  	[tilespmem:s31+$0x220] =	vst v0;
	(pc) =	sbr.rel @p0 .LBB2_4-.Ltmp1, $4  }
0x1e: {  	[tilespmem:s31+$0x230] =	vst v0  }
0x1f: {  	[tilespmem:s31+$0x240] =	vst v0  }
0x20: {  	[tilespmem:s31+$0x250] =	vst v0  }
0x21: {  	[tilespmem:s31+$0x260] =	vst v0;
	s31 =	sshra.s32 s0, $0x2;
	s0 =	sadd.s32 $0x200, s0  }
0x22: {  	[tilespmem:s31+$0x270] =	vst v0  }
0x23: {  	[tilespmem:s31+$0x200] =	vst v0  }
0x24: {  	[tilespmem:s31+$0x210] =	vst v0  }
0x25: {  	[tilespmem:s31+$0x220] =	vst v0  }
0x26: {  	[tilespmem:s31+$0x230] =	vst v0  }
0x27: {  	[tilespmem:s31+$0x240] =	vst v0  }
0x28: {  	[tilespmem:s31+$0x250] =	vst v0  }
0x29: {  	[tilespmem:s31+$0x260] =	vst v0;
	s0 =	sadd.s32 $0x0, s9  }
0x2a: {  	[spmem:s0] =	stream.linear.scatter [tilespmem:s15], [sflag:$0x6], $0x800, $0x38;
	[tilespmem:$0x1EB00] =	vst v63  }
0x2b: {  	s0 =	simm.s32 $0x2000;
	_ =	swait.ge [sflag:s16], $0x800  }
.LBB2_6:
0x2c: {  	s31 =	sshra.s32 s0, $0x2;
	[sflag:s16] =	ssyncset.done $0x0;
	p0 =	sne.s32 s0, $0x4E000  }
.Ltmp2:
0x2d: {  	s31 =	sadd.s32 s31, s9;
	[sflag:s16] =	ssyncadd.s32 $0xFFFFF800;
	(pc) =	sbr.rel @p0 .LBB2_6-.Ltmp2, $3  }
0x2e: {  	[spmem:s31] =	stream.linear.scatter [tilespmem:s15], [sflag:$0x6], $0x800, $0x38;
	[tilespmem:$0x1EB00] =	vst v63  }
0x2f: {  	s0 =	sadd.s32 $0x2000, s0;
	_ =	sdelay $0x1  }
0x30: {  	_ =	swait.ge [sflag:s16], $0x800  }
0x31: {  	[sflag:s16] =	ssyncset.done $0x0  }
0x32: {  	[sflag:s16] =	ssyncadd.s32 $0xFFFFF800  }
0x33: {  	s31 =	simm.s32 $0x0;
	[bflag:$0x0] =	sbarrier.arrive $0xFFFF  }
0x34: {  	[tilespmem:s31], [sflag:$0x6] =	stream.linear.gather [hbm4b:s10+s31], $0x80, $0x38;
	[tilespmem:$0x1EB00] =	vst v63  }
0x35: {  	_ =	swait.ge [sflag:s16], $0x80  }
0x36: {  	[sflag:s16] =	ssyncset.done $0x0  }
0x37: {  	[sflag:s16] =	ssyncadd.s32 $0xFFFFFF80  }
0x38: {  	[tilespmem:s17], [sflag:$0x6] =	stream.linear.gather [hbm4b:s11+s31], $0x80, $0x38;
	[tilespmem:$0x1EB00] =	vst v63  }
0x39: {  	_ =	swait.ge [sflag:s16], $0x80  }
0x3a: {  	[sflag:s16] =	ssyncset.done $0x0  }
0x3b: {  	s0 =	simm.s32 $0x8200;
	[sflag:s16] =	ssyncadd.s32 $0xFFFFFF80  }
0x3c: {  	[tilespmem:s0], [sflag:$0x2] =	stream.indirect.gather [hbm4b:s7+s17], $0x1, s17, s17, $0xb8;
	[tilespmem:$0x1EB00] =	vst v63  }
0x3d: {  	_ = 	snop  }
0x3e: {  	[tilespmem:s15], [sflag:$0x1] =	stream.indirect.gather [hbm4b:s4+s17], $0x80, s31, s17, $0xb8;
	[tilespmem:$0x1EB00] =	vst v63  }
.LBB2_8:
0x3f: {  	s0 =	sand.u32 $0x3C00, s31  }
0x40: {  	p0 =	seq.s32 s31, $0x0;
	s18 =	sand.u32 $0x300, s31;
	s0 =	sadd.s32 s8, s0  }
0x41: {  	s2 =	simm.s32 @!p0 $0x5;
	s0 =	sor.u32 s0, s18  }
0x42: {  	_ =	swait.ge @!p0 [sflag:s2], $0x4000;
	s0 =	sor.u32 $0x80, s0  }
0x43: {  	[sflag:s2] =	ssyncset.done @!p0 $0x0;
	s0 =	sshrl.u32 s0, $0x3  }
0x44: {  	[sflag:s2] =	ssyncadd.s32 @!p0 $0xFFFFC000;
	s18 =	sadd.s32 s5, s0  }
0x45: {  	[tilespmem:s19], [sflag:$0x6] =	stream.linear.gather [hbm4b:s18+s3], $0x80, $0x38;
	[tilespmem:$0x1EB00] =	vst v63  }
0x46: {  	_ =	swait.ge [sflag:s16], $0x80  }
0x47: {  	[sflag:s16] =	ssyncset.done $0x0  }
0x48: {  	s0 =	sadd.s32 s6, s0;
	[sflag:s16] =	ssyncadd.s32 $0xFFFFFF80  }
0x49: {  	[tilespmem:s20], [sflag:$0x6] =	stream.linear.gather [hbm4b:s0+s3], $0x80, $0x38;
	[tilespmem:$0x1EB00] =	vst v63  }
0x4a: {  	_ =	swait.ge [sflag:s16], $0x80  }
0x4b: {  	[sflag:s16] =	ssyncset.done $0x0  }
0x4c: {  	s29 =	rddreg [dreg:$0x3];
	[sflag:s16] =	ssyncadd.s32 $0xFFFFFF80  }
0x4d: {  	[tilespmem:s29], [sflag:$0x3] =	stream.indirect.gather [hbm4b:s7+s17], $0x1, s20, s17, $0xb8;
	[tilespmem:$0x1EB00] =	vst v63  }
0x4e: {  	_ =	swait.ge [sflag:s21], $0x4000  }
0x4f: {  	[sflag:s21] =	ssyncset.done $0x0  }
0x50: {  	[sflag:s21] =	ssyncadd.s32 $0xFFFFC000  }
0x51: {  	[tilespmem:s22], [sflag:$0x1] =	stream.indirect.gather [hbm4b:s4+s17], $0x80, s19, s17, $0xb8;
	[tilespmem:$0x1EB00] =	vst v63  }
0x52: {  	_ = 	snop  }
0x53: {  	[spmem:s1] =	stream.indirect.scatter.add.f32 [tilespmem:s15], [sflag:$0x4], $0x80, s17, s17, $0xb8;
	[tilespmem:$0x1EB00] =	vst v63  }
0x54: {  	_ =	swait.ge [sflag:s23], $0x80  }
0x55: {  	[sflag:s23] =	ssyncset.done $0x0  }
0x56: {  	[sflag:s23] =	ssyncadd.s32 $0xFFFFFF80  }
0x57: {  	v1 =	vld [tilespmem:$0x0];
	_ =	sdelay $0x2  }
0x58: {  	v2 =	vld [tilespmem:$0x8200];
	_ =	sdelay $0x4  }
0x59: {  	[tilespmem:v1+s24+$0x0] =	vst.idx.add.f32.msk $0xffff, v2  }
0x5a: {  	v1 =	vld [tilespmem:$0x10];
	_ =	sdelay $0x2  }
0x5b: {  	v2 =	vld [tilespmem:$0x8210];
	_ =	sdelay $0x4  }
0x5c: {  	[tilespmem:v1+s24+$0x0] =	vst.idx.add.f32.msk $0xffff, v2  }
0x5d: {  	v1 =	vld [tilespmem:$0x20];
	_ =	sdelay $0x2  }
0x5e: {  	v2 =	vld [tilespmem:$0x8220];
	_ =	sdelay $0x4  }
0x5f: {  	[tilespmem:v1+s24+$0x0] =	vst.idx.add.f32.msk $0xffff, v2  }
0x60: {  	v1 =	vld [tilespmem:$0x30];
	_ =	sdelay $0x2  }
0x61: {  	v2 =	vld [tilespmem:$0x8230];
	_ =	sdelay $0x4  }
0x62: {  	[tilespmem:v1+s24+$0x0] =	vst.idx.add.f32.msk $0xffff, v2  }
0x63: {  	v1 =	vld [tilespmem:$0x40];
	_ =	sdelay $0x2  }
0x64: {  	v2 =	vld [tilespmem:$0x8240];
	_ =	sdelay $0x4  }
0x65: {  	[tilespmem:v1+s24+$0x0] =	vst.idx.add.f32.msk $0xffff, v2  }
0x66: {  	v1 =	vld [tilespmem:$0x50];
	_ =	sdelay $0x2  }
0x67: {  	v2 =	vld [tilespmem:$0x8250];
	_ =	sdelay $0x4  }
0x68: {  	[tilespmem:v1+s24+$0x0] =	vst.idx.add.f32.msk $0xffff, v2  }
0x69: {  	v1 =	vld [tilespmem:$0x60];
	_ =	sdelay $0x2  }
0x6a: {  	v2 =	vld [tilespmem:$0x8260];
	_ =	sdelay $0x4  }
0x6b: {  	[tilespmem:v1+s24+$0x0] =	vst.idx.add.f32.msk $0xffff, v2  }
0x6c: {  	v1 =	vld [tilespmem:$0x70];
	_ =	sdelay $0x2  }
0x6d: {  	v2 =	vld [tilespmem:$0x8270];
	_ =	sdelay $0x4  }
0x6e: {  	p0 =	seq.s32 s31, $0x2700;
	[tilespmem:v1+s24+$0x0] =	vst.idx.add.f32.msk $0xffff, v2  }
0x6f: {  	s0 =	sadd.s32 @!p0 $0x100, s31;
	_ =	swait.ge [sflag:s25], $0x4000  }
0x70: {  	s18 =	simm.s32 @p0 $0x1;
	s2 =	sand.u32 @!p0 $0x7C00, s0;
	[sflag:s25] =	ssyncset.done $0x0  }
0x71: {  	s0 =	sand.u32 @!p0 $0x300, s0;
	s2 =	sadd.s32 @!p0 s8, s2;
	[sflag:s25] =	ssyncadd.s32 $0xFFFFC000  }
0x72: {  	s0 =	sor.u32 @!p0 s0, s2;
	_ =	swait.ge @p0 [sflag:s18], $0x4000  }
0x73: {  	s0 =	sshrl.u32 @!p0 s0, $0x3;
	[sflag:s18] =	ssyncset.done @p0 $0x0  }
0x74: {  	s2 =	sadd.s32 @!p0 s5, s0;
	[sflag:s18] =	ssyncadd.s32 @p0 $0xFFFFC000;
	s18 =	simm.s32 @!p0 $0x0  }
0x75: {  	[tilespmem:s18], [sflag:$0x6] =	stream.linear.gather @!p0 [hbm4b:s2+s18], $0x80, $0x38;
	[tilespmem:$0x1EB00] =	vst v63  }
0x76: {  	s2 =	simm.s32 @!p0 $0x6  }
0x77: {  	_ =	swait.ge @!p0 [sflag:s2], $0x80  }
0x78: {  	[sflag:s2] =	ssyncset.done @!p0 $0x0  }
0x79: {  	s29 =	simm.s32 @!p0 $0x80;
	s0 =	sadd.s32 @!p0 s6, s0;
	[sflag:s2] =	ssyncadd.s32 @!p0 $0xFFFFFF80  }
0x7a: {  	[tilespmem:s29], [sflag:$0x6] =	stream.linear.gather @!p0 [hbm4b:s0+s18], $0x80, $0x38;
	[tilespmem:$0x1EB00] =	vst v63  }
0x7b: {  	_ =	swait.ge @!p0 [sflag:s2], $0x80  }
0x7c: {  	[sflag:s2] =	ssyncset.done @!p0 $0x0  }
0x7d: {  	s0 =	simm.s32 @!p0 $0x8200;
	[sflag:s2] =	ssyncadd.s32 @!p0 $0xFFFFFF80  }
0x7e: {  	[tilespmem:s0], [sflag:$0x2] =	stream.indirect.gather @!p0 [hbm4b:s7+s29], $0x1, s29, s29, $0xb8;
	[tilespmem:$0x1EB00] =	vst v63  }
0x7f: {  	s0 =	simm.s32 @!p0 $0x1  }
0x80: {  	_ =	swait.ge @!p0 [sflag:s0], $0x4000  }
0x81: {  	[sflag:s0] =	ssyncset.done @!p0 $0x0  }
0x82: {  	[sflag:s0] =	ssyncadd.s32 @!p0 $0xFFFFC000;
	s0 =	simm.s32 @!p0 $0x200  }
0x83: {  	[tilespmem:s0], [sflag:$0x1] =	stream.indirect.gather @!p0 [hbm4b:s4+s29], $0x80, s18, s29, $0xb8;
	[tilespmem:$0x1EB00] =	vst v63  }
0x84: {  	_ = 	snop  }
0x85: {  	[spmem:s1] =	stream.indirect.scatter.add.f32 [tilespmem:s22], [sflag:$0x5], $0x80, s20, s17, $0xb8;
	[tilespmem:$0x1EB00] =	vst v63  }
0x86: {  	_ =	swait.ge [sflag:s26], $0x80  }
0x87: {  	[sflag:s26] =	ssyncset.done $0x0  }
0x88: {  	[sflag:s26] =	ssyncadd.s32 $0xFFFFFF80  }
0x89: {  	v1 =	vld [tilespmem:$0x100];
	_ =	sdelay $0x2  }
0x8a: {  	v2 =	vld [tilespmem:$0x8280];
	_ =	sdelay $0x4  }
0x8b: {  	[tilespmem:v1+s24+$0x0] =	vst.idx.add.f32.msk $0xffff, v2  }
0x8c: {  	v1 =	vld [tilespmem:$0x110];
	_ =	sdelay $0x2  }
0x8d: {  	v2 =	vld [tilespmem:$0x8290];
	_ =	sdelay $0x4  }
0x8e: {  	[tilespmem:v1+s24+$0x0] =	vst.idx.add.f32.msk $0xffff, v2  }
0x8f: {  	v1 =	vld [tilespmem:$0x120];
	_ =	sdelay $0x2  }
0x90: {  	v2 =	vld [tilespmem:$0x82A0];
	_ =	sdelay $0x4  }
0x91: {  	[tilespmem:v1+s24+$0x0] =	vst.idx.add.f32.msk $0xffff, v2  }
0x92: {  	v1 =	vld [tilespmem:$0x130];
	_ =	sdelay $0x2  }
0x93: {  	v2 =	vld [tilespmem:$0x82B0];
	_ =	sdelay $0x4  }
0x94: {  	[tilespmem:v1+s24+$0x0] =	vst.idx.add.f32.msk $0xffff, v2  }
0x95: {  	v1 =	vld [tilespmem:$0x140];
	_ =	sdelay $0x2  }
0x96: {  	v2 =	vld [tilespmem:$0x82C0];
	_ =	sdelay $0x4  }
0x97: {  	[tilespmem:v1+s24+$0x0] =	vst.idx.add.f32.msk $0xffff, v2  }
0x98: {  	v1 =	vld [tilespmem:$0x150];
	_ =	sdelay $0x2  }
0x99: {  	v2 =	vld [tilespmem:$0x82D0];
	_ =	sdelay $0x4  }
0x9a: {  	[tilespmem:v1+s24+$0x0] =	vst.idx.add.f32.msk $0xffff, v2  }
0x9b: {  	v1 =	vld [tilespmem:$0x160];
	_ =	sdelay $0x2  }
0x9c: {  	v2 =	vld [tilespmem:$0x82E0];
	_ =	sdelay $0x4  }
0x9d: {  	[tilespmem:v1+s24+$0x0] =	vst.idx.add.f32.msk $0xffff, v2  }
0x9e: {  	v1 =	vld [tilespmem:$0x170];
	_ =	sdelay $0x1  }
0x9f: {  	s31 =	sadd.s32 $0x100, s31  }
0xa0: {  	p0 =	sne.s32 s31, $0x2800;
	v2 =	vld [tilespmem:$0x82F0]  }
.Ltmp3:
0xa1: {  	_ = 	snop;
	(pc) =	sbr.rel @p0 .LBB2_8-.Ltmp3, $2  }
0xa2: {  	_ =	sdelay $0x2  }
0xa3: {  	[tilespmem:v1+s24+$0x0] =	vst.idx.add.f32.msk $0xffff, v2  }
0xa4: {  	_ =	swait.ge [sflag:s28], $0x4000  }
0xa5: {  	s0 =	stileid.u32;
	[sflag:s28] =	ssyncset.done $0x0  }
0xa6: {  	s0 =	sshll.u32 s0, $0x6;
	[sflag:s28] =	ssyncadd.s32 $0xFFFFC000  }
0xa7: {  	s2 =	sshrl.u32 s9, $0x3;
	s0 =	sor.u32 $0x1C06, s0;
	[bflag:$0x0] =	sbarrier.arrive $0xFFFF  }
0xa8: {  	[hbm:s12], [sflag:s0] =	dma.local [spmem:s2], $0x2800  }
0xa9: {  	s30 =	sadd.s32 $0x1, s30;
	_ =	swait.ge [sflag:s16], $0x2800  }
0xaa: {  	p0 =	sne.s32 s30, s14;
	[sflag:s16] =	ssyncset.done $0x0  }
.Ltmp4:
0xab: {  	s31 =	simm.s32 $0x400;
	[sflag:s16] =	ssyncadd.s32 $0xFFFFD800;
	(pc) =	sbr.rel @p0 .LBB2_1-.Ltmp4, $4  }
0xac: {  	[hbm4b:s13+s17] =	stream.strided.scatter [tilespmem:s24], [sflag:$0x6], $0x2800, s31, s17, $0x38;
	[tilespmem:$0x1EB00] =	vst v63  }
0xad: {  	_ =	swait.ge [sflag:s16], $0x2800  }
0xae: {  	[sflag:s16] =	ssyncset.done $0x0  }
0xaf: {  	[sflag:s16] =	ssyncadd.s32 $0xFFFFD800  }
0xb0: {  	_ =	sfence.sel $0x180000  }
0xb1: {  	[bflag:$0x0] =	sbarrier.arrive $0xFFFF  }
0xb2: {  	_ =	strace $0x9000004A  }
0xb3: {  	s0 =	stileid.u32;
	[bflag:$0x2] =	sbarrier.arrive $0xFFFF  }
0xb4: {  	p0 =	sne.s32 s0, $0x0;
	s0 =	rddreg [dreg:$0x2]  }
0xb5: {  	s0 =	sadd.s32 @!p0 $0x100000, s0  }
0xb6: {  	[sflag:s0] =	ssyncadd.tile.s32 @!p0 $0x1;
	_ =	shalt  }
.Lfunc_end2:
_tile_overlayer_lowered:
.L_overlay_start_2:
0xb7: {  	(tag) =	ssettag $0x2  }
0xb8: {  	s0 =	rddreg [dreg:$0x0];
	s2 =	stileid.u32  }
0xb9: {  	s1 =	rddreg [dreg:$0x1];
	p0 =	sne.s32 s2, $0x0  }
0xba: {  	s3 =	rddreg [dreg:$0x2];
	[bflag:$0x3] =	sbarrier.arrive $0xFFFF;
	s2 =	simm.s32 @!p0 $0x1C06  }
0xbb: {  	[timem:s3], [sflag:s2] =	dma.local @!p0 [hbm:s0], s1  }
0xbc: {  	s0 =	simm.s32 @!p0 $0x6  }
0xbd: {  	_ =	swait.ge @!p0 [sflag:s0], s1  }
0xbe: {  	s1 =	ssub.s32 @!p0 $0x0, s1;
	[sflag:s0] =	ssyncset.done @!p0 $0x0  }
0xbf: {  	[sflag:s0] =	ssyncadd.s32 @!p0 s1  }
0xc0: {  	[bflag:$0x3] =	sbarrier.arrive $0xFFFF  }
0xc1: {  	_ =	shalt  }

// kernel: kernel.14.cloned.1.call-start
scs
__scs_entry_jumppad:
0x0: {  	(pc) =	sbr.rel $0x88, $3  }
0x1: {  	(tag) =	ssettag $0x0;
	lr =	simm.s32 $0x1  }
0x2: {  	[smem:$0x3F99] =	sst lr;
	_ =	strace $0xD0000000  }
0x3: {  	_ = 	snop  }
0x4: {  	_ = 	snop  }
0x5: {  	_ = 	snop  }
0x6: {  	_ = 	snop  }
0x7: {  	_ = 	snop  }
__scs_overlays_trampoline_lowered:
0x8: {  	[smem:$0x3FA8] =	sst s0  }
0x9: {  	[smem:$0x3FA9] =	sst s1  }
0xa: {  	[smem:$0x3FAA] =	sst s2  }
0xb: {  	[smem:$0x3FAB] =	sst s3  }
0xc: {  	[smem:$0x3FAC] =	sst s4  }
0xd: {  	[smem:$0x3FAD] =	sst s5  }
0xe: {  	[smem:$0x3FAE] =	sst s6  }
0xf: {  	[smem:$0x3FAF] =	sst s7  }
0x10: {  	[smem:$0x3FB0] =	sst s8  }
0x11: {  	[smem:$0x3FB1] =	sst s9;
	s0 =	simm.s32 @!p0 $0x0  }
0x12: {  	s1 =	sld [smem:$0x3F97];
	s0 =	simm.s32 @p0 $0x1  }
0x13: {  	[smem:$0x3FB2] =	sst s0;
	s0 =	simm.s32 @!p1 $0x0  }
0x14: {  	s2 =	sld [smem:$0x3F96];
	s0 =	simm.s32 @p1 $0x1  }
0x15: {  	[smem:$0x3FB3] =	sst s0;
	s0 =	simm.s32 @!p2 $0x0  }
0x16: {  	s3 =	sld [smem:$0x3FDB];
	s0 =	simm.s32 @p2 $0x1  }
0x17: {  	s4 =	simm.s32 $0x1BF5;
	[smem:$0x3FB5] =	sst s0  }
0x18: {  	s0 =	sld [smem:$0x3F98];
	_ =	swait.ge [sflag:s4], $0x0  }
0x19: {  	s7 =	sld [smem:$0x3F99]  }
0x1a: {  	s8 =	sadd.s32 $0xFFFFE003, lr  }
0x1b: {  	s9 =	sadd.s32 $0xFFFFFEF7, lr;
	s5 =	simm.s32 $0xFFFFFFFF;
	p2 =	slt.u32 s8, $0xFFFFF086  }
0x1c: {  	p1 =	slt.u32 s9, $0xF7A;
	s5 =	simm.s32 @!p2 $0x0  }
0x1d: {  	s5 =	simm.s32 @p1 $0x1;
	p0 =	seq.s32 s7, s2  }
0x1e: {  	s7 =	smul.u32 @!p0 $0xF7A, s2;
	p2 =	seq.s32 @!p0 s5, $0x0  }
0x1f: {  	s9 =	smul.u32 $0xF7A, s1;
	s8 =	simm.s32 @!p0 $0x1BF5;
	p2 =	por !p2, p0  }
0x20: {  	[sflag:s8] =	ssyncset.s32 @!p0 $0xFFFFF086;
	s6 =	sadd.s32 @!p0 s3, s7;
	s7 =	simm.s32 @!p0 $0x108  }
0x21: {  	s3 =	sadd.s32 s3, s9;
	s6 =	sadd.s32 @!p0 $0x88, s6;
	s7 =	simm.s32 @p2 $0x1082  }
0x22: {  	[simem:s7], [sflag:s8] =	dma.local @!p0 [hbm:s6], $0xF7A  }
0x23: {  	s9 =	sor.u32 $0xD0000000, s2;
	s6 =	simm.s32 $0x108;
	_ =	swait.ge @!p0 [sflag:s8], $0x0  }
0x24: {  	s3 =	sadd.s32 $0x88, s3;
	s6 =	simm.s32 @!p1 $0x1082;
	[sflag:s4] =	ssyncset.s32 $0xFFFFF086  }
0x25: {  	[simem:s6], [sflag:s4] =	dma.local [hbm:s3], $0xF7A  }
0x26: {  	[smem:$0x3F99] =	sst s1;
	(tag) =	ssettag s2;
	_ =	strace s9  }
0x27: {  	s1 =	sld [smem:$0x3FA9]  }
0x28: {  	s2 =	sld [smem:$0x3FAA]  }
0x29: {  	s4 =	sld [smem:$0x3FAC]  }
0x2a: {  	p0 =	seq.s32 s5, $0x0;
	s5 =	sld [smem:$0x3FAD]  }
0x2b: {  	s6 =	sld [smem:$0x3FAE]  }
0x2c: {  	s7 =	sld [smem:$0x3FAF]  }
0x2d: {  	s3 =	simm.s32 $0x108;
	s8 =	sld [smem:$0x3FB0]  }
0x2e: {  	s3 =	simm.s32 @!p0 $0x1082;
	s9 =	sld [smem:$0x3FB1]  }
0x2f: {  	lr =	sadd.s32 s0, s3;
	s0 =	sld [smem:$0x3FA8]  }
0x30: {  	s3 =	sld [smem:$0x3FAB]  }
0x31: {  	[smem:$0x3FB4] =	sst s10  }
0x32: {  	s10 =	sld [smem:$0x3FB2];
	_ =	sdelay $0x3  }
0x33: {  	p0 =	seq.s32 s10, $0x1;
	s10 =	sld [smem:$0x3FB4];
	_ =	sdelay $0x3  }
0x34: {  	[smem:$0x3FB4] =	sst s10  }
0x35: {  	s10 =	sld [smem:$0x3FB3];
	_ =	sdelay $0x3  }
0x36: {  	p1 =	seq.s32 s10, $0x1;
	s10 =	sld [smem:$0x3FB4];
	_ =	sdelay $0x3  }
0x37: {  	[smem:$0x3FB4] =	sst s10  }
0x38: {  	s10 =	sld [smem:$0x3FB5]  }
0x39: {  	_ = 	snop;
	(pc) =	sbr.ind lr, $3  }
0x3a: {  	_ = 	snop  }
0x3b: {  	_ = 	snop  }
0x3c: {  	p2 =	seq.s32 s10, $0x1;
	s10 =	sld [smem:$0x3FB4]  }
0x3d: {  	_ =	shalt  }
0x3e: {  	_ =	shalt  }
0x3f: {  	_ =	shalt  }
0x40: {  	_ =	shalt  }
0x41: {  	_ =	shalt  }
0x42: {  	_ =	shalt  }
0x43: {  	_ =	shalt  }
0x44: {  	_ =	shalt  }
0x45: {  	_ =	shalt  }
0x46: {  	_ =	shalt  }
0x47: {  	_ =	shalt  }
0x48: {  	_ =	shalt  }
0x49: {  	_ =	shalt  }
0x4a: {  	_ =	shalt  }
0x4b: {  	_ =	shalt  }
0x4c: {  	_ =	shalt  }
0x4d: {  	_ =	shalt  }
0x4e: {  	_ =	shalt  }
0x4f: {  	_ =	shalt  }
0x50: {  	_ =	shalt  }
0x51: {  	_ =	shalt  }
0x52: {  	_ =	shalt  }
0x53: {  	_ =	shalt  }
0x54: {  	_ =	shalt  }
0x55: {  	_ =	shalt  }
0x56: {  	_ =	shalt  }
0x57: {  	_ =	shalt  }
0x58: {  	_ =	shalt  }
0x59: {  	_ =	shalt  }
0x5a: {  	_ =	shalt  }
0x5b: {  	_ =	shalt  }
0x5c: {  	_ =	shalt  }
0x5d: {  	_ =	shalt  }
0x5e: {  	_ =	shalt  }
0x5f: {  	_ =	shalt  }
0x60: {  	_ =	shalt  }
0x61: {  	_ =	shalt  }
0x62: {  	_ =	shalt  }
0x63: {  	_ =	shalt  }
0x64: {  	_ =	shalt  }
0x65: {  	_ =	shalt  }
0x66: {  	_ =	shalt  }
0x67: {  	_ =	shalt  }
0x68: {  	_ =	shalt  }
0x69: {  	_ =	shalt  }
0x6a: {  	_ =	shalt  }
0x6b: {  	_ =	shalt  }
0x6c: {  	_ =	shalt  }
0x6d: {  	_ =	shalt  }
0x6e: {  	_ =	shalt  }
0x6f: {  	_ =	shalt  }
0x70: {  	_ =	shalt  }
0x71: {  	_ =	shalt  }
0x72: {  	_ =	shalt  }
0x73: {  	_ =	shalt  }
0x74: {  	_ =	shalt  }
0x75: {  	_ =	shalt  }
0x76: {  	_ =	shalt  }
0x77: {  	_ =	shalt  }
0x78: {  	_ =	shalt  }
0x79: {  	_ =	shalt  }
0x7a: {  	_ =	shalt  }
0x7b: {  	_ =	shalt  }
0x7c: {  	_ =	shalt  }
0x7d: {  	_ =	shalt  }
0x7e: {  	_ =	shalt  }
0x7f: {  	_ =	shalt  }
0x80: {  	_ =	shalt  }
0x81: {  	_ =	shalt  }
0x82: {  	_ =	shalt  }
0x83: {  	_ =	shalt  }
0x84: {  	_ =	shalt  }
0x85: {  	_ =	shalt  }
0x86: {  	_ =	shalt  }
0x87: {  	_ =	shalt  }
.Lfunc_end0:
.L_simem_size_0:
called_computation.2_lowered:
.L_overlay_start_0:
0x88: {  	s2 =	sld [smem:$0x3FD9]  }
0x89: {  	s3 =	sld [smem:$0x3FFE];
	_ =	sdelay $0x1  }
0x8a: {  	s1 =	srdreg.scid  }
0x8b: {  	s0 =	sand.u32 $0x1, s1  }
0x8c: {  	s16 =	sshll.u32 s0, $0xA;
	s2 =	sadd.s32 s3, s2  }
0x8d: {  	s2 =	sadd.s32 s2, s16  }
0x8e: {  	[smem:$0x3FC0] =	sst s2  }
0x8f: {  	_ = 	snop  }
0x90: {  	(tm) =	ssettm $0x1  }
0x91: {  	s17 =	sld [smem:$0x3FFB];
	_ =	sdelay $0x3  }
0x92: {  	_ =	strace s17  }
0x93: {  	s2 =	sld [smem:$0x3FFC];
	_ =	sdelay $0x3  }
0x94: {  	_ =	strace s2  }
0x95: {  	s2 =	sld [smem:$0x3FFD];
	_ =	sdelay $0x3  }
0x96: {  	_ =	strace s2  }
0x97: {  	_ =	strace $0x8FFFFFFF  }
0x98: {  	s18 =	sld [smem:$0x3FDB];
	_ =	sdelay $0x1  }
0x99: {  	s19 =	simm.s32 $_scs_section_size  }
0x9a: {  	s4 =	simm.s32 $_size__tile_overlayer_lowered;
	s5 =	simm.s32 $_tile_overlayer_lowered  }
0x9b: {  	s22 =	simm.s32 $0x1BFF;
	s21 =	sshll.u32 s5, $0x1;
	s2 =	sadd.s32 s19, s18  }
0x9c: {  	s6 =	simm.s32 $0x0;
	s20 =	sshll.u32 s4, $0x1;
	s4 =	sadd.s32 s21, s2  }
0x9d: {  	[timem:s6], [sflag:s22] =	dma.local [hbm:s4], s20  }
0x9e: {  	_ =	swait.ge [sflag:s22], s20  }
0x9f: {  	s3 =	ssub.s32 $0x0, s20;
	[sflag:s22] =	ssyncset.done $0x0  }
0xa0: {  	[sflag:s22] =	ssyncadd.s32 s3;
	_ =	sdelay $0x1  }
0xa1: {  	s23 =	simm.s32 $0x1B8B  }
0xa2: {  	_ =	swait.ge [sflag:s23], $0x1  }
0xa3: {  	[sflag:s23] =	ssyncset.done $0x0  }
0xa4: {  	s25 =	simm.s32 $0x1B8E;
	s24 =	sld [smem:$0x3FFE];
	[sflag:s23] =	ssyncadd.s32 $0xFFFFFFFF  }
0xa5: {  	s26 =	simm.s32 $execute0_lowered;
	[smem:$0x3FD2] =	sst s25  }
0xa6: {  	s4 =	sshll.u32 s26, $0x1;
	_ =	strace $0x8000004C;
	[dreg:$0x1] =	wrdreg $0xFFFFFFFF  }
0xa7: {  	s28 =	simm.s32 $_size_execute0_lowered;
	s2 =	sadd.s32 s2, s4;
	[dreg:$0x0] =	wrdreg $0x0  }
0xa8: {  	s4 =	sshll.u32 s28, $0x1;
	[dreg:$0x2] =	wrdreg s2  }
0xa9: {  	[dreg:$0x3] =	wrdreg s4  }
0xaa: {  	[dreg:$0x4] =	wrdreg $0xC0  }
0xab: {  	_ =	task [dreg:s6], $0x5FFFF  }
0xac: {  	[dreg:$0x1] =	wrdreg $0xFFFFFFFF  }
0xad: {  	[dreg:$0x0] =	wrdreg $0x60  }
0xae: {  	[dreg:$0x2] =	wrdreg s24  }
0xaf: {  	[dreg:$0x3] =	wrdreg $0xA9000  }
0xb0: {  	[dreg:$0x4] =	wrdreg $0x9  }
0xb1: {  	_ =	task.clear_ibuf [dreg:s6], $0x5FFFF;
	_ =	strace $0x9000004C  }
0xb2: {  	s29 =	simm.s32 $0x9;
	_ =	strace $0x8000004E  }
0xb3: {  	_ =	swait.ge [sflag:s29], $0x1  }
0xb4: {  	[sflag:s29] =	ssyncadd.s32 $0xFFFFFFFF  }
0xb5: {  	_ =	strace $0x9000004E  }
0xb6: {  	_ =	sfence  }
0xb7: {  	s30 =	sld [smem:$0x0];
	_ =	sdelay $0x2  }
0xb8: {  	s31 =	sshll.u32 s1, $0xD;
	s1 =	sshrl.u32 s1, $0x2  }
0xb9: {  	s3 =	sand.u32 $0x4000, s31;
	s1 =	sadd.s32 s1, s30  }
0xba: {  	s0 =	sor.u32 s3, s0;
	s1 =	sshll.u32 s1, $0x11  }
0xbb: {  	s0 =	sor.u32 s1, s0  }
0xbc: {  	s0 =	sadd.s32 $0x8F2B, s0  }
0xbd: {  	[sflag:s0] =	ssyncadd.remote.s32 $0x1  }
0xbe: {  	_ =	sfence.sel $0xFFFF  }
0xbf: {  	[dreg:$0x0] =	wrdreg $0xFFFFFFFF;
	(pc) =	sbr.abs _section_cstart, $3  }
0xc0: {  	[dreg:$0x1] =	wrdreg $0xFFFFFFFF  }
0xc1: {  	_ =	task.clear_ibuf [dreg:s6], $0x2FFFF;
	_ =	strace $0x9FFFFFFF  }
0xc2: {  	(tm) =	ssettm $0x7FFFFFFF  }
0xc3: {  	_ =	shalt  }
tec
execute0_lowered:
.L_overlay_start_1:
0x0: {  	(tag) =	ssettag $0x1  }
0x1: {  	s1 =	srdreg.scid;
	s7 =	rddreg [dreg:$0x0]  }
0x2: {  	s0 =	stileid.u32;
	s2 =	rddreg [dreg:$0x1]  }
0x3: {  	s15 =	simm.s32 $0x3;
	s16 =	simm.s32 $0x2900;
	s17 =	simm.s32 $0x6900  }
0x4: {  	s18 =	simm.s32 $0x2800;
	s19 =	simm.s32 $0x1;
	s20 =	simm.s32 $0x2  }
0x5: {  	s21 =	simm.s32 $0x2880;
	s5 =	sand.u32 $0x1, s1;
	s10 =	smul.u32 $0x14000, s0  }
0x6: {  	s25 =	sshll.u32 s0, $0x1;
	s26 =	sshrl.u32 s0, $0x2;
	s11 =	smul.u32 $0x50000, s0  }
0x7: {  	s22 =	simm.s32 $0x0;
	s6 =	sor.u32 s5, s25;
	s4 =	smul.u32 $0x14000, s26  }
0x8: {  	s28 =	smul.u32 $0x140000, s5;
	s29 =	ssub.s32 $0x2, s5;
	s3 =	sshll.u32 s6, $0x7  }
0x9: {  	s12 =	sshrl.u32 s29, $0x1;
	s5 =	smul.u32 $0x2800, s6;
	s6 =	sadd.s32 $0x38400, s7  }
0xa: {  	s30 =	sshrl.u32 s11, $0x2;
	s8 =	sand.u32 $0x380, s3;
	s3 =	simm.s32 $0x0  }
0xb: {  	s12 =	ssub.s32 s29, s12;
	s4 =	sor.u32 s4, s8;
	[smem:$0x7FF] =	sst s3  }
0xc: {  	s8 =	sadd.s32 s10, s28;
	s31 =	sshrl.u32 s5, $0x3;
	s11 =	smax.u32 s12, $0x1  }
0xd: {  	s9 =	sshrl.u32 s4, $0x3;
	_ =	strace $0x8000004D;
	s4 =	sadd.s32 $0x6A400, s7  }
0xe: {  	s8 =	sshrl.u32 s8, $0x3;
	s10 =	sadd.s32 s6, s31;
	s9 =	sadd.s32 s9, s7  }
0xf: {  	s13 =	sadd.s32 s8, s7;
	s8 =	sadd.s32 s30, s2;
	s12 =	sadd.s32 $0x4F0, s10  }
0x10: {  	v0 =	vimm.f32 $0.0e+00;
	s7 =	sadd.s32 $0x24400, s9;
	s9 =	sadd.s32 $0x92400, s13;
	s13 =	simm.s32 $0x80  }
.LBB2_1:
0x11: {  	s0 =	simm.s32 $0x400  }
0x12: {  	[tilespmem:s3], [sflag:$0x3] =	stream.strided.gather [hbm4b:s7+s13], $0x2800, s0, s13, $0x38;
	[tilespmem:$0x1E900] =	vst v63  }
0x13: {  	_ =	swait.ge [sflag:s15], $0x2800  }
0x14: {  	[sflag:s15] =	ssyncset.done $0x0  }
0x15: {  	s23 =	simm.s32 $0x0;
	s24 =	simm.s32 $0x200;
	[sflag:s15] =	ssyncadd.s32 $0xFFFFD800  }
.LBB2_2:
0x16: {  	p0 =	sne.s32 s24, $0x1E00;
	[tilespmem:s23+$0x2970] =	vst v0  }
0x17: {  	[tilespmem:s23+$0x2900] =	vst v0  }
0x18: {  	[tilespmem:s23+$0x2910] =	vst v0  }
.Ltmp0:
0x19: {  	[tilespmem:s23+$0x2920] =	vst v0;
	(pc) =	sbr.rel @p0 .LBB2_2-.Ltmp0, $4  }
0x1a: {  	[tilespmem:s23+$0x2930] =	vst v0  }
0x1b: {  	[tilespmem:s23+$0x2940] =	vst v0  }
0x1c: {  	[tilespmem:s23+$0x2950] =	vst v0  }
0x1d: {  	[tilespmem:s23+$0x2960] =	vst v0;
	s23 =	sshra.s32 s24, $0x2;
	s24 =	sadd.s32 $0x200, s24  }
0x1e: {  	[tilespmem:s23+$0x2970] =	vst v0  }
0x1f: {  	[tilespmem:s23+$0x2900] =	vst v0  }
0x20: {  	[tilespmem:s23+$0x2910] =	vst v0  }
0x21: {  	[tilespmem:s23+$0x2920] =	vst v0  }
0x22: {  	[tilespmem:s23+$0x2930] =	vst v0  }
0x23: {  	[tilespmem:s23+$0x2940] =	vst v0  }
0x24: {  	[tilespmem:s23+$0x2950] =	vst v0  }
0x25: {  	[tilespmem:s23+$0x2960] =	vst v0;
	s31 =	sadd.s32 $0x0, s8  }
0x26: {  	[spmem:s31] =	stream.linear.scatter [tilespmem:s16], [sflag:$0x3], $0x800, $0x38;
	[tilespmem:$0x1E900] =	vst v63  }
0x27: {  	s23 =	simm.s32 $0x2000;
	_ =	swait.ge [sflag:s15], $0x800  }
.LBB2_4:
0x28: {  	s24 =	sshra.s32 s23, $0x2;
	[sflag:s15] =	ssyncset.done $0x0;
	p0 =	sne.s32 s23, $0x4E000  }
.Ltmp1:
0x29: {  	s24 =	sadd.s32 s24, s8;
	[sflag:s15] =	ssyncadd.s32 $0xFFFFF800;
	(pc) =	sbr.rel @p0 .LBB2_4-.Ltmp1, $3  }
0x2a: {  	[spmem:s24] =	stream.linear.scatter [tilespmem:s16], [sflag:$0x3], $0x800, $0x38;
	[tilespmem:$0x1E900] =	vst v63  }
0x2b: {  	s23 =	sadd.s32 $0x2000, s23;
	_ =	sdelay $0x1  }
0x2c: {  	_ =	swait.ge [sflag:s15], $0x800  }
0x2d: {  	[sflag:s15] =	ssyncset.done $0x0  }
0x2e: {  	[sflag:s15] =	ssyncadd.s32 $0xFFFFF800  }
0x2f: {  	s25 =	simm.s32 $0x80;
	s23 =	simm.s32 $0x1;
	[bflag:$0x0] =	sbarrier.arrive $0xFFFF  }
0x30: {  	[tilespmem:s16], [sflag:$0x1] =	stream.indirect.gather [hbm4b:s4+s25], $0x80, s3, s25, $0xb8;
	[tilespmem:$0x1E900] =	vst v63  }
0x31: {  	_ =	swait.ge [sflag:s23], $0x4000  }
0x32: {  	[sflag:s23] =	ssyncset.done $0x0  }
0x33: {  	[sflag:s23] =	ssyncadd.s32 $0xFFFFC000  }
0x34: {  	[tilespmem:s17], [sflag:$0x1] =	stream.indirect.gather [hbm4b:s4+s25], $0x80, s25, s25, $0xb8;
	[tilespmem:$0x1E900] =	vst v63  }
0x35: {  	_ = 	snop  }
0x36: {  	[tilespmem:s18], [sflag:$0x3] =	stream.linear.gather [hbm4b:s10+s3], $0x80, $0x38;
	[tilespmem:$0x1E900] =	vst v63  }
0x37: {  	_ =	swait.ge [sflag:s15], $0x80  }
0x38: {  	s26 =	simm.s32 $0x4000;
	[sflag:s15] =	ssyncset.done $0x0  }
0x39: {  	s28 =	simm.s32 $0x100;
	s24 =	simm.s32 $0x8000;
	[sflag:s15] =	ssyncadd.s32 $0xFFFFFF80  }
0x3a: {  	[spmem:s2] =	stream.indirect.scatter.add.f32 [tilespmem:s16], [sflag:$0x2], $0x80, s18, s25, $0xb8;
	[tilespmem:$0x1E900] =	vst v63  }
0x3b: {  	s29 =	sand.u32 $0x1, s23;
	s26 =	sxor.u32 $0xFFFFFFFF, s26;
	_ =	swait.ge [sflag:s19], $0x4000  }
0x3c: {  	p0 =	seq.s32 s29, $0x1;
	s26 =	sand.u32 $0x4000, s26;
	[sflag:s19] =	ssyncset.done $0x0  }
0x3d: {  	s29 =	sand.u32 @p0 $0x3C00, s25;
	s30 =	sand.u32 @p0 $0x380, s25;
	[sflag:s19] =	ssyncadd.s32 $0xFFFFC000  }
0x3e: {  	s26 =	sor.u32 $0x2900, s26;
	s29 =	sadd.s32 @p0 s5, s29;
	_ =	swait.ge [sflag:s20], $0x4000  }
0x3f: {  	s31 =	sand.u32 @!p0 $0x3C00, s25;
	s29 =	sor.u32 @p0 s30, s29;
	[sflag:s20] =	ssyncset.done $0x0  }
0x40: {  	s30 =	simm.s32 @p0 $0x3;
	s29 =	sshrl.u32 @p0 s29, $0x3;
	[sflag:s20] =	ssyncadd.s32 $0xFFFFC000  }
0x41: {  	[tilespmem:s26], [sflag:$0x1] =	stream.indirect.gather [hbm4b:s4+s13], $0x80, s28, s13, $0xb8;
	[tilespmem:$0x1E900] =	vst v63  }
0x42: {  	s29 =	sadd.s32 @p0 s6, s29;
	s26 =	simm.s32 @p0 $0x0;
	s28 =	simm.s32 @p0 $0x2880  }
0x43: {  	[tilespmem:s28], [sflag:$0x3] =	stream.linear.gather @p0 [hbm4b:s29+s26], $0x80, $0x38;
	[tilespmem:$0x1E900] =	vst v63  }
0x44: {  	s25 =	sand.u32 @!p0 $0x300, s25;
	s26 =	sadd.s32 @!p0 s5, s31;
	s29 =	simm.s32 @p0 $0x6900  }
0x45: {  	s31 =	simm.s32 @!p0 $0x2900;
	_ =	swait.ge @p0 [sflag:s30], $0x80;
	s25 =	sor.u32 @!p0 s25, s26  }
0x46: {  	s26 =	simm.s32 @p0 $0x80;
	[sflag:s30] =	ssyncset.done @p0 $0x0;
	s25 =	sshrl.u32 @!p0 s25, $0x3  }
0x47: {  	[sflag:s30] =	ssyncadd.s32 @p0 $0xFFFFFF80;
	s25 =	sadd.s32 @!p0 s6, s25;
	s30 =	simm.s32 @!p0 $0x2800  }
0x48: {  	[spmem:s2] =	stream.indirect.scatter.add.f32 @p0 [tilespmem:s29], [sflag:$0x2], $0x80, s28, s26, $0xb8;
	[tilespmem:$0x1E900] =	vst v63  }
0x49: {  	s26 =	simm.s32 @!p0 $0x0;
	s28 =	simm.s32 @!p0 $0x3;
	s29 =	simm.s32 @!p0 $0x80  }
0x4a: {  	[tilespmem:s30], [sflag:$0x3] =	stream.linear.gather @!p0 [hbm4b:s25+s26], $0x80, $0x38;
	[tilespmem:$0x1E900] =	vst v63  }
0x4b: {  	s25 =	simm.s32 $0x100;
	s26 =	simm.s32 $0x180;
	_ =	swait.ge @!p0 [sflag:s28], $0x80  }
.LBB2_6:
0x4c: {  	[sflag:s28] =	ssyncset.done @!p0 $0x0  }
0x4d: {  	s23 =	sadd.s32 $0x1, s23;
	s1 =	smov.u32 s24;
	s24 =	sadd.s32 $0x4000, s24  }
0x4e: {  	p1 =	sne.s32 s24, $0x13C000;
	[sflag:s28] =	ssyncadd.s32 @!p0 $0xFFFFFF80  }
0x4f: {  	[spmem:s2] =	stream.indirect.scatter.add.f32 @!p0 [tilespmem:s31], [sflag:$0x2], $0x80, s30, s29, $0xb8;
	[tilespmem:$0x1E900] =	vst v63  }
0x50: {  	s28 =	sand.u32 $0x1, s23;
	_ =	swait.ge [sflag:s19], $0x4000  }
0x51: {  	s1 =	sxor.u32 $0xFFFFFFFF, s1;
	p0 =	seq.s32 s28, $0x1;
	[sflag:s19] =	ssyncset.done $0x0  }
0x52: {  	s1 =	sand.u32 $0x4000, s1;
	s29 =	sand.u32 @p0 $0x3C00, s25;
	[sflag:s19] =	ssyncadd.s32 $0xFFFFC000  }
0x53: {  	s28 =	simm.s32 @!p0 $0x3;
	s1 =	sor.u32 $0x2900, s1;
	_ =	swait.ge [sflag:s20], $0x4000  }
0x54: {  	s30 =	sand.u32 @p0 $0x380, s25;
	s29 =	sadd.s32 @p0 s5, s29;
	[sflag:s20] =	ssyncset.done $0x0  }
0x55: {  	s31 =	simm.s32 @p0 $0x2880;
	s0 =	sand.u32 @!p0 $0x3C00, s25;
	[sflag:s20] =	ssyncadd.s32 $0xFFFFC000  }
0x56: {  	s14 =	sand.u32 @!p0 $0x300, s25;
	s29 =	sor.u32 @p0 s30, s29;
	s30 =	simm.s32 @p0 $0x0  }
0x57: {  	[tilespmem:s1], [sflag:$0x1] =	stream.indirect.gather [hbm4b:s4+s13], $0x80, s26, s13, $0xb8;
	[tilespmem:$0x1E900] =	vst v63  }
0x58: {  	s0 =	sadd.s32 @!p0 s5, s0;
	s1 =	sshrl.u32 @p0 s29, $0x3;
	s29 =	simm.s32 @p0 $0x3  }
0x59: {  	s0 =	sor.u32 @!p0 s14, s0;
	s1 =	sadd.s32 @p0 s6, s1  }
0x5a: {  	[tilespmem:s31], [sflag:$0x3] =	stream.linear.gather @p0 [hbm4b:s1+s30], $0x80, $0x38;
	[tilespmem:$0x1E900] =	vst v63  }
0x5b: {  	s0 =	sshrl.u32 @!p0 s0, $0x3;
	s1 =	simm.s32 @p0 $0x6900;
	_ =	swait.ge @p0 [sflag:s29], $0x80  }
0x5c: {  	s14 =	simm.s32 @p0 $0x80;
	s0 =	sadd.s32 @!p0 s6, s0;
	[sflag:s29] =	ssyncset.done @p0 $0x0  }
.Ltmp2:
0x5d: {  	[sflag:s29] =	ssyncadd.s32 @p0 $0xFFFFFF80;
	s29 =	simm.s32 @!p0 $0x80;
	(pc) =	sbr.rel @p1 .LBB2_6-.Ltmp2, $4  }
0x5e: {  	[spmem:s2] =	stream.indirect.scatter.add.f32 @p0 [tilespmem:s1], [sflag:$0x2], $0x80, s31, s14, $0xb8;
	[tilespmem:$0x1E900] =	vst v63  }
0x5f: {  	s30 =	simm.s32 @!p0 $0x2800;
	s1 =	simm.s32 @!p0 $0x0;
	s31 =	simm.s32 @!p0 $0x2900  }
0x60: {  	[tilespmem:s30], [sflag:$0x3] =	stream.linear.gather @!p0 [hbm4b:s0+s1], $0x80, $0x38;
	[tilespmem:$0x1E900] =	vst v63  }
0x61: {  	s25 =	sadd.s32 $0x80, s25;
	s26 =	sadd.s32 $0x80, s26;
	_ =	swait.ge @!p0 [sflag:s28], $0x80  }
0x62: {  	[sflag:s28] =	ssyncset.done @!p0 $0x0  }
0x63: {  	[sflag:s28] =	ssyncadd.s32 @!p0 $0xFFFFFF80  }
0x64: {  	[spmem:s2] =	stream.indirect.scatter.add.f32 @!p0 [tilespmem:s31], [sflag:$0x2], $0x80, s30, s29, $0xb8;
	[tilespmem:$0x1E900] =	vst v63  }
0x65: {  	_ =	swait.ge [sflag:s19], $0x4000  }
0x66: {  	[sflag:s19] =	ssyncset.done $0x0  }
0x67: {  	[sflag:s19] =	ssyncadd.s32 $0xFFFFC000  }
0x68: {  	_ =	swait.ge [sflag:s20], $0x4000  }
0x69: {  	[sflag:s20] =	ssyncset.done $0x0  }
0x6a: {  	[sflag:s20] =	ssyncadd.s32 $0xFFFFC000  }
0x6b: {  	[tilespmem:s21], [sflag:$0x3] =	stream.linear.gather [hbm4b:s12+s3], $0x80, $0x38;
	[tilespmem:$0x1E900] =	vst v63  }
0x6c: {  	_ =	swait.ge [sflag:s15], $0x80  }
0x6d: {  	[sflag:s15] =	ssyncset.done $0x0  }
0x6e: {  	[sflag:s15] =	ssyncadd.s32 $0xFFFFFF80  }
0x6f: {  	[spmem:s2] =	stream.indirect.scatter.add.f32 [tilespmem:s17], [sflag:$0x2], $0x80, s21, s13, $0xb8;
	[tilespmem:$0x1E900] =	vst v63  }
0x70: {  	s0 =	stileid.u32;
	_ =	swait.ge [sflag:s20], $0x4000  }
0x71: {  	s1 =	sshrl.u32 s8, $0x3;
	s22 =	sadd.s32 $0x1, s22;
	[sflag:s20] =	ssyncset.done $0x0  }
0x72: {  	s0 =	sshll.u32 s0, $0x6;
	p0 =	sne.s32 s22, s11;
	[sflag:s20] =	ssyncadd.s32 $0xFFFFC000  }
.Ltmp3:
0x73: {  	s0 =	sor.u32 $0x1C03, s0;
	[bflag:$0x0] =	sbarrier.arrive $0xFFFF;
	(pc) =	sbr.rel @p0 .LBB2_1-.Ltmp3, $4  }
0x74: {  	[hbm:s9], [sflag:s0] =	dma.local [spmem:s1], $0x2800  }
0x75: {  	_ =	swait.ge [sflag:s15], $0x2800  }
0x76: {  	[sflag:s15] =	ssyncset.done $0x0  }
0x77: {  	[sflag:s15] =	ssyncadd.s32 $0xFFFFD800  }
0x78: {  	_ =	sfence.sel $0x180000  }
0x79: {  	[bflag:$0x0] =	sbarrier.arrive $0xFFFF  }
0x7a: {  	_ =	strace $0x9000004D  }
0x7b: {  	s0 =	stileid.u32;
	[bflag:$0x2] =	sbarrier.arrive $0xFFFF  }
0x7c: {  	p0 =	sne.s32 s0, $0x0;
	s0 =	rddreg [dreg:$0x2]  }
0x7d: {  	s0 =	sadd.s32 @!p0 $0x100000, s0  }
0x7e: {  	[sflag:s0] =	ssyncadd.tile.s32 @!p0 $0x1;
	_ =	shalt  }
.Lfunc_end2:
_tile_overlayer_lowered:
.L_overlay_start_2:
0x7f: {  	(tag) =	ssettag $0x2  }
0x80: {  	s0 =	rddreg [dreg:$0x0];
	s2 =	stileid.u32  }
0x81: {  	s1 =	rddreg [dreg:$0x1];
	p0 =	sne.s32 s2, $0x0  }
0x82: {  	s3 =	rddreg [dreg:$0x2];
	[bflag:$0x3] =	sbarrier.arrive $0xFFFF;
	s2 =	simm.s32 @!p0 $0x1C03  }
0x83: {  	[timem:s3], [sflag:s2] =	dma.local @!p0 [hbm:s0], s1  }
0x84: {  	s0 =	simm.s32 @!p0 $0x3  }
0x85: {  	_ =	swait.ge @!p0 [sflag:s0], s1  }
0x86: {  	s1 =	ssub.s32 @!p0 $0x0, s1;
	[sflag:s0] =	ssyncset.done @!p0 $0x0  }
0x87: {  	[sflag:s0] =	ssyncadd.s32 @!p0 s1  }
0x88: {  	[bflag:$0x3] =	sbarrier.arrive $0xFFFF  }
0x89: {  	_ =	shalt  }

// kernel: kernel.8.cloned.1.call-start
scs
__scs_entry_jumppad:
0x0: {  	(pc) =	sbr.rel $0x88, $3  }
0x1: {  	(tag) =	ssettag $0x0;
	lr =	simm.s32 $0x1  }
0x2: {  	[smem:$0x3F99] =	sst lr;
	_ =	strace $0xD0000000  }
0x3: {  	_ = 	snop  }
0x4: {  	_ = 	snop  }
0x5: {  	_ = 	snop  }
0x6: {  	_ = 	snop  }
0x7: {  	_ = 	snop  }
__scs_overlays_trampoline_lowered:
0x8: {  	[smem:$0x3FA8] =	sst s0  }
0x9: {  	[smem:$0x3FA9] =	sst s1  }
0xa: {  	[smem:$0x3FAA] =	sst s2  }
0xb: {  	[smem:$0x3FAB] =	sst s3  }
0xc: {  	[smem:$0x3FAC] =	sst s4  }
0xd: {  	[smem:$0x3FAD] =	sst s5  }
0xe: {  	[smem:$0x3FAE] =	sst s6  }
0xf: {  	[smem:$0x3FAF] =	sst s7  }
0x10: {  	[smem:$0x3FB0] =	sst s8  }
0x11: {  	[smem:$0x3FB1] =	sst s9;
	s0 =	simm.s32 @!p0 $0x0  }
0x12: {  	s1 =	sld [smem:$0x3F97];
	s0 =	simm.s32 @p0 $0x1  }
0x13: {  	[smem:$0x3FB2] =	sst s0;
	s0 =	simm.s32 @!p1 $0x0  }
0x14: {  	s2 =	sld [smem:$0x3F96];
	s0 =	simm.s32 @p1 $0x1  }
0x15: {  	[smem:$0x3FB3] =	sst s0;
	s0 =	simm.s32 @!p2 $0x0  }
0x16: {  	s3 =	sld [smem:$0x3FDB];
	s0 =	simm.s32 @p2 $0x1  }
0x17: {  	s4 =	simm.s32 $0x1BF5;
	[smem:$0x3FB5] =	sst s0  }
0x18: {  	s0 =	sld [smem:$0x3F98];
	_ =	swait.ge [sflag:s4], $0x0  }
0x19: {  	s7 =	sld [smem:$0x3F99]  }
0x1a: {  	s8 =	sadd.s32 $0xFFFFE003, lr  }
0x1b: {  	s9 =	sadd.s32 $0xFFFFFEF7, lr;
	s5 =	simm.s32 $0xFFFFFFFF;
	p2 =	slt.u32 s8, $0xFFFFF086  }
0x1c: {  	p1 =	slt.u32 s9, $0xF7A;
	s5 =	simm.s32 @!p2 $0x0  }
0x1d: {  	s5 =	simm.s32 @p1 $0x1;
	p0 =	seq.s32 s7, s2  }
0x1e: {  	s7 =	smul.u32 @!p0 $0xF7A, s2;
	p2 =	seq.s32 @!p0 s5, $0x0  }
0x1f: {  	s9 =	smul.u32 $0xF7A, s1;
	s8 =	simm.s32 @!p0 $0x1BF5;
	p2 =	por !p2, p0  }
0x20: {  	[sflag:s8] =	ssyncset.s32 @!p0 $0xFFFFF086;
	s6 =	sadd.s32 @!p0 s3, s7;
	s7 =	simm.s32 @!p0 $0x108  }
0x21: {  	s3 =	sadd.s32 s3, s9;
	s6 =	sadd.s32 @!p0 $0x88, s6;
	s7 =	simm.s32 @p2 $0x1082  }
0x22: {  	[simem:s7], [sflag:s8] =	dma.local @!p0 [hbm:s6], $0xF7A  }
0x23: {  	s9 =	sor.u32 $0xD0000000, s2;
	s6 =	simm.s32 $0x108;
	_ =	swait.ge @!p0 [sflag:s8], $0x0  }
0x24: {  	s3 =	sadd.s32 $0x88, s3;
	s6 =	simm.s32 @!p1 $0x1082;
	[sflag:s4] =	ssyncset.s32 $0xFFFFF086  }
0x25: {  	[simem:s6], [sflag:s4] =	dma.local [hbm:s3], $0xF7A  }
0x26: {  	[smem:$0x3F99] =	sst s1;
	(tag) =	ssettag s2;
	_ =	strace s9  }
0x27: {  	s1 =	sld [smem:$0x3FA9]  }
0x28: {  	s2 =	sld [smem:$0x3FAA]  }
0x29: {  	s4 =	sld [smem:$0x3FAC]  }
0x2a: {  	p0 =	seq.s32 s5, $0x0;
	s5 =	sld [smem:$0x3FAD]  }
0x2b: {  	s6 =	sld [smem:$0x3FAE]  }
0x2c: {  	s7 =	sld [smem:$0x3FAF]  }
0x2d: {  	s3 =	simm.s32 $0x108;
	s8 =	sld [smem:$0x3FB0]  }
0x2e: {  	s3 =	simm.s32 @!p0 $0x1082;
	s9 =	sld [smem:$0x3FB1]  }
0x2f: {  	lr =	sadd.s32 s0, s3;
	s0 =	sld [smem:$0x3FA8]  }
0x30: {  	s3 =	sld [smem:$0x3FAB]  }
0x31: {  	[smem:$0x3FB4] =	sst s10  }
0x32: {  	s10 =	sld [smem:$0x3FB2];
	_ =	sdelay $0x3  }
0x33: {  	p0 =	seq.s32 s10, $0x1;
	s10 =	sld [smem:$0x3FB4];
	_ =	sdelay $0x3  }
0x34: {  	[smem:$0x3FB4] =	sst s10  }
0x35: {  	s10 =	sld [smem:$0x3FB3];
	_ =	sdelay $0x3  }
0x36: {  	p1 =	seq.s32 s10, $0x1;
	s10 =	sld [smem:$0x3FB4];
	_ =	sdelay $0x3  }
0x37: {  	[smem:$0x3FB4] =	sst s10  }
0x38: {  	s10 =	sld [smem:$0x3FB5]  }
0x39: {  	_ = 	snop;
	(pc) =	sbr.ind lr, $3  }
0x3a: {  	_ = 	snop  }
0x3b: {  	_ = 	snop  }
0x3c: {  	p2 =	seq.s32 s10, $0x1;
	s10 =	sld [smem:$0x3FB4]  }
0x3d: {  	_ =	shalt  }
0x3e: {  	_ =	shalt  }
0x3f: {  	_ =	shalt  }
0x40: {  	_ =	shalt  }
0x41: {  	_ =	shalt  }
0x42: {  	_ =	shalt  }
0x43: {  	_ =	shalt  }
0x44: {  	_ =	shalt  }
0x45: {  	_ =	shalt  }
0x46: {  	_ =	shalt  }
0x47: {  	_ =	shalt  }
0x48: {  	_ =	shalt  }
0x49: {  	_ =	shalt  }
0x4a: {  	_ =	shalt  }
0x4b: {  	_ =	shalt  }
0x4c: {  	_ =	shalt  }
0x4d: {  	_ =	shalt  }
0x4e: {  	_ =	shalt  }
0x4f: {  	_ =	shalt  }
0x50: {  	_ =	shalt  }
0x51: {  	_ =	shalt  }
0x52: {  	_ =	shalt  }
0x53: {  	_ =	shalt  }
0x54: {  	_ =	shalt  }
0x55: {  	_ =	shalt  }
0x56: {  	_ =	shalt  }
0x57: {  	_ =	shalt  }
0x58: {  	_ =	shalt  }
0x59: {  	_ =	shalt  }
0x5a: {  	_ =	shalt  }
0x5b: {  	_ =	shalt  }
0x5c: {  	_ =	shalt  }
0x5d: {  	_ =	shalt  }
0x5e: {  	_ =	shalt  }
0x5f: {  	_ =	shalt  }
0x60: {  	_ =	shalt  }
0x61: {  	_ =	shalt  }
0x62: {  	_ =	shalt  }
0x63: {  	_ =	shalt  }
0x64: {  	_ =	shalt  }
0x65: {  	_ =	shalt  }
0x66: {  	_ =	shalt  }
0x67: {  	_ =	shalt  }
0x68: {  	_ =	shalt  }
0x69: {  	_ =	shalt  }
0x6a: {  	_ =	shalt  }
0x6b: {  	_ =	shalt  }
0x6c: {  	_ =	shalt  }
0x6d: {  	_ =	shalt  }
0x6e: {  	_ =	shalt  }
0x6f: {  	_ =	shalt  }
0x70: {  	_ =	shalt  }
0x71: {  	_ =	shalt  }
0x72: {  	_ =	shalt  }
0x73: {  	_ =	shalt  }
0x74: {  	_ =	shalt  }
0x75: {  	_ =	shalt  }
0x76: {  	_ =	shalt  }
0x77: {  	_ =	shalt  }
0x78: {  	_ =	shalt  }
0x79: {  	_ =	shalt  }
0x7a: {  	_ =	shalt  }
0x7b: {  	_ =	shalt  }
0x7c: {  	_ =	shalt  }
0x7d: {  	_ =	shalt  }
0x7e: {  	_ =	shalt  }
0x7f: {  	_ =	shalt  }
0x80: {  	_ =	shalt  }
0x81: {  	_ =	shalt  }
0x82: {  	_ =	shalt  }
0x83: {  	_ =	shalt  }
0x84: {  	_ =	shalt  }
0x85: {  	_ =	shalt  }
0x86: {  	_ =	shalt  }
0x87: {  	_ =	shalt  }
.Lfunc_end0:
.L_simem_size_0:
called_computation_lowered:
.L_overlay_start_0:
0x88: {  	s2 =	sld [smem:$0x3FD9]  }
0x89: {  	s3 =	sld [smem:$0x3FFE];
	_ =	sdelay $0x1  }
0x8a: {  	s1 =	srdreg.scid  }
0x8b: {  	s0 =	sand.u32 $0x1, s1  }
0x8c: {  	s16 =	sshll.u32 s0, $0xA;
	s2 =	sadd.s32 s3, s2  }
0x8d: {  	s2 =	sadd.s32 s2, s16  }
0x8e: {  	[smem:$0x3FC0] =	sst s2  }
0x8f: {  	_ = 	snop  }
0x90: {  	(tm) =	ssettm $0x1  }
0x91: {  	s17 =	sld [smem:$0x3FFB];
	_ =	sdelay $0x3  }
0x92: {  	_ =	strace s17  }
0x93: {  	s2 =	sld [smem:$0x3FFC];
	_ =	sdelay $0x3  }
0x94: {  	_ =	strace s2  }
0x95: {  	s2 =	sld [smem:$0x3FFD];
	_ =	sdelay $0x3  }
0x96: {  	_ =	strace s2  }
0x97: {  	_ =	strace $0x8FFFFFFF  }
0x98: {  	s18 =	sld [smem:$0x3FDB];
	_ =	sdelay $0x1  }
0x99: {  	s19 =	simm.s32 $_scs_section_size  }
0x9a: {  	s4 =	simm.s32 $_size__tile_overlayer_lowered;
	s5 =	simm.s32 $_tile_overlayer_lowered  }
0x9b: {  	s22 =	simm.s32 $0x1BFF;
	s21 =	sshll.u32 s5, $0x1;
	s2 =	sadd.s32 s19, s18  }
0x9c: {  	s6 =	simm.s32 $0x0;
	s20 =	sshll.u32 s4, $0x1;
	s4 =	sadd.s32 s21, s2  }
0x9d: {  	[timem:s6], [sflag:s22] =	dma.local [hbm:s4], s20  }
0x9e: {  	_ =	swait.ge [sflag:s22], s20  }
0x9f: {  	s3 =	ssub.s32 $0x0, s20;
	[sflag:s22] =	ssyncset.done $0x0  }
0xa0: {  	[sflag:s22] =	ssyncadd.s32 s3;
	_ =	sdelay $0x1  }
0xa1: {  	s23 =	simm.s32 $0x1B8B  }
0xa2: {  	_ =	swait.ge [sflag:s23], $0x1  }
0xa3: {  	[sflag:s23] =	ssyncset.done $0x0  }
0xa4: {  	s25 =	simm.s32 $0x1B8E;
	s24 =	sld [smem:$0x3FFE];
	[sflag:s23] =	ssyncadd.s32 $0xFFFFFFFF  }
0xa5: {  	s26 =	simm.s32 $execute0_lowered;
	[smem:$0x3FD2] =	sst s25  }
0xa6: {  	s4 =	sshll.u32 s26, $0x1;
	_ =	strace $0x80000046;
	[dreg:$0x1] =	wrdreg $0xFFFFFFFF  }
0xa7: {  	s28 =	simm.s32 $_size_execute0_lowered;
	s2 =	sadd.s32 s2, s4;
	[dreg:$0x0] =	wrdreg $0x0  }
0xa8: {  	s4 =	sshll.u32 s28, $0x1;
	[dreg:$0x2] =	wrdreg s2  }
0xa9: {  	[dreg:$0x3] =	wrdreg s4  }
0xaa: {  	[dreg:$0x4] =	wrdreg $0xC0  }
0xab: {  	_ =	task [dreg:s6], $0x5FFFF  }
0xac: {  	[dreg:$0x1] =	wrdreg $0xFFFFFFFF  }
0xad: {  	[dreg:$0x0] =	wrdreg $0x60  }
0xae: {  	[dreg:$0x2] =	wrdreg s24  }
0xaf: {  	[dreg:$0x3] =	wrdreg $0xDA000  }
0xb0: {  	[dreg:$0x4] =	wrdreg $0x9  }
0xb1: {  	_ =	task.clear_ibuf [dreg:s6], $0x5FFFF;
	_ =	strace $0x90000046  }
0xb2: {  	s29 =	simm.s32 $0x9;
	_ =	strace $0x80000048  }
0xb3: {  	_ =	swait.ge [sflag:s29], $0x1  }
0xb4: {  	[sflag:s29] =	ssyncadd.s32 $0xFFFFFFFF  }
0xb5: {  	_ =	strace $0x90000048  }
0xb6: {  	_ =	sfence  }
0xb7: {  	s30 =	sld [smem:$0x0];
	_ =	sdelay $0x2  }
0xb8: {  	s31 =	sshll.u32 s1, $0xD;
	s1 =	sshrl.u32 s1, $0x2  }
0xb9: {  	s3 =	sand.u32 $0x4000, s31;
	s1 =	sadd.s32 s1, s30  }
0xba: {  	s0 =	sor.u32 s3, s0;
	s1 =	sshll.u32 s1, $0x11  }
0xbb: {  	s0 =	sor.u32 s1, s0  }
0xbc: {  	s0 =	sadd.s32 $0x8F2B, s0  }
0xbd: {  	[sflag:s0] =	ssyncadd.remote.s32 $0x1  }
0xbe: {  	_ =	sfence.sel $0xFFFF  }
0xbf: {  	[dreg:$0x0] =	wrdreg $0xFFFFFFFF;
	(pc) =	sbr.abs _section_cstart, $3  }
0xc0: {  	[dreg:$0x1] =	wrdreg $0xFFFFFFFF  }
0xc1: {  	_ =	task.clear_ibuf [dreg:s6], $0x2FFFF;
	_ =	strace $0x9FFFFFFF  }
0xc2: {  	(tm) =	ssettm $0x7FFFFFFF  }
0xc3: {  	_ =	shalt  }
tec
execute0_lowered:
.L_overlay_start_1:
0x0: {  	(tag) =	ssettag $0x1  }
0x1: {  	s3 =	rddreg [dreg:$0x0]  }
0x2: {  	s7 =	rddreg [dreg:$0x1]  }
0x3: {  	s0 =	rddreg [dreg:$0x2];
	s2 =	simm.s32 $0x0  }
0x4: {  	s4 =	srdreg.scid;
	s1 =	stileid.u32;
	s12 =	simm.s32 $0x1  }
0x5: {  	s13 =	simm.s32 $0x4000;
	s14 =	simm.s32 $0x8000;
	s15 =	simm.s32 $0xA800  }
0x6: {  	s16 =	simm.s32 $0x80;
	s17 =	simm.s32 $0x100;
	s18 =	simm.s32 $0xD000  }
0x7: {  	s19 =	simm.s32 $0xD280;
	s20 =	simm.s32 $0xD500;
	s21 =	simm.s32 $0xD780  }
0x8: {  	s22 =	simm.s32 $0x0;
	[smem:$0x7FF] =	sst s2;
	s8 =	smul.u32 $0x500, s1  }
0x9: {  	s4 =	sand.u32 $0x1, s4;
	s5 =	sshll.u32 s1, $0xC;
	s29 =	smul.u32 $0x14000, s1  }
0xa: {  	_ =	strace $0x80000047;
	s6 =	sshll.u32 s4, $0xB;
	s9 =	sshll.u32 s4, $0x7  }
0xb: {  	s4 =	ssub.s32 $0x2, s4;
	s5 =	sor.u32 s6, s5;
	s28 =	sor.u32 s9, s8  }
0xc: {  	s30 =	sshrl.u32 s4, $0x1;
	s31 =	sshrl.u32 s29, $0x2;
	s5 =	sadd.s32 s5, s3  }
0xd: {  	s6 =	sshrl.u32 s28, $0x3;
	s11 =	ssub.s32 s4, s30;
	s4 =	sadd.s32 s31, s7  }
0xe: {  	s7 =	sadd.s32 s8, s7;
	s10 =	sadd.s32 s6, s3;
	s3 =	sadd.s32 $0x3000, s5  }
0xf: {  	s5 =	sadd.s32 $0x13000, s5;
	s6 =	sadd.s32 $0x80, s4;
	s8 =	sadd.s32 $0x80, s7  }
0x10: {  	v0 =	vimm.f32 $0.0e+00;
	v1 =	vimm.f32 $1.000000000e+00;
	s11 =	smax.u32 s11, $0x1;
	s9 =	sadd.s32 $0x23000, s10;
	s10 =	sadd.s32 $0x23A00, s10  }
.LBB2_1:
0x11: {  	[tilespmem:s2], [sflag:$0x1] =	stream.linear.gather [hbm4b:s3+s2], $0x3E80, $0x38;
	[tilespmem:$0x12A00] =	vst v63  }
0x12: {  	_ =	swait.ge [sflag:s12], $0x3E80  }
0x13: {  	[sflag:s12] =	ssyncset.done $0x0  }
0x14: {  	[sflag:s12] =	ssyncadd.s32 $0xFFFFC180  }
0x15: {  	[tilespmem:s13], [sflag:$0x1] =	stream.linear.gather [hbm4b:s5+s2], $0x3E80, $0x38;
	[tilespmem:$0x12A00] =	vst v63  }
0x16: {  	_ =	swait.ge [sflag:s12], $0x3E80  }
0x17: {  	[sflag:s12] =	ssyncset.done $0x0  }
0x18: {  	s23 =	simm.s32 $0x0;
	[sflag:s12] =	ssyncadd.s32 $0xFFFFC180  }
.LBB2_2:
0x19: {  	p0 =	sne.s32 s23, $0x9FC0  }
.Ltmp0:
0x1a: {  	_ = 	snop;
	(pc) =	sbr.rel @p0 .LBB2_2-.Ltmp0, $4  }
0x1b: {  	_ = 	snop  }
0x1c: {  	s24 =	sshra.s32 s23, $0x2  }
0x1d: {  	[tilespmem:s24+$0x8000] =	vst v0  }
0x1e: {  	s23 =	sadd.s32 $0x40, s23;
	[tilespmem:s24+$0xA800] =	vst v0  }
0x1f: {  	s23 =	simm.s32 $0x0  }
.LBB2_4:
0x20: {  	s24 =	sshra.s32 s23, $0x2  }
0x21: {  	v2 =	vld [tilespmem:s24+$0x0]  }
0x22: {  	v3 =	vld [tilespmem:s24+$0x4000];
	_ =	sdelay $0x6  }
0x23: {  	[tilespmem:v2+s14+$0x0] =	vst.idx.add.f32.msk $0xffff, v1  }
0x24: {  	[tilespmem:v3+s15+$0x0] =	vst.idx.add.f32.msk $0xffff, v1  }
0x25: {  	v2 =	vld [tilespmem:s24+$0x10]  }
0x26: {  	v3 =	vld [tilespmem:s24+$0x4010];
	_ =	sdelay $0x6  }
0x27: {  	[tilespmem:v2+s14+$0x0] =	vst.idx.add.f32.msk $0xffff, v1  }
0x28: {  	[tilespmem:v3+s15+$0x0] =	vst.idx.add.f32.msk $0xffff, v1  }
0x29: {  	v2 =	vld [tilespmem:s24+$0x20]  }
0x2a: {  	v3 =	vld [tilespmem:s24+$0x4020];
	_ =	sdelay $0x6  }
0x2b: {  	[tilespmem:v2+s14+$0x0] =	vst.idx.add.f32.msk $0xffff, v1  }
0x2c: {  	[tilespmem:v3+s15+$0x0] =	vst.idx.add.f32.msk $0xffff, v1  }
0x2d: {  	v2 =	vld [tilespmem:s24+$0x30]  }
0x2e: {  	v3 =	vld [tilespmem:s24+$0x4030];
	_ =	sdelay $0x6  }
0x2f: {  	[tilespmem:v2+s14+$0x0] =	vst.idx.add.f32.msk $0xffff, v1  }
0x30: {  	[tilespmem:v3+s15+$0x0] =	vst.idx.add.f32.msk $0xffff, v1  }
0x31: {  	v2 =	vld [tilespmem:s24+$0x40]  }
0x32: {  	v3 =	vld [tilespmem:s24+$0x4040];
	_ =	sdelay $0x2  }
0x33: {  	p0 =	sne.s32 s23, $0xF800  }
.Ltmp1:
0x34: {  	_ = 	snop;
	(pc) =	sbr.rel @p0 .LBB2_4-.Ltmp1, $3  }
0x35: {  	_ =	sdelay $0x1  }
0x36: {  	[tilespmem:v2+s14+$0x0] =	vst.idx.add.f32.msk $0xffff, v1  }
0x37: {  	s23 =	sadd.s32 $0x200, s23;
	[tilespmem:v3+s15+$0x0] =	vst.idx.add.f32.msk $0xffff, v1  }
0x38: {  	[spmem:s4] =	stream.strided.scatter [tilespmem:s14], [sflag:$0x1], $0x2800, s17, s16, $0x38;
	[tilespmem:$0x12A00] =	vst v63  }
0x39: {  	_ =	swait.ge [sflag:s12], $0x2800  }
0x3a: {  	[sflag:s12] =	ssyncset.done $0x0  }
0x3b: {  	[sflag:s12] =	ssyncadd.s32 $0xFFFFD800  }
0x3c: {  	[spmem:s6] =	stream.strided.scatter [tilespmem:s15], [sflag:$0x1], $0x2800, s17, s16, $0x38;
	[tilespmem:$0x12A00] =	vst v63  }
0x3d: {  	_ =	swait.ge [sflag:s12], $0x2800  }
0x3e: {  	[sflag:s12] =	ssyncset.done $0x0  }
0x3f: {  	[sflag:s12] =	ssyncadd.s32 $0xFFFFD800  }
0x40: {  	[bflag:$0x0] =	sbarrier.arrive $0xFFFF  }
0x41: {  	[tilespmem:s18], [sflag:$0x1] =	stream.strided.gather [spmem:s7], $0x280, s17, s16, $0x38;
	[tilespmem:$0x12A00] =	vst v63  }
0x42: {  	_ =	swait.ge [sflag:s12], $0x280  }
0x43: {  	[sflag:s12] =	ssyncset.done $0x0  }
0x44: {  	[sflag:s12] =	ssyncadd.s32 $0xFFFFFD80  }
0x45: {  	[tilespmem:s19], [sflag:$0x1] =	stream.strided.gather [spmem:s8], $0x280, s17, s16, $0x38;
	[tilespmem:$0x12A00] =	vst v63  }
0x46: {  	_ =	swait.ge [sflag:s12], $0x280  }
0x47: {  	s23 =	sadd.s32 $0xFFFB5000, s7;
	[sflag:s12] =	ssyncset.done $0x0  }
0x48: {  	s24 =	sadd.s32 $0x50000, s23;
	[sflag:s12] =	ssyncadd.s32 $0xFFFFFD80  }
0x49: {  	[tilespmem:s20], [sflag:$0x1] =	stream.strided.gather [spmem:s24], $0x280, s17, s16, $0x38;
	[tilespmem:$0x12A00] =	vst v63  }
0x4a: {  	_ =	swait.ge [sflag:s12], $0x280  }
0x4b: {  	[sflag:s12] =	ssyncset.done $0x0  }
0x4c: {  	s23 =	sadd.s32 $0x50080, s23;
	[sflag:s12] =	ssyncadd.s32 $0xFFFFFD80  }
0x4d: {  	[tilespmem:s21], [sflag:$0x1] =	stream.strided.gather [spmem:s23], $0x280, s17, s16, $0x38;
	[tilespmem:$0x12A00] =	vst v63  }
0x4e: {  	_ =	swait.ge [sflag:s12], $0x280  }
0x4f: {  	[sflag:s12] =	ssyncset.done $0x0  }
0x50: {  	[sflag:s12] =	ssyncadd.s32 $0xFFFFFD80  }
0x51: {  	v2 =	vld [tilespmem:$0xD510]  }
0x52: {  	v9 =	vld [tilespmem:$0xD020]  }
0x53: {  	v10 =	vld [tilespmem:$0xD520]  }
0x54: {  	v11 =	vld [tilespmem:$0xD2A0]  }
0x55: {  	v12 =	vld [tilespmem:$0xD7A0]  }
0x56: {  	v13 =	vld [tilespmem:$0xD030]  }
0x57: {  	v14 =	vld [tilespmem:$0xD530]  }
0x58: {  	v15 =	vld [tilespmem:$0xD2B0]  }
0x59: {  	v16 =	vld [tilespmem:$0xD7B0]  }
0x5a: {  	v17 =	vld [tilespmem:$0xD040]  }
0x5b: {  	v18 =	vld [tilespmem:$0xD540]  }
0x5c: {  	v19 =	vld [tilespmem:$0xD2C0]  }
0x5d: {  	v20 =	vld [tilespmem:$0xD7C0]  }
0x5e: {  	v21 =	vld [tilespmem:$0xD050]  }
0x5f: {  	v22 =	vld [tilespmem:$0xD550]  }
0x60: {  	v23 =	vld [tilespmem:$0xD2D0]  }
0x61: {  	v24 =	vld [tilespmem:$0xD7D0]  }
0x62: {  	v25 =	vld [tilespmem:$0xD060]  }
0x63: {  	v26 =	vld [tilespmem:$0xD560]  }
0x64: {  	v27 =	vld [tilespmem:$0xD2E0]  }
0x65: {  	v28 =	vld [tilespmem:$0xD7E0]  }
0x66: {  	v29 =	vld [tilespmem:$0xD070]  }
0x67: {  	v30 =	vld [tilespmem:$0xD570]  }
0x68: {  	v31 =	vld [tilespmem:$0xD2F0]  }
0x69: {  	v32 =	vld [tilespmem:$0xD7F0]  }
0x6a: {  	v33 =	vld [tilespmem:$0xD080]  }
0x6b: {  	v34 =	vld [tilespmem:$0xD580]  }
0x6c: {  	v35 =	vld [tilespmem:$0xD300]  }
0x6d: {  	v36 =	vld [tilespmem:$0xD800]  }
0x6e: {  	v37 =	vld [tilespmem:$0xD090]  }
0x6f: {  	v38 =	vld [tilespmem:$0xD590]  }
0x70: {  	v39 =	vld [tilespmem:$0xD310]  }
0x71: {  	v40 =	vld [tilespmem:$0xD810]  }
0x72: {  	v41 =	vld [tilespmem:$0xD0A0]  }
0x73: {  	v42 =	vld [tilespmem:$0xD5A0]  }
0x74: {  	v43 =	vld [tilespmem:$0xD320]  }
0x75: {  	v44 =	vld [tilespmem:$0xD820]  }
0x76: {  	v45 =	vld [tilespmem:$0xD0B0]  }
0x77: {  	v46 =	vld [tilespmem:$0xD5B0]  }
0x78: {  	v47 =	vld [tilespmem:$0xD330]  }
0x79: {  	v48 =	vld [tilespmem:$0xD830]  }
0x7a: {  	v49 =	vld [tilespmem:$0xD0C0]  }
0x7b: {  	v50 =	vld [tilespmem:$0xD5C0]  }
0x7c: {  	v51 =	vld [tilespmem:$0xD340]  }
0x7d: {  	v52 =	vld [tilespmem:$0xD840]  }
0x7e: {  	v53 =	vld [tilespmem:$0xD0D0]  }
0x7f: {  	v54 =	vld [tilespmem:$0xD5D0]  }
0x80: {  	v55 =	vld [tilespmem:$0xD350]  }
0x81: {  	v56 =	vld [tilespmem:$0xD850]  }
0x82: {  	v57 =	vld [tilespmem:$0xD0E0]  }
0x83: {  	v58 =	vld [tilespmem:$0xD5E0]  }
0x84: {  	v59 =	vld [tilespmem:$0xD360]  }
0x85: {  	v60 =	vld [tilespmem:$0xD860]  }
0x86: {  	v61 =	vld [tilespmem:$0xD0F0]  }
0x87: {  	v8 =	vld [tilespmem:$0xD390]  }
0x88: {  	v62 =	vld [tilespmem:$0xD5F0]  }
0x89: {  	v63 =	vld [tilespmem:$0xD370]  }
0x8a: {  	v4 =	vld [tilespmem:$0xD100]  }
0x8b: {  	v3 =	vld [tilespmem:$0xD600]  }
0x8c: {  	[tilespmem:$0x1FEA0] =	vst v8;
	v8 =	vld [tilespmem:$0xD890]  }
0x8d: {  	v7 =	vld [tilespmem:$0xD110]  }
0x8e: {  	[tilespmem:$0x1FFE0] =	vst v2;
	v2 =	vld [tilespmem:$0xD9F0]  }
0x8f: {  	v6 =	vld [tilespmem:$0xD380]  }
0x90: {  	v5 =	vld [tilespmem:$0xD880]  }
0x91: {  	[tilespmem:$0x1FEB0] =	vst v8;
	v8 =	vld [tilespmem:$0xD120]  }
0x92: {  	[tilespmem:$0x1FE90] =	vst v7;
	v7 =	vld [tilespmem:$0xD610]  }
0x93: {  	[tilespmem:$0x1FFF0] =	vst v2;
	v2 =	vld [tilespmem:$0xD780]  }
0x94: {  	v9 =	vadd.f32 v10, v9;
	v10 =	vld [tilespmem:$0xD650]  }
0x95: {  	v11 =	vadd.f32 v12, v11;
	v12 =	vld [tilespmem:$0xD3D0]  }
0x96: {  	[tilespmem:$0x1FEC0] =	vst v8;
	v8 =	vld [tilespmem:$0xD620]  }
0x97: {  	v20 =	vadd.f32 v20, v19;
	v19 =	vld [tilespmem:$0xD670]  }
0x98: {  	[tilespmem:$0x1FFC0] =	vst v2;
	v2 =	vld [tilespmem:$0xD9D0]  }
0x99: {  	v22 =	vadd.f32 v22, v21;
	v21 =	vld [tilespmem:$0xD8F0]  }
0x9a: {  	v24 =	vadd.f32 v24, v23;
	v23 =	vld [tilespmem:$0xD680]  }
0x9b: {  	[tilespmem:$0x1FED0] =	vst v8;
	v8 =	vld [tilespmem:$0xD3A0]  }
0x9c: {  	v26 =	vadd.f32 v26, v25;
	v25 =	vld [tilespmem:$0xD900]  }
0x9d: {  	[tilespmem:$0x1FFD0] =	vst v2;
	v2 =	vld [tilespmem:$0xD500]  }
0x9e: {  	v28 =	vadd.f32 v28, v27;
	v27 =	vld [tilespmem:$0xD690]  }
0x9f: {  	v30 =	vadd.f32 v30, v29;
	v29 =	vld [tilespmem:$0xD910]  }
0xa0: {  	[tilespmem:$0x1FEE0] =	vst v8;
	v8 =	vld [tilespmem:$0xD8A0]  }
0xa1: {  	v32 =	vadd.f32 v32, v31;
	v31 =	vld [tilespmem:$0xD6A0]  }
0xa2: {  	[tilespmem:$0x1FFA0] =	vst v2;
	v2 =	vld [tilespmem:$0xD710]  }
0xa3: {  	v34 =	vadd.f32 v34, v33;
	v33 =	vld [tilespmem:$0xD000]  }
0xa4: {  	v36 =	vadd.f32 v36, v35;
	v35 =	vld [tilespmem:$0xD6B0]  }
0xa5: {  	[tilespmem:$0x1FEF0] =	vst v8;
	v8 =	vld [tilespmem:$0xD130]  }
0xa6: {  	v38 =	vadd.f32 v38, v37;
	v37 =	vld [tilespmem:$0xD930]  }
0xa7: {  	[tilespmem:$0x1FFB0] =	vst v2;
	v2 =	vld [tilespmem:$0xD920]  }
0xa8: {  	v3 =	vadd.f32 v3, v4;
	v4 =	vld [tilespmem:$0xD6C0]  }
0xa9: {  	v46 =	vadd.f32 v46, v45;
	v45 =	vld [tilespmem:$0xD950]  }
0xaa: {  	[tilespmem:$0x1FF00] =	vst v8;
	v8 =	vld [tilespmem:$0xD630]  }
0xab: {  	v48 =	vadd.f32 v48, v47;
	v47 =	vld [tilespmem:$0xD1E0]  }
0xac: {  	[tilespmem:$0x1FF90] =	vst v2;
	v2 =	vld [tilespmem:$0xD870]  }
0xad: {  	v50 =	vadd.f32 v50, v49;
	v49 =	vld [tilespmem:$0xD6E0]  }
0xae: {  	v52 =	vadd.f32 v52, v51;
	v51 =	vld [tilespmem:$0xD460]  }
0xaf: {  	[tilespmem:$0x1FF10] =	vst v8;
	v8 =	vld [tilespmem:$0xD3B0]  }
0xb0: {  	v54 =	vadd.f32 v54, v53;
	v53 =	vld [tilespmem:$0xD1F0]  }
0xb1: {  	v56 =	vadd.f32 v56, v55;
	v55 =	vld [tilespmem:$0xD470];
	v2 =	vadd.f32 v2, v63  }
0xb2: {  	v58 =	vadd.f32 v58, v57;
	v57 =	vld [tilespmem:$0xD200]  }
0xb3: {  	v60 =	vadd.f32 v60, v59;
	v59 =	vld [tilespmem:$0xD480];
	[tilespmem:$0xD370] =	vst v2  }
0xb4: {  	v2 =	vadd.f32 v5, v6;
	[tilespmem:$0x1FF20] =	vst v8;
	v8 =	vld [tilespmem:$0xD8B0]  }
0xb5: {  	v42 =	vadd.f32 v42, v41;
	[tilespmem:$0xD020] =	vst v9;
	v41 =	vld [tilespmem:$0x1FEB0]  }
0xb6: {  	[tilespmem:$0xD380] =	vst v2;
	v2 =	vld [tilespmem:$0x1FEA0]  }
0xb7: {  	v40 =	vadd.f32 v40, v39;
	v39 =	vld [tilespmem:$0xD9B0];
	[tilespmem:$0xD2A0] =	vst v11  }
0xb8: {  	v9 =	vadd.f32 v14, v13;
	v13 =	vld [tilespmem:$0xD8D0];
	[tilespmem:$0xD2C0] =	vst v20  }
0xb9: {  	[tilespmem:$0x1FF30] =	vst v8;
	v8 =	vld [tilespmem:$0xD140]  }
0xba: {  	v14 =	vld [tilespmem:$0xD160];
	[tilespmem:$0xD050] =	vst v22  }
0xbb: {  	v11 =	vadd.f32 v16, v15;
	v15 =	vld [tilespmem:$0xD660];
	[tilespmem:$0xD2D0] =	vst v24;
	v2 =	vadd.f32 v41, v2  }
0xbc: {  	v44 =	vadd.f32 v44, v43;
	[tilespmem:$0xD060] =	vst v26;
	v43 =	vld [tilespmem:$0x1FEF0]  }
0xbd: {  	[tilespmem:$0xD390] =	vst v2;
	v2 =	vld [tilespmem:$0x1FEE0]  }
0xbe: {  	[tilespmem:$0x1FF40] =	vst v8;
	v8 =	vld [tilespmem:$0xD640]  }
0xbf: {  	v16 =	vld [tilespmem:$0xD3E0];
	[tilespmem:$0xD2E0] =	vst v28  }
0xc0: {  	v20 =	vld [tilespmem:$0xD3F0];
	[tilespmem:$0xD070] =	vst v30  }
0xc1: {  	v22 =	vld [tilespmem:$0xD180];
	[tilespmem:$0xD2F0] =	vst v32  }
0xc2: {  	[tilespmem:$0xD100] =	vst v3;
	v3 =	vld [tilespmem:$0x1FE90]  }
0xc3: {  	v2 =	vadd.f32 v43, v2;
	[tilespmem:$0x1FF50] =	vst v8;
	v8 =	vld [tilespmem:$0xD3C0]  }
0xc4: {  	[tilespmem:$0xD0B0] =	vst v46;
	v46 =	vld [tilespmem:$0x1FF30]  }
0xc5: {  	[tilespmem:$0xD3A0] =	vst v2;
	v2 =	vld [tilespmem:$0x1FF20]  }
0xc6: {  	v24 =	vld [tilespmem:$0xD400];
	[tilespmem:$0xD080] =	vst v34  }
0xc7: {  	[tilespmem:$0xD300] =	vst v36;
	v26 =	vld [tilespmem:$0xD190]  }
0xc8: {  	v3 =	vadd.f32 v7, v3;
	[tilespmem:$0x1FF60] =	vst v8;
	v8 =	vld [tilespmem:$0xD8C0]  }
0xc9: {  	v28 =	vld [tilespmem:$0xD410];
	[tilespmem:$0xD0A0] =	vst v42  }
0xca: {  	[tilespmem:$0xD110] =	vst v3;
	v3 =	vld [tilespmem:$0x1FEC0];
	v2 =	vadd.f32 v46, v2  }
0xcb: {  	[tilespmem:$0xD320] =	vst v44;
	v42 =	vld [tilespmem:$0x1FED0]  }
0xcc: {  	v30 =	vld [tilespmem:$0xD1A0];
	[tilespmem:$0xD3B0] =	vst v2  }
0xcd: {  	v2 =	vld [tilespmem:$0x1FF60];
	[tilespmem:$0x1FF70] =	vst v8  }
0xce: {  	[tilespmem:$0xD0C0] =	vst v50;
	v50 =	vld [tilespmem:$0x1FF70]  }
0xcf: {  	[tilespmem:$0xD330] =	vst v48;
	v32 =	vld [tilespmem:$0xD420]  }
0xd0: {  	[tilespmem:$0xD340] =	vst v52;
	v34 =	vld [tilespmem:$0xD1B0];
	v3 =	vadd.f32 v42, v3  }
0xd1: {  	[tilespmem:$0xD030] =	vst v9;
	v9 =	vadd.f32 v18, v17;
	v17 =	vld [tilespmem:$0xD8E0]  }
0xd2: {  	[tilespmem:$0xD120] =	vst v3;
	v3 =	vld [tilespmem:$0x1FF00]  }
0xd3: {  	[tilespmem:$0xD0D0] =	vst v54;
	v44 =	vld [tilespmem:$0x1FF10];
	v2 =	vadd.f32 v50, v2  }
0xd4: {  	[tilespmem:$0xD350] =	vst v56;
	v36 =	vld [tilespmem:$0xD430]  }
0xd5: {  	v52 =	vld [tilespmem:$0xD960];
	[tilespmem:$0xD3C0] =	vst v2;
	v2 =	vadd.f32 v13, v12  }
0xd6: {  	[tilespmem:$0xD0E0] =	vst v58;
	v54 =	vld [tilespmem:$0xD6F0]  }
0xd7: {  	v56 =	vld [tilespmem:$0xD970];
	[tilespmem:$0xD3D0] =	vst v2;
	v2 =	vadd.f32 v17, v16  }
0xd8: {  	[tilespmem:$0xD360] =	vst v60;
	v58 =	vld [tilespmem:$0xD700];
	v3 =	vadd.f32 v44, v3  }
0xd9: {  	v60 =	vld [tilespmem:$0xD980];
	[tilespmem:$0xD3E0] =	vst v2;
	v2 =	vadd.f32 v21, v20  }
0xda: {  	[tilespmem:$0xD130] =	vst v3;
	v3 =	vld [tilespmem:$0x1FF40]  }
0xdb: {  	v48 =	vld [tilespmem:$0x1FF50];
	[tilespmem:$0xD3F0] =	vst v2;
	v2 =	vadd.f32 v25, v24  }
0xdc: {  	[tilespmem:$0xD310] =	vst v40;
	v8 =	vld [tilespmem:$0xD150]  }
0xdd: {  	v40 =	vadd.f32 v62, v61;
	v61 =	vld [tilespmem:$0xD210];
	[tilespmem:$0xD400] =	vst v2;
	v2 =	vadd.f32 v29, v28  }
0xde: {  	v62 =	vld [tilespmem:$0xD280]  }
0xdf: {  	[tilespmem:$0xD410] =	vst v2;
	v2 =	vld [tilespmem:$0x1FF90]  }
0xe0: {  	[tilespmem:$0xD2B0] =	vst v11;
	v18 =	vld [tilespmem:$0xD170];
	v3 =	vadd.f32 v48, v3  }
0xe1: {  	v11 =	vld [tilespmem:$0xD1C0];
	[tilespmem:$0x1FF80] =	vst v8  }
0xe2: {  	[tilespmem:$0xD140] =	vst v3;
	v3 =	vld [tilespmem:$0x1FF80]  }
0xe3: {  	[tilespmem:$0xD0F0] =	vst v40;
	v40 =	vld [tilespmem:$0xD240]  }
0xe4: {  	v7 =	vld [tilespmem:$0xD1D0];
	v2 =	vadd.f32 v2, v32  }
0xe5: {  	[tilespmem:$0xD040] =	vst v9;
	v8 =	vld [tilespmem:$0xD6D0]  }
0xe6: {  	v9 =	vld [tilespmem:$0xD450];
	[tilespmem:$0xD420] =	vst v2;
	v2 =	vadd.f32 v35, v34  }
0xe7: {  	[tilespmem:$0xD090] =	vst v38;
	v38 =	vadd.f32 v52, v51;
	v51 =	vld [tilespmem:$0xD260];
	v3 =	vadd.f32 v10, v3  }
0xe8: {  	v42 =	vld [tilespmem:$0xD740];
	[tilespmem:$0xD1B0] =	vst v2;
	v2 =	vadd.f32 v4, v11  }
0xe9: {  	v63 =	vld [tilespmem:$0xD490];
	[tilespmem:$0xD150] =	vst v3;
	v3 =	vadd.f32 v15, v14  }
0xea: {  	v5 =	vld [tilespmem:$0xD440];
	[tilespmem:$0xD1C0] =	vst v2;
	v2 =	vadd.f32 v8, v7  }
0xeb: {  	v6 =	vld [tilespmem:$0xD940];
	[tilespmem:$0xD160] =	vst v3;
	v3 =	vadd.f32 v19, v18  }
0xec: {  	v44 =	vadd.f32 v60, v59;
	v59 =	vld [tilespmem:$0xD790];
	[tilespmem:$0xD1D0] =	vst v2;
	v2 =	vadd.f32 v49, v47  }
0xed: {  	v60 =	vld [tilespmem:$0x1FFE0];
	[tilespmem:$0xD170] =	vst v3;
	v3 =	vadd.f32 v23, v22  }
0xee: {  	v41 =	vadd.f32 v56, v55;
	v56 =	vld [tilespmem:$0xD9E0];
	[tilespmem:$0xD1E0] =	vst v2;
	v2 =	vadd.f32 v54, v53  }
0xef: {  	v43 =	vld [tilespmem:$0xD4C0];
	[tilespmem:$0xD180] =	vst v3;
	v3 =	vadd.f32 v27, v26  }
0xf0: {  	v28 =	vld [tilespmem:$0x1FFA0];
	[tilespmem:$0xD1F0] =	vst v2;
	v2 =	vadd.f32 v58, v57  }
0xf1: {  	v46 =	vld [tilespmem:$0xD250];
	[tilespmem:$0xD190] =	vst v3  }
0xf2: {  	v3 =	vadd.f32 v31, v30;
	[tilespmem:$0xD200] =	vst v2;
	v2 =	vld [tilespmem:$0x1FFB0]  }
0xf3: {  	v48 =	vld [tilespmem:$0xD750]  }
0xf4: {  	[tilespmem:$0xD1A0] =	vst v3;
	v3 =	vld [tilespmem:$0xD990]  }
0xf5: {  	v23 =	vadd.f32 v28, v33;
	v33 =	vld [tilespmem:$0xD9A0]  }
0xf6: {  	v32 =	vld [tilespmem:$0xD4A0]  }
0xf7: {  	[tilespmem:$0xD460] =	vst v38;
	v50 =	vld [tilespmem:$0xD010];
	v2 =	vadd.f32 v2, v61  }
0xf8: {  	v5 =	vadd.f32 v6, v5;
	[tilespmem:$0xD480] =	vst v44;
	v30 =	vadd.f32 v37, v36;
	v37 =	vld [tilespmem:$0xD4B0]  }
0xf9: {  	v29 =	vld [tilespmem:$0xD220];
	[tilespmem:$0xD210] =	vst v2;
	v2 =	vadd.f32 v3, v63  }
0xfa: {  	[tilespmem:$0xD440] =	vst v5;
	v35 =	vadd.f32 v45, v9;
	v45 =	vld [tilespmem:$0xD9C0]  }
0xfb: {  	v31 =	vld [tilespmem:$0xD720];
	[tilespmem:$0xD490] =	vst v2;
	v2 =	vadd.f32 v33, v32  }
0xfc: {  	v55 =	vadd.f32 v42, v40;
	[tilespmem:$0xD470] =	vst v41;
	v36 =	vld [tilespmem:$0xD730]  }
0xfd: {  	v34 =	vld [tilespmem:$0xD230];
	[tilespmem:$0xD4A0] =	vst v2;
	v2 =	vadd.f32 v39, v37  }
0xfe: {  	[tilespmem:$0xD240] =	vst v55;
	v5 =	vadd.f32 v48, v46;
	v47 =	vld [tilespmem:$0x1FFC0]  }
0xff: {  	v53 =	vld [tilespmem:$0xD760];
	[tilespmem:$0xD4B0] =	vst v2;
	v2 =	vadd.f32 v45, v43  }
0x100: {  	[tilespmem:$0xD250] =	vst v5;
	v12 =	vadd.f32 v60, v50;
	v3 =	vld [tilespmem:$0xD4D0]  }
0x101: {  	[tilespmem:$0xD4C0] =	vst v2;
	v2 =	vld [tilespmem:$0x1FFD0]  }
0x102: {  	[tilespmem:$0xD010] =	vst v12;
	v54 =	vld [tilespmem:$0xD4E0]  }
0x103: {  	[tilespmem:$0xD000] =	vst v23;
	v57 =	vld [tilespmem:$0xD270]  }
0x104: {  	[tilespmem:$0xD430] =	vst v30;
	v52 =	vadd.f32 v36, v34;
	v58 =	vld [tilespmem:$0xD770]  }
0x105: {  	[tilespmem:$0xD450] =	vst v35;
	v49 =	vadd.f32 v31, v29;
	v63 =	vld [tilespmem:$0x1FFF0]  }
0x106: {  	[tilespmem:$0xD230] =	vst v52;
	v2 =	vadd.f32 v2, v3;
	v3 =	vld [tilespmem:$0xD4F0]  }
0x107: {  	[tilespmem:$0xD220] =	vst v49;
	v16 =	vadd.f32 v47, v62;
	v61 =	vld [tilespmem:$0xD290]  }
0x108: {  	[tilespmem:$0xD4D0] =	vst v2;
	v2 =	vadd.f32 v53, v51  }
0x109: {  	[tilespmem:$0xD280] =	vst v16;
	v62 =	vadd.f32 v56, v54  }
0x10a: {  	[tilespmem:$0xD260] =	vst v2;
	v2 =	vadd.f32 v58, v57  }
0x10b: {  	[tilespmem:$0xD4E0] =	vst v62;
	v3 =	vadd.f32 v63, v3  }
0x10c: {  	[tilespmem:$0xD270] =	vst v2;
	v2 =	vadd.f32 v59, v61  }
0x10d: {  	s23 =	simm.s32 $0xFFEE8000;
	[tilespmem:$0xD4F0] =	vst v3  }
.LBB2_6:
0x10e: {  	s24 =	sshra.s32 s23, $0x2;
	p0 =	sne.s32 s23, $0xFFFEC000;
	s23 =	sadd.s32 $0x14000, s23;
	[tilespmem:$0xD290] =	vst v2  }
0x10f: {  	s24 =	sadd.s32 s24, s7  }
0x110: {  	s25 =	sadd.s32 $0x50000, s24  }
0x111: {  	[tilespmem:s20], [sflag:$0x1] =	stream.strided.gather [spmem:s25], $0x280, s17, s16, $0x38;
	[tilespmem:$0x12A00] =	vst v63  }
0x112: {  	_ =	swait.ge [sflag:s12], $0x280  }
0x113: {  	[sflag:s12] =	ssyncset.done $0x0  }
0x114: {  	s24 =	sadd.s32 $0x50080, s24;
	[sflag:s12] =	ssyncadd.s32 $0xFFFFFD80  }
0x115: {  	[tilespmem:s21], [sflag:$0x1] =	stream.strided.gather [spmem:s24], $0x280, s17, s16, $0x38;
	[tilespmem:$0x12A00] =	vst v63  }
0x116: {  	_ =	swait.ge [sflag:s12], $0x280  }
0x117: {  	[sflag:s12] =	ssyncset.done $0x0  }
0x118: {  	[sflag:s12] =	ssyncadd.s32 $0xFFFFFD80  }
0x119: {  	v4 =	vld [tilespmem:$0xD510]  }
0x11a: {  	v2 =	vld [tilespmem:$0xD9F0]  }
0x11b: {  	v6 =	vld [tilespmem:$0xD780]  }
0x11c: {  	v5 =	vld [tilespmem:$0xD9D0]  }
0x11d: {  	v8 =	vld [tilespmem:$0xD500]  }
0x11e: {  	v7 =	vld [tilespmem:$0xD710]  }
0x11f: {  	v9 =	vld [tilespmem:$0xD920]  }
0x120: {  	v3 =	vld [tilespmem:$0xD790]  }
0x121: {  	v10 =	vld [tilespmem:$0xD020]  }
0x122: {  	v11 =	vld [tilespmem:$0xD520]  }
0x123: {  	v12 =	vld [tilespmem:$0xD2A0]  }
0x124: {  	v13 =	vld [tilespmem:$0xD7A0]  }
0x125: {  	v14 =	vld [tilespmem:$0xD030]  }
0x126: {  	v15 =	vld [tilespmem:$0xD530]  }
0x127: {  	v10 =	vadd.f32 v11, v10;
	v11 =	vld [tilespmem:$0xD2B0]  }
0x128: {  	v16 =	vld [tilespmem:$0xD7B0]  }
0x129: {  	[tilespmem:$0xD020] =	vst v10;
	v10 =	vadd.f32 v13, v12;
	v12 =	vld [tilespmem:$0xD040]  }
0x12a: {  	v13 =	vld [tilespmem:$0xD540]  }
0x12b: {  	[tilespmem:$0xD2A0] =	vst v10;
	v10 =	vadd.f32 v15, v14;
	v14 =	vld [tilespmem:$0xD2C0]  }
0x12c: {  	v15 =	vld [tilespmem:$0xD7C0]  }
0x12d: {  	[tilespmem:$0xD030] =	vst v10;
	v10 =	vadd.f32 v16, v11;
	v11 =	vld [tilespmem:$0xD050]  }
0x12e: {  	v16 =	vld [tilespmem:$0xD550]  }
0x12f: {  	[tilespmem:$0xD2B0] =	vst v10;
	v10 =	vadd.f32 v13, v12;
	v12 =	vld [tilespmem:$0xD2D0]  }
0x130: {  	v13 =	vld [tilespmem:$0xD7D0]  }
0x131: {  	[tilespmem:$0xD040] =	vst v10;
	v10 =	vadd.f32 v15, v14;
	v14 =	vld [tilespmem:$0xD060]  }
0x132: {  	v15 =	vld [tilespmem:$0xD560]  }
0x133: {  	[tilespmem:$0xD2C0] =	vst v10;
	v10 =	vadd.f32 v16, v11;
	v11 =	vld [tilespmem:$0xD2E0]  }
0x134: {  	v16 =	vld [tilespmem:$0xD7E0]  }
0x135: {  	[tilespmem:$0xD050] =	vst v10;
	v10 =	vadd.f32 v13, v12;
	v12 =	vld [tilespmem:$0xD070]  }
0x136: {  	v13 =	vld [tilespmem:$0xD570]  }
0x137: {  	[tilespmem:$0xD2D0] =	vst v10;
	v10 =	vadd.f32 v15, v14;
	v14 =	vld [tilespmem:$0xD2F0]  }
0x138: {  	v15 =	vld [tilespmem:$0xD7F0]  }
0x139: {  	[tilespmem:$0xD060] =	vst v10;
	v10 =	vadd.f32 v16, v11;
	v11 =	vld [tilespmem:$0xD080]  }
0x13a: {  	v16 =	vld [tilespmem:$0xD580]  }
0x13b: {  	[tilespmem:$0xD2E0] =	vst v10;
	v10 =	vadd.f32 v13, v12;
	v12 =	vld [tilespmem:$0xD300]  }
0x13c: {  	v13 =	vld [tilespmem:$0xD800]  }
0x13d: {  	[tilespmem:$0xD070] =	vst v10;
	v10 =	vadd.f32 v15, v14;
	v14 =	vld [tilespmem:$0xD090]  }
0x13e: {  	v15 =	vld [tilespmem:$0xD590]  }
0x13f: {  	[tilespmem:$0xD2F0] =	vst v10;
	v10 =	vadd.f32 v16, v11;
	v11 =	vld [tilespmem:$0xD310]  }
0x140: {  	v16 =	vld [tilespmem:$0xD810]  }
0x141: {  	[tilespmem:$0xD080] =	vst v10;
	v10 =	vadd.f32 v13, v12;
	v12 =	vld [tilespmem:$0xD0A0]  }
0x142: {  	v13 =	vld [tilespmem:$0xD5A0]  }
0x143: {  	[tilespmem:$0xD300] =	vst v10;
	v10 =	vadd.f32 v15, v14;
	v14 =	vld [tilespmem:$0xD320]  }
0x144: {  	v15 =	vld [tilespmem:$0xD820]  }
0x145: {  	[tilespmem:$0xD090] =	vst v10;
	v10 =	vadd.f32 v16, v11;
	v11 =	vld [tilespmem:$0xD0B0]  }
0x146: {  	v16 =	vld [tilespmem:$0xD5B0]  }
0x147: {  	[tilespmem:$0xD310] =	vst v10;
	v10 =	vadd.f32 v13, v12;
	v12 =	vld [tilespmem:$0xD330]  }
0x148: {  	v13 =	vld [tilespmem:$0xD830]  }
0x149: {  	[tilespmem:$0xD0A0] =	vst v10;
	v10 =	vadd.f32 v15, v14;
	v14 =	vld [tilespmem:$0xD0C0]  }
0x14a: {  	v15 =	vld [tilespmem:$0xD5C0]  }
0x14b: {  	[tilespmem:$0xD320] =	vst v10;
	v10 =	vadd.f32 v16, v11;
	v11 =	vld [tilespmem:$0xD340]  }
0x14c: {  	v16 =	vld [tilespmem:$0xD840]  }
0x14d: {  	[tilespmem:$0xD0B0] =	vst v10;
	v10 =	vadd.f32 v13, v12;
	v12 =	vld [tilespmem:$0xD0D0]  }
0x14e: {  	v13 =	vld [tilespmem:$0xD5D0]  }
0x14f: {  	[tilespmem:$0xD330] =	vst v10;
	v10 =	vadd.f32 v15, v14;
	v14 =	vld [tilespmem:$0xD350]  }
0x150: {  	v15 =	vld [tilespmem:$0xD850]  }
0x151: {  	[tilespmem:$0xD0C0] =	vst v10;
	v10 =	vadd.f32 v16, v11;
	v11 =	vld [tilespmem:$0xD0E0]  }
0x152: {  	v16 =	vld [tilespmem:$0xD5E0]  }
0x153: {  	[tilespmem:$0xD340] =	vst v10;
	v10 =	vadd.f32 v13, v12;
	v12 =	vld [tilespmem:$0xD360]  }
0x154: {  	v13 =	vld [tilespmem:$0xD860]  }
0x155: {  	[tilespmem:$0xD0D0] =	vst v10;
	v10 =	vadd.f32 v15, v14;
	v14 =	vld [tilespmem:$0xD0F0]  }
0x156: {  	v15 =	vld [tilespmem:$0xD5F0]  }
0x157: {  	[tilespmem:$0xD350] =	vst v10;
	v10 =	vadd.f32 v16, v11;
	v11 =	vld [tilespmem:$0xD370]  }
0x158: {  	v16 =	vld [tilespmem:$0xD870]  }
0x159: {  	[tilespmem:$0xD0E0] =	vst v10;
	v10 =	vadd.f32 v13, v12;
	v12 =	vld [tilespmem:$0xD100]  }
0x15a: {  	v13 =	vld [tilespmem:$0xD600]  }
0x15b: {  	[tilespmem:$0xD360] =	vst v10;
	v10 =	vadd.f32 v15, v14;
	v14 =	vld [tilespmem:$0xD380]  }
0x15c: {  	v15 =	vld [tilespmem:$0xD880]  }
0x15d: {  	[tilespmem:$0xD0F0] =	vst v10;
	v10 =	vadd.f32 v16, v11;
	v11 =	vld [tilespmem:$0xD110]  }
0x15e: {  	v16 =	vld [tilespmem:$0xD610]  }
0x15f: {  	[tilespmem:$0xD370] =	vst v10;
	v10 =	vadd.f32 v13, v12;
	v12 =	vld [tilespmem:$0xD390]  }
0x160: {  	v13 =	vld [tilespmem:$0xD890]  }
0x161: {  	[tilespmem:$0xD100] =	vst v10;
	v10 =	vadd.f32 v15, v14;
	v14 =	vld [tilespmem:$0xD120]  }
0x162: {  	v15 =	vld [tilespmem:$0xD620]  }
0x163: {  	[tilespmem:$0xD380] =	vst v10;
	v10 =	vadd.f32 v16, v11;
	v11 =	vld [tilespmem:$0xD3A0]  }
0x164: {  	v16 =	vld [tilespmem:$0xD8A0]  }
0x165: {  	[tilespmem:$0xD110] =	vst v10;
	v10 =	vadd.f32 v13, v12;
	v12 =	vld [tilespmem:$0xD130]  }
0x166: {  	v13 =	vld [tilespmem:$0xD630]  }
0x167: {  	[tilespmem:$0xD390] =	vst v10;
	v10 =	vadd.f32 v15, v14;
	v14 =	vld [tilespmem:$0xD3B0]  }
0x168: {  	v15 =	vld [tilespmem:$0xD8B0]  }
0x169: {  	[tilespmem:$0xD120] =	vst v10;
	v10 =	vadd.f32 v16, v11;
	v11 =	vld [tilespmem:$0xD140]  }
0x16a: {  	v16 =	vld [tilespmem:$0xD640]  }
0x16b: {  	[tilespmem:$0xD3A0] =	vst v10;
	v10 =	vadd.f32 v13, v12;
	v12 =	vld [tilespmem:$0xD3C0]  }
0x16c: {  	v13 =	vld [tilespmem:$0xD8C0]  }
0x16d: {  	[tilespmem:$0xD130] =	vst v10;
	v10 =	vadd.f32 v15, v14;
	v14 =	vld [tilespmem:$0xD150]  }
0x16e: {  	v15 =	vld [tilespmem:$0xD650]  }
0x16f: {  	[tilespmem:$0xD3B0] =	vst v10;
	v10 =	vadd.f32 v16, v11;
	v11 =	vld [tilespmem:$0xD3D0]  }
0x170: {  	v16 =	vld [tilespmem:$0xD8D0]  }
0x171: {  	[tilespmem:$0xD140] =	vst v10;
	v10 =	vadd.f32 v13, v12;
	v12 =	vld [tilespmem:$0xD160]  }
0x172: {  	v13 =	vld [tilespmem:$0xD660]  }
0x173: {  	[tilespmem:$0xD3C0] =	vst v10;
	v10 =	vadd.f32 v15, v14;
	v14 =	vld [tilespmem:$0xD3E0]  }
0x174: {  	v15 =	vld [tilespmem:$0xD8E0]  }
0x175: {  	[tilespmem:$0xD150] =	vst v10;
	v10 =	vadd.f32 v16, v11;
	v11 =	vld [tilespmem:$0xD170]  }
0x176: {  	v16 =	vld [tilespmem:$0xD670]  }
0x177: {  	[tilespmem:$0xD3D0] =	vst v10;
	v10 =	vadd.f32 v13, v12;
	v12 =	vld [tilespmem:$0xD3F0]  }
0x178: {  	v13 =	vld [tilespmem:$0xD8F0]  }
0x179: {  	[tilespmem:$0xD160] =	vst v10;
	v10 =	vadd.f32 v15, v14;
	v14 =	vld [tilespmem:$0xD180]  }
0x17a: {  	v15 =	vld [tilespmem:$0xD680]  }
0x17b: {  	[tilespmem:$0xD3E0] =	vst v10;
	v10 =	vadd.f32 v16, v11;
	v11 =	vld [tilespmem:$0xD400]  }
0x17c: {  	v16 =	vld [tilespmem:$0xD900]  }
0x17d: {  	[tilespmem:$0xD170] =	vst v10;
	v10 =	vadd.f32 v13, v12;
	v12 =	vld [tilespmem:$0xD190]  }
0x17e: {  	v13 =	vld [tilespmem:$0xD690]  }
0x17f: {  	[tilespmem:$0xD3F0] =	vst v10;
	v10 =	vadd.f32 v15, v14;
	v14 =	vld [tilespmem:$0xD410]  }
0x180: {  	v15 =	vld [tilespmem:$0xD910]  }
0x181: {  	[tilespmem:$0xD180] =	vst v10;
	v10 =	vadd.f32 v16, v11;
	v11 =	vld [tilespmem:$0xD1A0]  }
0x182: {  	v16 =	vld [tilespmem:$0xD6A0]  }
0x183: {  	[tilespmem:$0xD400] =	vst v10;
	v10 =	vadd.f32 v13, v12;
	v12 =	vld [tilespmem:$0xD420]  }
0x184: {  	v13 =	vld [tilespmem:$0xD000]  }
0x185: {  	[tilespmem:$0xD190] =	vst v10;
	v10 =	vadd.f32 v15, v14;
	v14 =	vld [tilespmem:$0xD1B0]  }
0x186: {  	v15 =	vld [tilespmem:$0xD6B0]  }
0x187: {  	[tilespmem:$0xD410] =	vst v10;
	v10 =	vadd.f32 v16, v11;
	v11 =	vld [tilespmem:$0xD430]  }
0x188: {  	v9 =	vadd.f32 v9, v12;
	v12 =	vld [tilespmem:$0xD930]  }
0x189: {  	v8 =	vadd.f32 v8, v13;
	[tilespmem:$0xD1A0] =	vst v10;
	v10 =	vld [tilespmem:$0xD1C0]  }
0x18a: {  	[tilespmem:$0xD420] =	vst v9;
	v9 =	vld [tilespmem:$0xD6C0]  }
0x18b: {  	[tilespmem:$0xD000] =	vst v8;
	v8 =	vadd.f32 v15, v14;
	v13 =	vld [tilespmem:$0xD440]  }
0x18c: {  	v14 =	vld [tilespmem:$0xD940]  }
0x18d: {  	[tilespmem:$0xD1B0] =	vst v8;
	v8 =	vadd.f32 v12, v11;
	v11 =	vld [tilespmem:$0xD1D0]  }
0x18e: {  	v12 =	vld [tilespmem:$0xD6D0]  }
0x18f: {  	[tilespmem:$0xD430] =	vst v8;
	v8 =	vadd.f32 v9, v10;
	v9 =	vld [tilespmem:$0xD450]  }
0x190: {  	v10 =	vld [tilespmem:$0xD950]  }
0x191: {  	[tilespmem:$0xD1C0] =	vst v8;
	v8 =	vadd.f32 v14, v13;
	v13 =	vld [tilespmem:$0xD1E0]  }
0x192: {  	v14 =	vld [tilespmem:$0xD6E0]  }
0x193: {  	[tilespmem:$0xD440] =	vst v8;
	v8 =	vadd.f32 v12, v11;
	v11 =	vld [tilespmem:$0xD460]  }
0x194: {  	v12 =	vld [tilespmem:$0xD960]  }
0x195: {  	[tilespmem:$0xD1D0] =	vst v8;
	v8 =	vadd.f32 v10, v9;
	v9 =	vld [tilespmem:$0xD1F0]  }
0x196: {  	v10 =	vld [tilespmem:$0xD6F0]  }
0x197: {  	[tilespmem:$0xD450] =	vst v8;
	v8 =	vadd.f32 v14, v13;
	v13 =	vld [tilespmem:$0xD470]  }
0x198: {  	v14 =	vld [tilespmem:$0xD970]  }
0x199: {  	[tilespmem:$0xD1E0] =	vst v8;
	v8 =	vadd.f32 v12, v11;
	v11 =	vld [tilespmem:$0xD200]  }
0x19a: {  	v12 =	vld [tilespmem:$0xD700]  }
0x19b: {  	[tilespmem:$0xD460] =	vst v8;
	v8 =	vadd.f32 v10, v9;
	v9 =	vld [tilespmem:$0xD480]  }
0x19c: {  	v10 =	vld [tilespmem:$0xD980]  }
0x19d: {  	[tilespmem:$0xD1F0] =	vst v8;
	v8 =	vadd.f32 v14, v13;
	v13 =	vld [tilespmem:$0xD210]  }
0x19e: {  	v14 =	vld [tilespmem:$0xD280]  }
0x19f: {  	[tilespmem:$0xD470] =	vst v8;
	v8 =	vadd.f32 v12, v11;
	v11 =	vld [tilespmem:$0xD490]  }
0x1a0: {  	v12 =	vld [tilespmem:$0xD990]  }
0x1a1: {  	[tilespmem:$0xD200] =	vst v8;
	v8 =	vadd.f32 v10, v9;
	v9 =	vld [tilespmem:$0xD220]  }
0x1a2: {  	v7 =	vadd.f32 v7, v13;
	v10 =	vld [tilespmem:$0xD720]  }
0x1a3: {  	v6 =	vadd.f32 v6, v14;
	[tilespmem:$0xD480] =	vst v8;
	v8 =	vld [tilespmem:$0xD4A0]  }
0x1a4: {  	[tilespmem:$0xD210] =	vst v7;
	v7 =	vld [tilespmem:$0xD9A0]  }
0x1a5: {  	[tilespmem:$0xD280] =	vst v6;
	v6 =	vadd.f32 v12, v11;
	v11 =	vld [tilespmem:$0xD230]  }
0x1a6: {  	v12 =	vld [tilespmem:$0xD730]  }
0x1a7: {  	[tilespmem:$0xD490] =	vst v6;
	v6 =	vadd.f32 v10, v9;
	v9 =	vld [tilespmem:$0xD4B0]  }
0x1a8: {  	v10 =	vld [tilespmem:$0xD9B0]  }
0x1a9: {  	[tilespmem:$0xD220] =	vst v6;
	v6 =	vadd.f32 v7, v8;
	v7 =	vld [tilespmem:$0xD240]  }
0x1aa: {  	v8 =	vld [tilespmem:$0xD740]  }
0x1ab: {  	[tilespmem:$0xD4A0] =	vst v6;
	v6 =	vadd.f32 v12, v11;
	v11 =	vld [tilespmem:$0xD4C0]  }
0x1ac: {  	v12 =	vld [tilespmem:$0xD9C0]  }
0x1ad: {  	[tilespmem:$0xD230] =	vst v6;
	v6 =	vadd.f32 v10, v9;
	v9 =	vld [tilespmem:$0xD250]  }
0x1ae: {  	v10 =	vld [tilespmem:$0xD750]  }
0x1af: {  	[tilespmem:$0xD4B0] =	vst v6;
	v6 =	vadd.f32 v8, v7;
	v7 =	vld [tilespmem:$0xD4D0]  }
0x1b0: {  	v8 =	vld [tilespmem:$0xD010]  }
0x1b1: {  	[tilespmem:$0xD240] =	vst v6;
	v6 =	vadd.f32 v12, v11;
	v11 =	vld [tilespmem:$0xD260]  }
0x1b2: {  	v12 =	vld [tilespmem:$0xD760]  }
0x1b3: {  	[tilespmem:$0xD4C0] =	vst v6;
	v6 =	vadd.f32 v10, v9;
	v9 =	vld [tilespmem:$0xD4E0]  }
0x1b4: {  	v5 =	vadd.f32 v5, v7;
	v7 =	vld [tilespmem:$0xD9E0]  }
0x1b5: {  	v4 =	vadd.f32 v4, v8;
	[tilespmem:$0xD250] =	vst v6;
	v6 =	vld [tilespmem:$0xD270]  }
0x1b6: {  	[tilespmem:$0xD4D0] =	vst v5;
	v5 =	vld [tilespmem:$0xD770]  }
0x1b7: {  	[tilespmem:$0xD010] =	vst v4;
	v4 =	vadd.f32 v12, v11;
	v8 =	vld [tilespmem:$0xD4F0]  }
0x1b8: {  	v10 =	vld [tilespmem:$0xD290]  }
0x1b9: {  	[tilespmem:$0xD260] =	vst v4;
	v4 =	vadd.f32 v7, v9  }
.Ltmp2:
0x1ba: {  	(pc) =	sbr.rel @p0 .LBB2_6-.Ltmp2, $4  }
0x1bb: {  	[tilespmem:$0xD4E0] =	vst v4;
	v4 =	vadd.f32 v5, v6  }
0x1bc: {  	v5 =	vadd.f32 v2, v8  }
0x1bd: {  	v2 =	vadd.f32 v3, v10;
	[tilespmem:$0xD270] =	vst v4  }
0x1be: {  	[tilespmem:$0xD4F0] =	vst v5  }
0x1bf: {  	[tilespmem:$0xD290] =	vst v2  }
0x1c0: {  	[hbm4b:s9+s16] =	stream.strided.scatter [tilespmem:s18], [sflag:$0x1], $0x280, s17, s16, $0x38;
	[tilespmem:$0x12A00] =	vst v63  }
0x1c1: {  	s22 =	sadd.s32 $0x1, s22;
	_ =	swait.ge [sflag:s12], $0x280  }
0x1c2: {  	p0 =	sne.s32 s22, s11;
	[sflag:s12] =	ssyncset.done $0x0  }
.Ltmp3:
0x1c3: {  	[sflag:s12] =	ssyncadd.s32 $0xFFFFFD80;
	(pc) =	sbr.rel @p0 .LBB2_1-.Ltmp3, $4  }
0x1c4: {  	[hbm4b:s10+s16] =	stream.strided.scatter [tilespmem:s19], [sflag:$0x1], $0x280, s17, s16, $0x38;
	[tilespmem:$0x12A00] =	vst v63  }
0x1c5: {  	_ =	swait.ge [sflag:s12], $0x280  }
0x1c6: {  	[sflag:s12] =	ssyncset.done $0x0  }
0x1c7: {  	[sflag:s12] =	ssyncadd.s32 $0xFFFFFD80  }
0x1c8: {  	_ =	sfence.sel $0x180000  }
0x1c9: {  	[bflag:$0x0] =	sbarrier.arrive $0xFFFF  }
0x1ca: {  	p0 =	sne.s32 s1, $0x0;
	_ =	strace $0x90000047  }
0x1cb: {  	s0 =	sadd.s32 @!p0 $0x100000, s0;
	[bflag:$0x2] =	sbarrier.arrive $0xFFFF  }
0x1cc: {  	[sflag:s0] =	ssyncadd.tile.s32 @!p0 $0x1;
	_ =	shalt  }
.Lfunc_end2:
_tile_overlayer_lowered:
.L_overlay_start_2:
0x1cd: {  	(tag) =	ssettag $0x2  }
0x1ce: {  	s0 =	rddreg [dreg:$0x0];
	s2 =	stileid.u32  }
0x1cf: {  	s1 =	rddreg [dreg:$0x1];
	p0 =	sne.s32 s2, $0x0  }
0x1d0: {  	s3 =	rddreg [dreg:$0x2];
	[bflag:$0x3] =	sbarrier.arrive $0xFFFF;
	s2 =	simm.s32 @!p0 $0x1C01  }
0x1d1: {  	[timem:s3], [sflag:s2] =	dma.local @!p0 [hbm:s0], s1  }
0x1d2: {  	s0 =	simm.s32 @!p0 $0x1  }
0x1d3: {  	_ =	swait.ge @!p0 [sflag:s0], s1  }
0x1d4: {  	s1 =	ssub.s32 @!p0 $0x0, s1;
	[sflag:s0] =	ssyncset.done @!p0 $0x0  }
0x1d5: {  	[sflag:s0] =	ssyncadd.s32 @!p0 s1  }
0x1d6: {  	[bflag:$0x3] =	sbarrier.arrive $0xFFFF  }
0x1d7: {  	_ =	shalt  }

</sc_bundles>
